<compile_context>
chip_gen: v7x
topology: tpu7x:2x2x1
jax: 0.10.2.dev20260603
libtpu: 0.0.44.dev20260713+nightly
codegen_flags: <defaults>
</compile_context>

<pallas_src>
import functools

import jax
import jax.numpy as jnp
from jax import lax
from jax.experimental import pallas as pl
from jax.experimental.pallas import tpu as pltpu
from jax.experimental.pallas import tpu_sc as plsc

NC = 2
NS = 16
NW = NC * NS
CHUNK = 128


def _fill_f32(ref, nrows, ncols, value):
    v = jnp.full((16,), value, jnp.float32)

    @pl.loop(0, nrows)
    def _(i):
        for k in range(ncols // 16):
            ref[i, pl.ds(k * 16, 16)] = v


def _make_deg_kernel(N, NACC, K):
    mesh = plsc.VectorSubcoreMesh(core_axis_name="c", subcore_axis_name="s")
    zrows = NACC // NS

    @functools.partial(
        pl.kernel,
        out_type=jax.ShapeDtypeStruct((NC, NACC, 128), jnp.float32),
        mesh=mesh,
        scratch_types=[
            pltpu.VMEM((K, CHUNK), jnp.int32),
            pltpu.VMEM((CHUNK, 128), jnp.float32),
            pltpu.VMEM_SHARED((NACC, 128), jnp.float32),
        ],
    )
    def deg_kernel(dst_hbm, out_hbm, dst_v, ones_v, acc_sh):
        c = lax.axis_index("c")
        s = lax.axis_index("s")
        wid = s * NC + c
        _fill_f32(ones_v, CHUNK, 128, 0.0)
        zb = s * zrows
        for off in range(0, zrows, CHUNK):
            n = min(CHUNK, zrows - off)
            pltpu.sync_copy(ones_v.at[pl.ds(0, n)], acc_sh.at[pl.ds(zb + off, n)])
        _fill_f32(ones_v, CHUNK, 128, 1.0)
        pltpu.sync_copy(dst_hbm.at[wid], dst_v)
        plsc.subcore_barrier()

        @pl.loop(0, K)
        def _(j):
            pltpu.sync_copy(ones_v, acc_sh.at[dst_v.at[j]], add=True)

        plsc.subcore_barrier()
        for off in range(0, zrows, CHUNK):
            n = min(CHUNK, zrows - off)
            pltpu.sync_copy(acc_sh.at[pl.ds(zb + off, n)],
                            out_hbm.at[c, pl.ds(zb + off, n)])

    return deg_kernel


def _make_agg_kernel(N, NACC, K0, K1, D):
    mesh = plsc.VectorSubcoreMesh(core_axis_name="c", subcore_axis_name="s")
    zrows = NACC // NS
    KM = max(K0, K1)

    @functools.partial(
        pl.kernel,
        out_type=jax.ShapeDtypeStruct((NC, NACC, D), jnp.float32),
        mesh=mesh,
        scratch_types=[
            pltpu.VMEM((KM, CHUNK), jnp.int32),
            pltpu.VMEM((KM, CHUNK), jnp.int32),
            pltpu.VMEM((CHUNK, D), jnp.float32),
            pltpu.VMEM_SHARED((NACC, D), jnp.float32),
            pltpu.SemaphoreType.DMA,
        ],
    )
    def agg_kernel(table_hbm, src_hbm, dst_hbm, out_hbm,
                   src_v, dst_v, rows_v, acc_sh, sem):
        c = lax.axis_index("c")
        s = lax.axis_index("s")
        wid = s * NC + c
        _fill_f32(rows_v, CHUNK, D, 0.0)
        zb = s * zrows
        for off in range(0, zrows, CHUNK):
            n = min(CHUNK, zrows - off)
            pltpu.sync_copy(rows_v.at[pl.ds(0, n)], acc_sh.at[pl.ds(zb + off, n)])
        pltpu.sync_copy(src_hbm.at[wid], src_v)
        pltpu.sync_copy(dst_hbm.at[wid], dst_v)
        plsc.subcore_barrier()

        kc = jnp.where(c == 0, K0, K1)

        @pl.loop(0, kc)
        def _(j):
            pltpu.async_copy(table_hbm.at[src_v.at[j]], rows_v, sem).wait()
            pltpu.sync_copy(rows_v, acc_sh.at[dst_v.at[j]], add=True)

        plsc.subcore_barrier()
        for off in range(0, zrows, CHUNK):
            n = min(CHUNK, zrows - off)
            pltpu.sync_copy(acc_sh.at[pl.ds(zb + off, n)],
                            out_hbm.at[c, pl.ds(zb + off, n)])

    return agg_kernel



def _mm_body(x_ref, w_ref, o_ref):
    o_ref[...] = jnp.dot(x_ref[...], w_ref[...],
                         preferred_element_type=jnp.float32)


def _dinv(d0_ref, d1_ref):
    deg = d0_ref[:, :1] + d1_ref[:, :1] + 1.0
    return lax.rsqrt(deg)


def _scale_body(z_ref, d0_ref, d1_ref, o_ref):
    o_ref[...] = z_ref[...] * _dinv(d0_ref, d1_ref)


def _layer2_body(a0_ref, a1_ref, p_ref, d0_ref, d1_ref, w_ref, b_ref, o_ref):
    dinv = _dinv(d0_ref, d1_ref)
    h = (a0_ref[...] + a1_ref[...] + p_ref[...]) * dinv + b_ref[...]
    h = jnp.maximum(h, 0.0)
    o_ref[...] = jnp.dot(h, w_ref[...],
                         preferred_element_type=jnp.float32) * dinv


def _final_body(a0_ref, a1_ref, p_ref, d0_ref, d1_ref, b_ref, o_ref):
    dinv = _dinv(d0_ref, d1_ref)
    o_ref[...] = (a0_ref[...] + a1_ref[...] + p_ref[...]) * dinv + b_ref[...]


def kernel(x, edge_index, W1, b1, W2, b2):
    N, D = x.shape
    E = edge_index.shape[1]
    src = edge_index[0].astype(jnp.int32)
    dst = edge_index[1].astype(jnp.int32)

    per_op = NW * CHUNK
    K = -(-E // per_op)
    padn = K * per_op - E
    NACC = -(-N // (8 * NS)) * (8 * NS) + 8 * NS
    dst3u = jnp.concatenate([dst, jnp.full((padn,), N, jnp.int32)]).reshape(NW, K, CHUNK)

    K0 = max(8, int(round(2 * K * 0.625)))
    K1 = 2 * K - K0
    KM = max(K0, K1)
    cap = NS * (K0 + K1) * CHUNK
    srcp = jnp.concatenate([src, jnp.zeros((cap - E,), jnp.int32)])
    dstp = jnp.concatenate([dst, jnp.full((cap - E,), N, jnp.int32)])
    cut = NS * K0 * CHUNK

    def _slabs(flat, fill):
        a = flat[:cut].reshape(NS, K0, CHUNK)
        a = jnp.concatenate(
            [a, jnp.full((NS, KM - K0, CHUNK), fill, jnp.int32)], axis=1)
        b = flat[cut:].reshape(NS, K1, CHUNK)
        if KM > K1:
            b = jnp.concatenate(
                [b, jnp.full((NS, KM - K1, CHUNK), fill, jnp.int32)], axis=1)
        return jnp.stack([a, b], axis=1).reshape(NW, KM, CHUNK)

    src3 = _slabs(srcp, 0)
    dst3 = _slabs(dstp, N)

    deg_k = _make_deg_kernel(N, NACC, K)
    agg_k = _make_agg_kernel(N, NACC, K0, K1, D)

    degp = deg_k(dst3u)
    d0, d1 = degp[0, :N, :16], degp[1, :N, :16]

    BR = 400
    G = N // BR
    fullW = pl.BlockSpec((D, D), lambda i: (0, 0))
    fullB = pl.BlockSpec((1, D), lambda i: (0, 0))
    rowD = lambda: pl.BlockSpec((BR, D), lambda i: (i, 0))
    rowd = lambda: pl.BlockSpec((BR, 16), lambda i: (i, 0))
    outD = jax.ShapeDtypeStruct((N, D), jnp.float32)
    b1r = b1.reshape(1, D)
    b2r = b2.reshape(1, D)

    z1 = pl.pallas_call(
        _mm_body, grid=(G,),
        in_specs=[rowD(), fullW],
        out_specs=rowD(), out_shape=outD)(x, W1)

    p1 = pl.pallas_call(
        _scale_body, grid=(G,),
        in_specs=[rowD(), rowd(), rowd()],
        out_specs=rowD(), out_shape=outD)(z1, d0, d1)

    a1 = agg_k(p1, src3, dst3)

    p2 = pl.pallas_call(
        _layer2_body, grid=(G,),
        in_specs=[rowD(), rowD(), rowD(), rowd(), rowd(), fullW, fullB],
        out_specs=rowD(), out_shape=outD)(a1[0, :N], a1[1, :N], p1, d0, d1, W2, b1r)

    a2 = agg_k(p2, src3, dst3)

    out = pl.pallas_call(
        _final_body, grid=(G,),
        in_specs=[rowD(), rowD(), rowD(), rowd(), rowd(), fullB],
        out_specs=rowD(), out_shape=outD)(a2[0, :N], a2[1, :N], p2, d0, d1, b2r)

    return out

# --- scband reference (transcript-rebuilt; emitter-appended) ---
"""Pipeline reference for scband-gnn-78288663872123 (READ-ONLY COPY).

The authoritative reference and input builder live on the scoring server;
editing this copy changes nothing except your own understanding.
"""

import jax, jax.numpy as jnp
import numpy as np


def gcn_conv(x, edge_index, W, b):
    # Faithful GCNConv (PyG): add self-loops, symmetric normalization,
    # linear transform, scatter-add aggregation at dst, bias.
    N = x.shape[0]
    loop = jnp.arange(N, dtype=edge_index.dtype)
    src = jnp.concatenate([edge_index[0], loop])
    dst = jnp.concatenate([edge_index[1], loop])
    ew = jnp.ones(src.shape[0], dtype=x.dtype)
    deg = jax.ops.segment_sum(ew, dst, num_segments=N)
    dinv = jnp.where(deg > 0, jax.lax.rsqrt(deg), 0.0)
    norm = dinv[src] * dinv[dst]
    h = x @ W
    msg = h[src] * norm[:, None]
    out = jax.ops.segment_sum(msg, dst, num_segments=N)
    return out + b


def setup_inputs(seed: int = 0) -> dict:
    key = jax.random.key(seed)
    k_x, k_e, k_w1, k_w2 = jax.random.split(key, 4)
    N, E = 10000, 320000
    d_in, d_hid, d_out = 128, 128, 128
    x = jax.random.normal(k_x, (N, d_in), dtype=jnp.float32)
    edge_index = jax.random.randint(k_e, (2, E), 0, N, dtype=jnp.int64)
    W1 = jax.random.normal(k_w1, (d_in, d_hid), dtype=jnp.float32) / np.sqrt(d_in)
    b1 = jnp.zeros((d_hid,), dtype=jnp.float32)
    W2 = jax.random.normal(k_w2, (d_hid, d_out), dtype=jnp.float32) / np.sqrt(d_hid)
    b2 = jnp.zeros((d_out,), dtype=jnp.float32)
    return {"x": x, "edge_index": edge_index, "W1": W1, "b1": b1, "W2": W2, "b2": b2}


def reference(x, edge_index, W1, b1, W2, b2):
    h = gcn_conv(x, edge_index, W1, b1)
    h = jax.nn.relu(h)
    out = gcn_conv(h, edge_index, W2, b2)
    return out

if __name__ == "__main__":
    import jax
    _d = setup_inputs()
    print(jax.jit(kernel)(*tuple(_d.values())))

</pallas_src>

<mosaic_0001>
#map = affine_map<(d0, d1) -> (0, 0, 0)>
module attributes {stable_mosaic.version = 14 : i64} {
  func.func @deg_kernel(%arg0: i32, %arg1: i32, %arg2: memref<32x79x128xi32, #tpu.memory_space<hbm>>, %arg3: memref<2x10240x128xf32, #tpu.memory_space<hbm>>, %arg4: memref<79x128xi32, #tpu.memory_space<vmem>>, %arg5: memref<128x128xf32, #tpu.memory_space<vmem>>, %arg6: memref<10240x128xf32, #tpu.memory_space<vmem_shared>>) attributes {dimension_semantics = [#tpu.dimension_semantics<core_parallel>, #tpu.dimension_semantics<subcore_parallel>], iteration_bounds = array<i64: 2, 16>, scalar_prefetch = 0 : i64, scratch_operands = 3 : i64, tpu.core_type = #tpu.core_type<sc_vector_subcore>, window_params = [{transform_indices = #map}, {transform_indices = #map}]} {
    %mul3A = arith.constant 2 : i32
    %mul3A_0 = arith.muli %arg1, %mul3A : i32
    %add3A = arith.addi %mul3A_0, %arg0 : i32
    %broadcast_in_dim3A = arith.constant 0.000000e+00 : f32
    %broadcast_in_dim3A_1 = vector.broadcast %broadcast_in_dim3A : f32 to vector<16xf32>
    %scan3A = arith.constant 0 : i32
    %scan3A_2 = arith.constant 128 : i32
    %scan3A_3 = arith.addi %scan3A, %scan3A_2 : i32
    %scan3A_4 = arith.constant 1 : i32
    scf.for %scan3A_51 = %scan3A to %scan3A_3 step %scan3A_4  : i32 {
      %mul3A_52 = arith.constant 1 : i32
      %mul3A_53 = arith.muli %scan3A_51, %mul3A_52 : i32
      %add3A_54 = arith.constant 0 : i32
      %add3A_55 = arith.addi %add3A_54, %mul3A_53 : i32
      %swap3A = arith.index_cast %add3A_55 : i32 to index
      %swap3A_56 = arith.constant 0 : index
      %swap3A_57 = tpu.vector_load %arg5[%swap3A, %swap3A_56] {strides = array<i32>} : memref<128x128xf32, #tpu.memory_space<vmem>>, vector<1x16xf32>,
      %swap3A_58 = vector.shape_cast %swap3A_57 : vector<1x16xf32> to vector<16xf32>
      %swap3A_59 = vector.shape_cast %broadcast_in_dim3A_1 : vector<16xf32> to vector<1x16xf32>
      tpu.vector_store %arg5[%swap3A, %swap3A_56], %swap3A_59 {strides = array<i32>} : memref<128x128xf32, #tpu.memory_space<vmem>>, vector<1x16xf32>,
      %swap3A_60 = arith.index_cast %add3A_55 : i32 to index
      %swap3A_61 = arith.constant 16 : index
      %swap3A_62 = tpu.vector_load %arg5[%swap3A_60, %swap3A_61] {strides = array<i32>} : memref<128x128xf32, #tpu.memory_space<vmem>>, vector<1x16xf32>,
      %swap3A_63 = vector.shape_cast %swap3A_62 : vector<1x16xf32> to vector<16xf32>
      %swap3A_64 = vector.shape_cast %broadcast_in_dim3A_1 : vector<16xf32> to vector<1x16xf32>
      tpu.vector_store %arg5[%swap3A_60, %swap3A_61], %swap3A_64 {strides = array<i32>} : memref<128x128xf32, #tpu.memory_space<vmem>>, vector<1x16xf32>,
      %swap3A_65 = arith.index_cast %add3A_55 : i32 to index
      %swap3A_66 = arith.constant 32 : index
      %swap3A_67 = tpu.vector_load %arg5[%swap3A_65, %swap3A_66] {strides = array<i32>} : memref<128x128xf32, #tpu.memory_space<vmem>>, vector<1x16xf32>,
      %swap3A_68 = vector.shape_cast %swap3A_67 : vector<1x16xf32> to vector<16xf32>
      %swap3A_69 = vector.shape_cast %broadcast_in_dim3A_1 : vector<16xf32> to vector<1x16xf32>
      tpu.vector_store %arg5[%swap3A_65, %swap3A_66], %swap3A_69 {strides = array<i32>} : memref<128x128xf32, #tpu.memory_space<vmem>>, vector<1x16xf32>,
      %swap3A_70 = arith.index_cast %add3A_55 : i32 to index
      %swap3A_71 = arith.constant 48 : index
      %swap3A_72 = tpu.vector_load %arg5[%swap3A_70, %swap3A_71] {strides = array<i32>} : memref<128x128xf32, #tpu.memory_space<vmem>>, vector<1x16xf32>,
      %swap3A_73 = vector.shape_cast %swap3A_72 : vector<1x16xf32> to vector<16xf32>
      %swap3A_74 = vector.shape_cast %broadcast_in_dim3A_1 : vector<16xf32> to vector<1x16xf32>
      tpu.vector_store %arg5[%swap3A_70, %swap3A_71], %swap3A_74 {strides = array<i32>} : memref<128x128xf32, #tpu.memory_space<vmem>>, vector<1x16xf32>,
      %swap3A_75 = arith.index_cast %add3A_55 : i32 to index
      %swap3A_76 = arith.constant 64 : index
      %swap3A_77 = tpu.vector_load %arg5[%swap3A_75, %swap3A_76] {strides = array<i32>} : memref<128x128xf32, #tpu.memory_space<vmem>>, vector<1x16xf32>,
      %swap3A_78 = vector.shape_cast %swap3A_77 : vector<1x16xf32> to vector<16xf32>
      %swap3A_79 = vector.shape_cast %broadcast_in_dim3A_1 : vector<16xf32> to vector<1x16xf32>
      tpu.vector_store %arg5[%swap3A_75, %swap3A_76], %swap3A_79 {strides = array<i32>} : memref<128x128xf32, #tpu.memory_space<vmem>>, vector<1x16xf32>,
      %swap3A_80 = arith.index_cast %add3A_55 : i32 to index
      %swap3A_81 = arith.constant 80 : index
      %swap3A_82 = tpu.vector_load %arg5[%swap3A_80, %swap3A_81] {strides = array<i32>} : memref<128x128xf32, #tpu.memory_space<vmem>>, vector<1x16xf32>,
      %swap3A_83 = vector.shape_cast %swap3A_82 : vector<1x16xf32> to vector<16xf32>
      %swap3A_84 = vector.shape_cast %broadcast_in_dim3A_1 : vector<16xf32> to vector<1x16xf32>
      tpu.vector_store %arg5[%swap3A_80, %swap3A_81], %swap3A_84 {strides = array<i32>} : memref<128x128xf32, #tpu.memory_space<vmem>>, vector<1x16xf32>,
      %swap3A_85 = arith.index_cast %add3A_55 : i32 to index
      %swap3A_86 = arith.constant 96 : index
      %swap3A_87 = tpu.vector_load %arg5[%swap3A_85, %swap3A_86] {strides = array<i32>} : memref<128x128xf32, #tpu.memory_space<vmem>>, vector<1x16xf32>,
      %swap3A_88 = vector.shape_cast %swap3A_87 : vector<1x16xf32> to vector<16xf32>
      %swap3A_89 = vector.shape_cast %broadcast_in_dim3A_1 : vector<16xf32> to vector<1x16xf32>
      tpu.vector_store %arg5[%swap3A_85, %swap3A_86], %swap3A_89 {strides = array<i32>} : memref<128x128xf32, #tpu.memory_space<vmem>>, vector<1x16xf32>,
      %swap3A_90 = arith.index_cast %add3A_55 : i32 to index
      %swap3A_91 = arith.constant 112 : index
      %swap3A_92 = tpu.vector_load %arg5[%swap3A_90, %swap3A_91] {strides = array<i32>} : memref<128x128xf32, #tpu.memory_space<vmem>>, vector<1x16xf32>,
      %swap3A_93 = vector.shape_cast %swap3A_92 : vector<1x16xf32> to vector<16xf32>
      %swap3A_94 = vector.shape_cast %broadcast_in_dim3A_1 : vector<16xf32> to vector<1x16xf32>
      tpu.vector_store %arg5[%swap3A_90, %swap3A_91], %swap3A_94 {strides = array<i32>} : memref<128x128xf32, #tpu.memory_space<vmem>>, vector<1x16xf32>,
    }
    %scan3A_5 = arith.constant 128 : i32
    %mul3A_6 = arith.constant 640 : i32
    %mul3A_7 = arith.muli %arg1, %mul3A_6 : i32
    %add3A_8 = arith.constant 0 : i32
    %add3A_9 = arith.addi %mul3A_7, %add3A_8 : i32
    "tpu.region"() ({
      %run_scoped3A = tpu.sem_alloc : memref<!tpu.dma_semaphore, #tpu.memory_space<semaphore_mem>>
      %dma_start3A = arith.constant 0 : i32
      %dma_start3A_51 = arith.constant 0 : i32
      %dma_start3A_52 = tpu.memref_slice %arg5[%dma_start3A, %dma_start3A_51] : memref<128x128xf32, #tpu.memory_space<vmem>> -> memref<128x128xf32, #tpu.memory_space<vmem>>
      %dma_start3A_53 = arith.constant 0 : i32
      %dma_start3A_54 = tpu.memref_slice %arg6[%add3A_9, %dma_start3A_53] : memref<10240x128xf32, #tpu.memory_space<vmem_shared>> -> memref<128x128xf32, #tpu.memory_space<vmem_shared>>
      %dma_start3A_55 = arith.constant 0 : i32
      %dma_start3A_56 = tpu.memref_slice %arg6[%add3A_9, %dma_start3A_55] : memref<10240x128xf32, #tpu.memory_space<vmem_shared>> -> memref<128x128xf32, #tpu.memory_space<vmem_shared>>
      %dma_start3A_57 = arith.constant 0 : i32
      %dma_start3A_58 = arith.constant 0 : i32
      %dma_start3A_59 = tpu.memref_slice %arg5[%dma_start3A_57, %dma_start3A_58] : memref<128x128xf32, #tpu.memory_space<vmem>> -> memref<128x128xf32, #tpu.memory_space<vmem>>
      tpu.enqueue_dma source(%dma_start3A_59 : memref<128x128xf32, #tpu.memory_space<vmem>>) target(%dma_start3A_56 : memref<128x128xf32, #tpu.memory_space<vmem_shared>>) target_semaphore(%run_scoped3A : memref<!tpu.dma_semaphore, #tpu.memory_space<semaphore_mem>>)
      %dma_wait3A = arith.constant 0 : i32
      %dma_wait3A_60 = arith.constant 0 : i32
      %dma_wait3A_61 = tpu.memref_slice %arg5[%dma_wait3A, %dma_wait3A_60] : memref<128x128xf32, #tpu.memory_space<vmem>> -> memref<128x128xf32, #tpu.memory_space<vmem>>
      %dma_wait3A_62 = arith.constant 0 : i32
      %dma_wait3A_63 = tpu.memref_slice %arg6[%add3A_9, %dma_wait3A_62] : memref<10240x128xf32, #tpu.memory_space<vmem_shared>> -> memref<128x128xf32, #tpu.memory_space<vmem_shared>>
      %dma_wait3A_64 = arith.constant 0 : i32
      %dma_wait3A_65 = tpu.memref_slice %arg6[%add3A_9, %dma_wait3A_64] : memref<10240x128xf32, #tpu.memory_space<vmem_shared>> -> memref<128x128xf32, #tpu.memory_space<vmem_shared>>
      %dma_wait3A_66 = arith.constant 0 : i32
      %dma_wait3A_67 = arith.constant 0 : i32
      %dma_wait3A_68 = tpu.memref_slice %arg5[%dma_wait3A_66, %dma_wait3A_67] : memref<128x128xf32, #tpu.memory_space<vmem>> -> memref<128x128xf32, #tpu.memory_space<vmem>>
      tpu.wait_dma2 semaphore(%run_scoped3A : memref<!tpu.dma_semaphore, #tpu.memory_space<semaphore_mem>>) src(%dma_wait3A_68 : memref<128x128xf32, #tpu.memory_space<vmem>>) dst(%dma_wait3A_65 : memref<128x128xf32, #tpu.memory_space<vmem_shared>>)
      tpu.yield
    }) : () -> ()
    %add3A_10 = arith.constant 128 : i32
    %add3A_11 = arith.addi %mul3A_7, %add3A_10 : i32
    "tpu.region"() ({
      %run_scoped3A = tpu.sem_alloc : memref<!tpu.dma_semaphore, #tpu.memory_space<semaphore_mem>>
      %dma_start3A = arith.constant 0 : i32
      %dma_start3A_51 = arith.constant 0 : i32
      %dma_start3A_52 = tpu.memref_slice %arg5[%dma_start3A, %dma_start3A_51] : memref<128x128xf32, #tpu.memory_space<vmem>> -> memref<128x128xf32, #tpu.memory_space<vmem>>
      %dma_start3A_53 = arith.constant 0 : i32
      %dma_start3A_54 = tpu.memref_slice %arg6[%add3A_11, %dma_start3A_53] : memref<10240x128xf32, #tpu.memory_space<vmem_shared>> -> memref<128x128xf32, #tpu.memory_space<vmem_shared>>
      %dma_start3A_55 = arith.constant 0 : i32
      %dma_start3A_56 = tpu.memref_slice %arg6[%add3A_11, %dma_start3A_55] : memref<10240x128xf32, #tpu.memory_space<vmem_shared>> -> memref<128x128xf32, #tpu.memory_space<vmem_shared>>
      %dma_start3A_57 = arith.constant 0 : i32
      %dma_start3A_58 = arith.constant 0 : i32
      %dma_start3A_59 = tpu.memref_slice %arg5[%dma_start3A_57, %dma_start3A_58] : memref<128x128xf32, #tpu.memory_space<vmem>> -> memref<128x128xf32, #tpu.memory_space<vmem>>
      tpu.enqueue_dma source(%dma_start3A_59 : memref<128x128xf32, #tpu.memory_space<vmem>>) target(%dma_start3A_56 : memref<128x128xf32, #tpu.memory_space<vmem_shared>>) target_semaphore(%run_scoped3A : memref<!tpu.dma_semaphore, #tpu.memory_space<semaphore_mem>>)
      %dma_wait3A = arith.constant 0 : i32
      %dma_wait3A_60 = arith.constant 0 : i32
      %dma_wait3A_61 = tpu.memref_slice %arg5[%dma_wait3A, %dma_wait3A_60] : memref<128x128xf32, #tpu.memory_space<vmem>> -> memref<128x128xf32, #tpu.memory_space<vmem>>
      %dma_wait3A_62 = arith.constant 0 : i32
      %dma_wait3A_63 = tpu.memref_slice %arg6[%add3A_11, %dma_wait3A_62] : memref<10240x128xf32, #tpu.memory_space<vmem_shared>> -> memref<128x128xf32, #tpu.memory_space<vmem_shared>>
      %dma_wait3A_64 = arith.constant 0 : i32
      %dma_wait3A_65 = tpu.memref_slice %arg6[%add3A_11, %dma_wait3A_64] : memref<10240x128xf32, #tpu.memory_space<vmem_shared>> -> memref<128x128xf32, #tpu.memory_space<vmem_shared>>
      %dma_wait3A_66 = arith.constant 0 : i32
      %dma_wait3A_67 = arith.constant 0 : i32
      %dma_wait3A_68 = tpu.memref_slice %arg5[%dma_wait3A_66, %dma_wait3A_67] : memref<128x128xf32, #tpu.memory_space<vmem>> -> memref<128x128xf32, #tpu.memory_space<vmem>>
      tpu.wait_dma2 semaphore(%run_scoped3A : memref<!tpu.dma_semaphore, #tpu.memory_space<semaphore_mem>>) src(%dma_wait3A_68 : memref<128x128xf32, #tpu.memory_space<vmem>>) dst(%dma_wait3A_65 : memref<128x128xf32, #tpu.memory_space<vmem_shared>>)
      tpu.yield
    }) : () -> ()
    %add3A_12 = arith.constant 256 : i32
    %add3A_13 = arith.addi %mul3A_7, %add3A_12 : i32
    "tpu.region"() ({
      %run_scoped3A = tpu.sem_alloc : memref<!tpu.dma_semaphore, #tpu.memory_space<semaphore_mem>>
      %dma_start3A = arith.constant 0 : i32
      %dma_start3A_51 = arith.constant 0 : i32
      %dma_start3A_52 = tpu.memref_slice %arg5[%dma_start3A, %dma_start3A_51] : memref<128x128xf32, #tpu.memory_space<vmem>> -> memref<128x128xf32, #tpu.memory_space<vmem>>
      %dma_start3A_53 = arith.constant 0 : i32
      %dma_start3A_54 = tpu.memref_slice %arg6[%add3A_13, %dma_start3A_53] : memref<10240x128xf32, #tpu.memory_space<vmem_shared>> -> memref<128x128xf32, #tpu.memory_space<vmem_shared>>
      %dma_start3A_55 = arith.constant 0 : i32
      %dma_start3A_56 = tpu.memref_slice %arg6[%add3A_13, %dma_start3A_55] : memref<10240x128xf32, #tpu.memory_space<vmem_shared>> -> memref<128x128xf32, #tpu.memory_space<vmem_shared>>
      %dma_start3A_57 = arith.constant 0 : i32
      %dma_start3A_58 = arith.constant 0 : i32
      %dma_start3A_59 = tpu.memref_slice %arg5[%dma_start3A_57, %dma_start3A_58] : memref<128x128xf32, #tpu.memory_space<vmem>> -> memref<128x128xf32, #tpu.memory_space<vmem>>
      tpu.enqueue_dma source(%dma_start3A_59 : memref<128x128xf32, #tpu.memory_space<vmem>>) target(%dma_start3A_56 : memref<128x128xf32, #tpu.memory_space<vmem_shared>>) target_semaphore(%run_scoped3A : memref<!tpu.dma_semaphore, #tpu.memory_space<semaphore_mem>>)
      %dma_wait3A = arith.constant 0 : i32
      %dma_wait3A_60 = arith.constant 0 : i32
      %dma_wait3A_61 = tpu.memref_slice %arg5[%dma_wait3A, %dma_wait3A_60] : memref<128x128xf32, #tpu.memory_space<vmem>> -> memref<128x128xf32, #tpu.memory_space<vmem>>
      %dma_wait3A_62 = arith.constant 0 : i32
      %dma_wait3A_63 = tpu.memref_slice %arg6[%add3A_13, %dma_wait3A_62] : memref<10240x128xf32, #tpu.memory_space<vmem_shared>> -> memref<128x128xf32, #tpu.memory_space<vmem_shared>>
      %dma_wait3A_64 = arith.constant 0 : i32
      %dma_wait3A_65 = tpu.memref_slice %arg6[%add3A_13, %dma_wait3A_64] : memref<10240x128xf32, #tpu.memory_space<vmem_shared>> -> memref<128x128xf32, #tpu.memory_space<vmem_shared>>
      %dma_wait3A_66 = arith.constant 0 : i32
      %dma_wait3A_67 = arith.constant 0 : i32
      %dma_wait3A_68 = tpu.memref_slice %arg5[%dma_wait3A_66, %dma_wait3A_67] : memref<128x128xf32, #tpu.memory_space<vmem>> -> memref<128x128xf32, #tpu.memory_space<vmem>>
      tpu.wait_dma2 semaphore(%run_scoped3A : memref<!tpu.dma_semaphore, #tpu.memory_space<semaphore_mem>>) src(%dma_wait3A_68 : memref<128x128xf32, #tpu.memory_space<vmem>>) dst(%dma_wait3A_65 : memref<128x128xf32, #tpu.memory_space<vmem_shared>>)
      tpu.yield
    }) : () -> ()
    %add3A_14 = arith.constant 384 : i32
    %add3A_15 = arith.addi %mul3A_7, %add3A_14 : i32
    "tpu.region"() ({
      %run_scoped3A = tpu.sem_alloc : memref<!tpu.dma_semaphore, #tpu.memory_space<semaphore_mem>>
      %dma_start3A = arith.constant 0 : i32
      %dma_start3A_51 = arith.constant 0 : i32
      %dma_start3A_52 = tpu.memref_slice %arg5[%dma_start3A, %dma_start3A_51] : memref<128x128xf32, #tpu.memory_space<vmem>> -> memref<128x128xf32, #tpu.memory_space<vmem>>
      %dma_start3A_53 = arith.constant 0 : i32
      %dma_start3A_54 = tpu.memref_slice %arg6[%add3A_15, %dma_start3A_53] : memref<10240x128xf32, #tpu.memory_space<vmem_shared>> -> memref<128x128xf32, #tpu.memory_space<vmem_shared>>
      %dma_start3A_55 = arith.constant 0 : i32
      %dma_start3A_56 = tpu.memref_slice %arg6[%add3A_15, %dma_start3A_55] : memref<10240x128xf32, #tpu.memory_space<vmem_shared>> -> memref<128x128xf32, #tpu.memory_space<vmem_shared>>
      %dma_start3A_57 = arith.constant 0 : i32
      %dma_start3A_58 = arith.constant 0 : i32
      %dma_start3A_59 = tpu.memref_slice %arg5[%dma_start3A_57, %dma_start3A_58] : memref<128x128xf32, #tpu.memory_space<vmem>> -> memref<128x128xf32, #tpu.memory_space<vmem>>
      tpu.enqueue_dma source(%dma_start3A_59 : memref<128x128xf32, #tpu.memory_space<vmem>>) target(%dma_start3A_56 : memref<128x128xf32, #tpu.memory_space<vmem_shared>>) target_semaphore(%run_scoped3A : memref<!tpu.dma_semaphore, #tpu.memory_space<semaphore_mem>>)
      %dma_wait3A = arith.constant 0 : i32
      %dma_wait3A_60 = arith.constant 0 : i32
      %dma_wait3A_61 = tpu.memref_slice %arg5[%dma_wait3A, %dma_wait3A_60] : memref<128x128xf32, #tpu.memory_space<vmem>> -> memref<128x128xf32, #tpu.memory_space<vmem>>
      %dma_wait3A_62 = arith.constant 0 : i32
      %dma_wait3A_63 = tpu.memref_slice %arg6[%add3A_15, %dma_wait3A_62] : memref<10240x128xf32, #tpu.memory_space<vmem_shared>> -> memref<128x128xf32, #tpu.memory_space<vmem_shared>>
      %dma_wait3A_64 = arith.constant 0 : i32
      %dma_wait3A_65 = tpu.memref_slice %arg6[%add3A_15, %dma_wait3A_64] : memref<10240x128xf32, #tpu.memory_space<vmem_shared>> -> memref<128x128xf32, #tpu.memory_space<vmem_shared>>
      %dma_wait3A_66 = arith.constant 0 : i32
      %dma_wait3A_67 = arith.constant 0 : i32
      %dma_wait3A_68 = tpu.memref_slice %arg5[%dma_wait3A_66, %dma_wait3A_67] : memref<128x128xf32, #tpu.memory_space<vmem>> -> memref<128x128xf32, #tpu.memory_space<vmem>>
      tpu.wait_dma2 semaphore(%run_scoped3A : memref<!tpu.dma_semaphore, #tpu.memory_space<semaphore_mem>>) src(%dma_wait3A_68 : memref<128x128xf32, #tpu.memory_space<vmem>>) dst(%dma_wait3A_65 : memref<128x128xf32, #tpu.memory_space<vmem_shared>>)
      tpu.yield
    }) : () -> ()
    %add3A_16 = arith.constant 512 : i32
    %add3A_17 = arith.addi %mul3A_7, %add3A_16 : i32
    "tpu.region"() ({
      %run_scoped3A = tpu.sem_alloc : memref<!tpu.dma_semaphore, #tpu.memory_space<semaphore_mem>>
      %dma_start3A = arith.constant 0 : i32
      %dma_start3A_51 = arith.constant 0 : i32
      %dma_start3A_52 = tpu.memref_slice %arg5[%dma_start3A, %dma_start3A_51] : memref<128x128xf32, #tpu.memory_space<vmem>> -> memref<128x128xf32, #tpu.memory_space<vmem>>
      %dma_start3A_53 = arith.constant 0 : i32
      %dma_start3A_54 = tpu.memref_slice %arg6[%add3A_17, %dma_start3A_53] : memref<10240x128xf32, #tpu.memory_space<vmem_shared>> -> memref<128x128xf32, #tpu.memory_space<vmem_shared>>
      %dma_start3A_55 = arith.constant 0 : i32
      %dma_start3A_56 = tpu.memref_slice %arg6[%add3A_17, %dma_start3A_55] : memref<10240x128xf32, #tpu.memory_space<vmem_shared>> -> memref<128x128xf32, #tpu.memory_space<vmem_shared>>
      %dma_start3A_57 = arith.constant 0 : i32
      %dma_start3A_58 = arith.constant 0 : i32
      %dma_start3A_59 = tpu.memref_slice %arg5[%dma_start3A_57, %dma_start3A_58] : memref<128x128xf32, #tpu.memory_space<vmem>> -> memref<128x128xf32, #tpu.memory_space<vmem>>
      tpu.enqueue_dma source(%dma_start3A_59 : memref<128x128xf32, #tpu.memory_space<vmem>>) target(%dma_start3A_56 : memref<128x128xf32, #tpu.memory_space<vmem_shared>>) target_semaphore(%run_scoped3A : memref<!tpu.dma_semaphore, #tpu.memory_space<semaphore_mem>>)
      %dma_wait3A = arith.constant 0 : i32
      %dma_wait3A_60 = arith.constant 0 : i32
      %dma_wait3A_61 = tpu.memref_slice %arg5[%dma_wait3A, %dma_wait3A_60] : memref<128x128xf32, #tpu.memory_space<vmem>> -> memref<128x128xf32, #tpu.memory_space<vmem>>
      %dma_wait3A_62 = arith.constant 0 : i32
      %dma_wait3A_63 = tpu.memref_slice %arg6[%add3A_17, %dma_wait3A_62] : memref<10240x128xf32, #tpu.memory_space<vmem_shared>> -> memref<128x128xf32, #tpu.memory_space<vmem_shared>>
      %dma_wait3A_64 = arith.constant 0 : i32
      %dma_wait3A_65 = tpu.memref_slice %arg6[%add3A_17, %dma_wait3A_64] : memref<10240x128xf32, #tpu.memory_space<vmem_shared>> -> memref<128x128xf32, #tpu.memory_space<vmem_shared>>
      %dma_wait3A_66 = arith.constant 0 : i32
      %dma_wait3A_67 = arith.constant 0 : i32
      %dma_wait3A_68 = tpu.memref_slice %arg5[%dma_wait3A_66, %dma_wait3A_67] : memref<128x128xf32, #tpu.memory_space<vmem>> -> memref<128x128xf32, #tpu.memory_space<vmem>>
      tpu.wait_dma2 semaphore(%run_scoped3A : memref<!tpu.dma_semaphore, #tpu.memory_space<semaphore_mem>>) src(%dma_wait3A_68 : memref<128x128xf32, #tpu.memory_space<vmem>>) dst(%dma_wait3A_65 : memref<128x128xf32, #tpu.memory_space<vmem_shared>>)
      tpu.yield
    }) : () -> ()
    %broadcast_in_dim3A_18 = arith.constant 1.000000e+00 : f32
    %broadcast_in_dim3A_19 = vector.broadcast %broadcast_in_dim3A_18 : f32 to vector<16xf32>
    %scan3A_20 = arith.constant 0 : i32
    %scan3A_21 = arith.constant 128 : i32
    %scan3A_22 = arith.addi %scan3A_20, %scan3A_21 : i32
    %scan3A_23 = arith.constant 1 : i32
    scf.for %scan3A_51 = %scan3A_20 to %scan3A_22 step %scan3A_23  : i32 {
      %mul3A_52 = arith.constant 1 : i32
      %mul3A_53 = arith.muli %scan3A_51, %mul3A_52 : i32
      %add3A_54 = arith.constant 0 : i32
      %add3A_55 = arith.addi %add3A_54, %mul3A_53 : i32
      %swap3A = arith.index_cast %add3A_55 : i32 to index
      %swap3A_56 = arith.constant 0 : index
      %swap3A_57 = tpu.vector_load %arg5[%swap3A, %swap3A_56] {strides = array<i32>} : memref<128x128xf32, #tpu.memory_space<vmem>>, vector<1x16xf32>,
      %swap3A_58 = vector.shape_cast %swap3A_57 : vector<1x16xf32> to vector<16xf32>
      %swap3A_59 = vector.shape_cast %broadcast_in_dim3A_19 : vector<16xf32> to vector<1x16xf32>
      tpu.vector_store %arg5[%swap3A, %swap3A_56], %swap3A_59 {strides = array<i32>} : memref<128x128xf32, #tpu.memory_space<vmem>>, vector<1x16xf32>,
      %swap3A_60 = arith.index_cast %add3A_55 : i32 to index
      %swap3A_61 = arith.constant 16 : index
      %swap3A_62 = tpu.vector_load %arg5[%swap3A_60, %swap3A_61] {strides = array<i32>} : memref<128x128xf32, #tpu.memory_space<vmem>>, vector<1x16xf32>,
      %swap3A_63 = vector.shape_cast %swap3A_62 : vector<1x16xf32> to vector<16xf32>
      %swap3A_64 = vector.shape_cast %broadcast_in_dim3A_19 : vector<16xf32> to vector<1x16xf32>
      tpu.vector_store %arg5[%swap3A_60, %swap3A_61], %swap3A_64 {strides = array<i32>} : memref<128x128xf32, #tpu.memory_space<vmem>>, vector<1x16xf32>,
      %swap3A_65 = arith.index_cast %add3A_55 : i32 to index
      %swap3A_66 = arith.constant 32 : index
      %swap3A_67 = tpu.vector_load %arg5[%swap3A_65, %swap3A_66] {strides = array<i32>} : memref<128x128xf32, #tpu.memory_space<vmem>>, vector<1x16xf32>,
      %swap3A_68 = vector.shape_cast %swap3A_67 : vector<1x16xf32> to vector<16xf32>
      %swap3A_69 = vector.shape_cast %broadcast_in_dim3A_19 : vector<16xf32> to vector<1x16xf32>
      tpu.vector_store %arg5[%swap3A_65, %swap3A_66], %swap3A_69 {strides = array<i32>} : memref<128x128xf32, #tpu.memory_space<vmem>>, vector<1x16xf32>,
      %swap3A_70 = arith.index_cast %add3A_55 : i32 to index
      %swap3A_71 = arith.constant 48 : index
      %swap3A_72 = tpu.vector_load %arg5[%swap3A_70, %swap3A_71] {strides = array<i32>} : memref<128x128xf32, #tpu.memory_space<vmem>>, vector<1x16xf32>,
      %swap3A_73 = vector.shape_cast %swap3A_72 : vector<1x16xf32> to vector<16xf32>
      %swap3A_74 = vector.shape_cast %broadcast_in_dim3A_19 : vector<16xf32> to vector<1x16xf32>
      tpu.vector_store %arg5[%swap3A_70, %swap3A_71], %swap3A_74 {strides = array<i32>} : memref<128x128xf32, #tpu.memory_space<vmem>>, vector<1x16xf32>,
      %swap3A_75 = arith.index_cast %add3A_55 : i32 to index
      %swap3A_76 = arith.constant 64 : index
      %swap3A_77 = tpu.vector_load %arg5[%swap3A_75, %swap3A_76] {strides = array<i32>} : memref<128x128xf32, #tpu.memory_space<vmem>>, vector<1x16xf32>,
      %swap3A_78 = vector.shape_cast %swap3A_77 : vector<1x16xf32> to vector<16xf32>
      %swap3A_79 = vector.shape_cast %broadcast_in_dim3A_19 : vector<16xf32> to vector<1x16xf32>
      tpu.vector_store %arg5[%swap3A_75, %swap3A_76], %swap3A_79 {strides = array<i32>} : memref<128x128xf32, #tpu.memory_space<vmem>>, vector<1x16xf32>,
      %swap3A_80 = arith.index_cast %add3A_55 : i32 to index
      %swap3A_81 = arith.constant 80 : index
      %swap3A_82 = tpu.vector_load %arg5[%swap3A_80, %swap3A_81] {strides = array<i32>} : memref<128x128xf32, #tpu.memory_space<vmem>>, vector<1x16xf32>,
      %swap3A_83 = vector.shape_cast %swap3A_82 : vector<1x16xf32> to vector<16xf32>
      %swap3A_84 = vector.shape_cast %broadcast_in_dim3A_19 : vector<16xf32> to vector<1x16xf32>
      tpu.vector_store %arg5[%swap3A_80, %swap3A_81], %swap3A_84 {strides = array<i32>} : memref<128x128xf32, #tpu.memory_space<vmem>>, vector<1x16xf32>,
      %swap3A_85 = arith.index_cast %add3A_55 : i32 to index
      %swap3A_86 = arith.constant 96 : index
      %swap3A_87 = tpu.vector_load %arg5[%swap3A_85, %swap3A_86] {strides = array<i32>} : memref<128x128xf32, #tpu.memory_space<vmem>>, vector<1x16xf32>,
      %swap3A_88 = vector.shape_cast %swap3A_87 : vector<1x16xf32> to vector<16xf32>
      %swap3A_89 = vector.shape_cast %broadcast_in_dim3A_19 : vector<16xf32> to vector<1x16xf32>
      tpu.vector_store %arg5[%swap3A_85, %swap3A_86], %swap3A_89 {strides = array<i32>} : memref<128x128xf32, #tpu.memory_space<vmem>>, vector<1x16xf32>,
      %swap3A_90 = arith.index_cast %add3A_55 : i32 to index
      %swap3A_91 = arith.constant 112 : index
      %swap3A_92 = tpu.vector_load %arg5[%swap3A_90, %swap3A_91] {strides = array<i32>} : memref<128x128xf32, #tpu.memory_space<vmem>>, vector<1x16xf32>,
      %swap3A_93 = vector.shape_cast %swap3A_92 : vector<1x16xf32> to vector<16xf32>
      %swap3A_94 = vector.shape_cast %broadcast_in_dim3A_19 : vector<16xf32> to vector<1x16xf32>
      tpu.vector_store %arg5[%swap3A_90, %swap3A_91], %swap3A_94 {strides = array<i32>} : memref<128x128xf32, #tpu.memory_space<vmem>>, vector<1x16xf32>,
    }
    %scan3A_24 = arith.constant 128 : i32
    "tpu.region"() ({
      %run_scoped3A = tpu.sem_alloc : memref<!tpu.dma_semaphore, #tpu.memory_space<semaphore_mem>>
      %dma_start3A = arith.constant 0 : i32
      %dma_start3A_51 = arith.constant 0 : i32
      %dma_start3A_52 = tpu.memref_slice %arg2[%add3A, %dma_start3A, %dma_start3A_51] : memref<32x79x128xi32, #tpu.memory_space<hbm>> -> memref<1x79x128xi32, #tpu.memory_space<hbm>>
      %dma_start3A_53 = tpu.memref_squeeze %dma_start3A_52 : memref<1x79x128xi32, #tpu.memory_space<hbm>> -> memref<79x128xi32, #tpu.memory_space<hbm>>
      %dma_start3A_54 = arith.constant 0 : i32
      %dma_start3A_55 = arith.constant 0 : i32
      %dma_start3A_56 = tpu.memref_slice %arg2[%add3A, %dma_start3A_54, %dma_start3A_55] : memref<32x79x128xi32, #tpu.memory_space<hbm>> -> memref<1x79x128xi32, #tpu.memory_space<hbm>>
      %dma_start3A_57 = tpu.memref_squeeze %dma_start3A_56 : memref<1x79x128xi32, #tpu.memory_space<hbm>> -> memref<79x128xi32, #tpu.memory_space<hbm>>
      tpu.enqueue_dma source(%dma_start3A_57 : memref<79x128xi32, #tpu.memory_space<hbm>>) target(%arg4 : memref<79x128xi32, #tpu.memory_space<vmem>>) target_semaphore(%run_scoped3A : memref<!tpu.dma_semaphore, #tpu.memory_space<semaphore_mem>>)
      %dma_wait3A = arith.constant 0 : i32
      %dma_wait3A_58 = arith.constant 0 : i32
      %dma_wait3A_59 = tpu.memref_slice %arg2[%add3A, %dma_wait3A, %dma_wait3A_58] : memref<32x79x128xi32, #tpu.memory_space<hbm>> -> memref<1x79x128xi32, #tpu.memory_space<hbm>>
      %dma_wait3A_60 = tpu.memref_squeeze %dma_wait3A_59 : memref<1x79x128xi32, #tpu.memory_space<hbm>> -> memref<79x128xi32, #tpu.memory_space<hbm>>
      %dma_wait3A_61 = arith.constant 0 : i32
      %dma_wait3A_62 = arith.constant 0 : i32
      %dma_wait3A_63 = tpu.memref_slice %arg2[%add3A, %dma_wait3A_61, %dma_wait3A_62] : memref<32x79x128xi32, #tpu.memory_space<hbm>> -> memref<1x79x128xi32, #tpu.memory_space<hbm>>
      %dma_wait3A_64 = tpu.memref_squeeze %dma_wait3A_63 : memref<1x79x128xi32, #tpu.memory_space<hbm>> -> memref<79x128xi32, #tpu.memory_space<hbm>>
      tpu.wait_dma2 semaphore(%run_scoped3A : memref<!tpu.dma_semaphore, #tpu.memory_space<semaphore_mem>>) src(%dma_wait3A_64 : memref<79x128xi32, #tpu.memory_space<hbm>>) dst(%arg4 : memref<79x128xi32, #tpu.memory_space<vmem>>)
      tpu.yield
    }) : () -> ()
    %barrier3A = arith.constant 0 : index
    tpu.barrier barrier_id(%barrier3A)
    %scan3A_25 = arith.constant 0 : i32
    %scan3A_26 = arith.constant 79 : i32
    %scan3A_27 = arith.addi %scan3A_25, %scan3A_26 : i32
    %scan3A_28 = arith.constant 1 : i32
    scf.for %scan3A_51 = %scan3A_25 to %scan3A_27 step %scan3A_28  : i32 {
      %mul3A_52 = arith.constant 1 : i32
      %mul3A_53 = arith.muli %scan3A_51, %mul3A_52 : i32
      %add3A_54 = arith.constant 0 : i32
      %add3A_55 = arith.addi %add3A_54, %mul3A_53 : i32
      "tpu.region"() ({
        %run_scoped3A = tpu.sem_alloc : memref<!tpu.dma_semaphore, #tpu.memory_space<semaphore_mem>>
        %dma_start3A = arith.constant 0 : i32
        %dma_start3A_56 = tpu.memref_slice %arg4[%add3A_55, %dma_start3A] : memref<79x128xi32, #tpu.memory_space<vmem>> -> memref<1x128xi32, #tpu.memory_space<vmem>>
        %dma_start3A_57 = tpu.memref_squeeze %dma_start3A_56 : memref<1x128xi32, #tpu.memory_space<vmem>> -> memref<128xi32, #tpu.memory_space<vmem>>
        %dma_start3A_58 = arith.constant 0 : i32
        %dma_start3A_59 = arith.constant 0 : i32
        %dma_start3A_60 = tpu.memref_slice %arg6[%dma_start3A_58, %dma_start3A_59] : memref<10240x128xf32, #tpu.memory_space<vmem_shared>> -> memref<10240x128xf32, #tpu.memory_space<vmem_shared>>
        tpu.enqueue_indirect_dma source(%arg5 : memref<128x128xf32, #tpu.memory_space<vmem>>) target(%dma_start3A_60 : memref<10240x128xf32, #tpu.memory_space<vmem_shared>>) offsets(%dma_start3A_57 : memref<128xi32, #tpu.memory_space<vmem>>) semaphore(%run_scoped3A : memref<!tpu.dma_semaphore, #tpu.memory_space<semaphore_mem>>) {add = true}
        %dma_wait3A = arith.constant 0 : i32
        %dma_wait3A_61 = tpu.memref_slice %arg4[%add3A_55, %dma_wait3A] : memref<79x128xi32, #tpu.memory_space<vmem>> -> memref<1x128xi32, #tpu.memory_space<vmem>>
        %dma_wait3A_62 = tpu.memref_squeeze %dma_wait3A_61 : memref<1x128xi32, #tpu.memory_space<vmem>> -> memref<128xi32, #tpu.memory_space<vmem>>
        %dma_wait3A_63 = arith.constant 0 : i32
        %dma_wait3A_64 = arith.constant 0 : i32
        %dma_wait3A_65 = tpu.memref_slice %arg6[%dma_wait3A_63, %dma_wait3A_64] : memref<10240x128xf32, #tpu.memory_space<vmem_shared>> -> memref<10240x128xf32, #tpu.memory_space<vmem_shared>>
        tpu.wait_indirect_dma semaphore(%run_scoped3A : memref<!tpu.dma_semaphore, #tpu.memory_space<semaphore_mem>>) src(%arg5 : memref<128x128xf32, #tpu.memory_space<vmem>>) dst(%dma_wait3A_65 : memref<10240x128xf32, #tpu.memory_space<vmem_shared>>)
        tpu.yield
      }) : () -> ()
    }
    %scan3A_29 = arith.constant 79 : i32
    %barrier3A_30 = arith.constant 0 : index
    tpu.barrier barrier_id(%barrier3A_30)
    %add3A_31 = arith.constant 0 : i32
    %add3A_32 = arith.addi %mul3A_7, %add3A_31 : i32
    %add3A_33 = arith.constant 0 : i32
    %add3A_34 = arith.addi %mul3A_7, %add3A_33 : i32
    "tpu.region"() ({
      %run_scoped3A = tpu.sem_alloc : memref<!tpu.dma_semaphore, #tpu.memory_space<semaphore_mem>>
      %dma_start3A = arith.constant 0 : i32
      %dma_start3A_51 = tpu.memref_slice %arg3[%arg0, %add3A_34, %dma_start3A] : memref<2x10240x128xf32, #tpu.memory_space<hbm>> -> memref<1x128x128xf32, #tpu.memory_space<hbm>>
      %dma_start3A_52 = tpu.memref_squeeze %dma_start3A_51 : memref<1x128x128xf32, #tpu.memory_space<hbm>> -> memref<128x128xf32, #tpu.memory_space<hbm>>
      %dma_start3A_53 = arith.constant 0 : i32
      %dma_start3A_54 = tpu.memref_slice %arg6[%add3A_32, %dma_start3A_53] : memref<10240x128xf32, #tpu.memory_space<vmem_shared>> -> memref<128x128xf32, #tpu.memory_space<vmem_shared>>
      tpu.enqueue_dma source(%dma_start3A_54 : memref<128x128xf32, #tpu.memory_space<vmem_shared>>) target(%dma_start3A_52 : memref<128x128xf32, #tpu.memory_space<hbm>>) target_semaphore(%run_scoped3A : memref<!tpu.dma_semaphore, #tpu.memory_space<semaphore_mem>>)
      %dma_wait3A = arith.constant 0 : i32
      %dma_wait3A_55 = tpu.memref_slice %arg3[%arg0, %add3A_34, %dma_wait3A] : memref<2x10240x128xf32, #tpu.memory_space<hbm>> -> memref<1x128x128xf32, #tpu.memory_space<hbm>>
      %dma_wait3A_56 = tpu.memref_squeeze %dma_wait3A_55 : memref<1x128x128xf32, #tpu.memory_space<hbm>> -> memref<128x128xf32, #tpu.memory_space<hbm>>
      %dma_wait3A_57 = arith.constant 0 : i32
      %dma_wait3A_58 = tpu.memref_slice %arg6[%add3A_32, %dma_wait3A_57] : memref<10240x128xf32, #tpu.memory_space<vmem_shared>> -> memref<128x128xf32, #tpu.memory_space<vmem_shared>>
      tpu.wait_dma2 semaphore(%run_scoped3A : memref<!tpu.dma_semaphore, #tpu.memory_space<semaphore_mem>>) src(%dma_wait3A_58 : memref<128x128xf32, #tpu.memory_space<vmem_shared>>) dst(%dma_wait3A_56 : memref<128x128xf32, #tpu.memory_space<hbm>>)
      tpu.yield
    }) : () -> ()
    %add3A_35 = arith.constant 128 : i32
    %add3A_36 = arith.addi %mul3A_7, %add3A_35 : i32
    %add3A_37 = arith.constant 128 : i32
    %add3A_38 = arith.addi %mul3A_7, %add3A_37 : i32
    "tpu.region"() ({
      %run_scoped3A = tpu.sem_alloc : memref<!tpu.dma_semaphore, #tpu.memory_space<semaphore_mem>>
      %dma_start3A = arith.constant 0 : i32
      %dma_start3A_51 = tpu.memref_slice %arg3[%arg0, %add3A_38, %dma_start3A] : memref<2x10240x128xf32, #tpu.memory_space<hbm>> -> memref<1x128x128xf32, #tpu.memory_space<hbm>>
      %dma_start3A_52 = tpu.memref_squeeze %dma_start3A_51 : memref<1x128x128xf32, #tpu.memory_space<hbm>> -> memref<128x128xf32, #tpu.memory_space<hbm>>
      %dma_start3A_53 = arith.constant 0 : i32
      %dma_start3A_54 = tpu.memref_slice %arg6[%add3A_36, %dma_start3A_53] : memref<10240x128xf32, #tpu.memory_space<vmem_shared>> -> memref<128x128xf32, #tpu.memory_space<vmem_shared>>
      tpu.enqueue_dma source(%dma_start3A_54 : memref<128x128xf32, #tpu.memory_space<vmem_shared>>) target(%dma_start3A_52 : memref<128x128xf32, #tpu.memory_space<hbm>>) target_semaphore(%run_scoped3A : memref<!tpu.dma_semaphore, #tpu.memory_space<semaphore_mem>>)
      %dma_wait3A = arith.constant 0 : i32
      %dma_wait3A_55 = tpu.memref_slice %arg3[%arg0, %add3A_38, %dma_wait3A] : memref<2x10240x128xf32, #tpu.memory_space<hbm>> -> memref<1x128x128xf32, #tpu.memory_space<hbm>>
      %dma_wait3A_56 = tpu.memref_squeeze %dma_wait3A_55 : memref<1x128x128xf32, #tpu.memory_space<hbm>> -> memref<128x128xf32, #tpu.memory_space<hbm>>
      %dma_wait3A_57 = arith.constant 0 : i32
      %dma_wait3A_58 = tpu.memref_slice %arg6[%add3A_36, %dma_wait3A_57] : memref<10240x128xf32, #tpu.memory_space<vmem_shared>> -> memref<128x128xf32, #tpu.memory_space<vmem_shared>>
      tpu.wait_dma2 semaphore(%run_scoped3A : memref<!tpu.dma_semaphore, #tpu.memory_space<semaphore_mem>>) src(%dma_wait3A_58 : memref<128x128xf32, #tpu.memory_space<vmem_shared>>) dst(%dma_wait3A_56 : memref<128x128xf32, #tpu.memory_space<hbm>>)
      tpu.yield
    }) : () -> ()
    %add3A_39 = arith.constant 256 : i32
    %add3A_40 = arith.addi %mul3A_7, %add3A_39 : i32
    %add3A_41 = arith.constant 256 : i32
    %add3A_42 = arith.addi %mul3A_7, %add3A_41 : i32
    "tpu.region"() ({
      %run_scoped3A = tpu.sem_alloc : memref<!tpu.dma_semaphore, #tpu.memory_space<semaphore_mem>>
      %dma_start3A = arith.constant 0 : i32
      %dma_start3A_51 = tpu.memref_slice %arg3[%arg0, %add3A_42, %dma_start3A] : memref<2x10240x128xf32, #tpu.memory_space<hbm>> -> memref<1x128x128xf32, #tpu.memory_space<hbm>>
      %dma_start3A_52 = tpu.memref_squeeze %dma_start3A_51 : memref<1x128x128xf32, #tpu.memory_space<hbm>> -> memref<128x128xf32, #tpu.memory_space<hbm>>
      %dma_start3A_53 = arith.constant 0 : i32
      %dma_start3A_54 = tpu.memref_slice %arg6[%add3A_40, %dma_start3A_53] : memref<10240x128xf32, #tpu.memory_space<vmem_shared>> -> memref<128x128xf32, #tpu.memory_space<vmem_shared>>
      tpu.enqueue_dma source(%dma_start3A_54 : memref<128x128xf32, #tpu.memory_space<vmem_shared>>) target(%dma_start3A_52 : memref<128x128xf32, #tpu.memory_space<hbm>>) target_semaphore(%run_scoped3A : memref<!tpu.dma_semaphore, #tpu.memory_space<semaphore_mem>>)
      %dma_wait3A = arith.constant 0 : i32
      %dma_wait3A_55 = tpu.memref_slice %arg3[%arg0, %add3A_42, %dma_wait3A] : memref<2x10240x128xf32, #tpu.memory_space<hbm>> -> memref<1x128x128xf32, #tpu.memory_space<hbm>>
      %dma_wait3A_56 = tpu.memref_squeeze %dma_wait3A_55 : memref<1x128x128xf32, #tpu.memory_space<hbm>> -> memref<128x128xf32, #tpu.memory_space<hbm>>
      %dma_wait3A_57 = arith.constant 0 : i32
      %dma_wait3A_58 = tpu.memref_slice %arg6[%add3A_40, %dma_wait3A_57] : memref<10240x128xf32, #tpu.memory_space<vmem_shared>> -> memref<128x128xf32, #tpu.memory_space<vmem_shared>>
      tpu.wait_dma2 semaphore(%run_scoped3A : memref<!tpu.dma_semaphore, #tpu.memory_space<semaphore_mem>>) src(%dma_wait3A_58 : memref<128x128xf32, #tpu.memory_space<vmem_shared>>) dst(%dma_wait3A_56 : memref<128x128xf32, #tpu.memory_space<hbm>>)
      tpu.yield
    }) : () -> ()
    %add3A_43 = arith.constant 384 : i32
    %add3A_44 = arith.addi %mul3A_7, %add3A_43 : i32
    %add3A_45 = arith.constant 384 : i32
    %add3A_46 = arith.addi %mul3A_7, %add3A_45 : i32
    "tpu.region"() ({
      %run_scoped3A = tpu.sem_alloc : memref<!tpu.dma_semaphore, #tpu.memory_space<semaphore_mem>>
      %dma_start3A = arith.constant 0 : i32
      %dma_start3A_51 = tpu.memref_slice %arg3[%arg0, %add3A_46, %dma_start3A] : memref<2x10240x128xf32, #tpu.memory_space<hbm>> -> memref<1x128x128xf32, #tpu.memory_space<hbm>>
      %dma_start3A_52 = tpu.memref_squeeze %dma_start3A_51 : memref<1x128x128xf32, #tpu.memory_space<hbm>> -> memref<128x128xf32, #tpu.memory_space<hbm>>
      %dma_start3A_53 = arith.constant 0 : i32
      %dma_start3A_54 = tpu.memref_slice %arg6[%add3A_44, %dma_start3A_53] : memref<10240x128xf32, #tpu.memory_space<vmem_shared>> -> memref<128x128xf32, #tpu.memory_space<vmem_shared>>
      tpu.enqueue_dma source(%dma_start3A_54 : memref<128x128xf32, #tpu.memory_space<vmem_shared>>) target(%dma_start3A_52 : memref<128x128xf32, #tpu.memory_space<hbm>>) target_semaphore(%run_scoped3A : memref<!tpu.dma_semaphore, #tpu.memory_space<semaphore_mem>>)
      %dma_wait3A = arith.constant 0 : i32
      %dma_wait3A_55 = tpu.memref_slice %arg3[%arg0, %add3A_46, %dma_wait3A] : memref<2x10240x128xf32, #tpu.memory_space<hbm>> -> memref<1x128x128xf32, #tpu.memory_space<hbm>>
      %dma_wait3A_56 = tpu.memref_squeeze %dma_wait3A_55 : memref<1x128x128xf32, #tpu.memory_space<hbm>> -> memref<128x128xf32, #tpu.memory_space<hbm>>
      %dma_wait3A_57 = arith.constant 0 : i32
      %dma_wait3A_58 = tpu.memref_slice %arg6[%add3A_44, %dma_wait3A_57] : memref<10240x128xf32, #tpu.memory_space<vmem_shared>> -> memref<128x128xf32, #tpu.memory_space<vmem_shared>>
      tpu.wait_dma2 semaphore(%run_scoped3A : memref<!tpu.dma_semaphore, #tpu.memory_space<semaphore_mem>>) src(%dma_wait3A_58 : memref<128x128xf32, #tpu.memory_space<vmem_shared>>) dst(%dma_wait3A_56 : memref<128x128xf32, #tpu.memory_space<hbm>>)
      tpu.yield
    }) : () -> ()
    %add3A_47 = arith.constant 512 : i32
    %add3A_48 = arith.addi %mul3A_7, %add3A_47 : i32
    %add3A_49 = arith.constant 512 : i32
    %add3A_50 = arith.addi %mul3A_7, %add3A_49 : i32
    "tpu.region"() ({
      %run_scoped3A = tpu.sem_alloc : memref<!tpu.dma_semaphore, #tpu.memory_space<semaphore_mem>>
      %dma_start3A = arith.constant 0 : i32
      %dma_start3A_51 = tpu.memref_slice %arg3[%arg0, %add3A_50, %dma_start3A] : memref<2x10240x128xf32, #tpu.memory_space<hbm>> -> memref<1x128x128xf32, #tpu.memory_space<hbm>>
      %dma_start3A_52 = tpu.memref_squeeze %dma_start3A_51 : memref<1x128x128xf32, #tpu.memory_space<hbm>> -> memref<128x128xf32, #tpu.memory_space<hbm>>
      %dma_start3A_53 = arith.constant 0 : i32
      %dma_start3A_54 = tpu.memref_slice %arg6[%add3A_48, %dma_start3A_53] : memref<10240x128xf32, #tpu.memory_space<vmem_shared>> -> memref<128x128xf32, #tpu.memory_space<vmem_shared>>
      tpu.enqueue_dma source(%dma_start3A_54 : memref<128x128xf32, #tpu.memory_space<vmem_shared>>) target(%dma_start3A_52 : memref<128x128xf32, #tpu.memory_space<hbm>>) target_semaphore(%run_scoped3A : memref<!tpu.dma_semaphore, #tpu.memory_space<semaphore_mem>>)
      %dma_wait3A = arith.constant 0 : i32
      %dma_wait3A_55 = tpu.memref_slice %arg3[%arg0, %add3A_50, %dma_wait3A] : memref<2x10240x128xf32, #tpu.memory_space<hbm>> -> memref<1x128x128xf32, #tpu.memory_space<hbm>>
      %dma_wait3A_56 = tpu.memref_squeeze %dma_wait3A_55 : memref<1x128x128xf32, #tpu.memory_space<hbm>> -> memref<128x128xf32, #tpu.memory_space<hbm>>
      %dma_wait3A_57 = arith.constant 0 : i32
      %dma_wait3A_58 = tpu.memref_slice %arg6[%add3A_48, %dma_wait3A_57] : memref<10240x128xf32, #tpu.memory_space<vmem_shared>> -> memref<128x128xf32, #tpu.memory_space<vmem_shared>>
      tpu.wait_dma2 semaphore(%run_scoped3A : memref<!tpu.dma_semaphore, #tpu.memory_space<semaphore_mem>>) src(%dma_wait3A_58 : memref<128x128xf32, #tpu.memory_space<vmem_shared>>) dst(%dma_wait3A_56 : memref<128x128xf32, #tpu.memory_space<hbm>>)
      tpu.yield
    }) : () -> ()
    return
  }
}

#map = affine_map<(d0, d1) -> (0, 0)>
#map1 = affine_map<(d0, d1) -> (0, 0, 0)>
module attributes {stable_mosaic.version = 14 : i64} {
  func.func @agg_kernel(%arg0: i32, %arg1: i32, %arg2: memref<10000x128xf32, #tpu.memory_space<hbm>>, %arg3: memref<32x99x128xi32, #tpu.memory_space<hbm>>, %arg4: memref<32x99x128xi32, #tpu.memory_space<hbm>>, %arg5: memref<2x10240x128xf32, #tpu.memory_space<hbm>>, %arg6: memref<99x128xi32, #tpu.memory_space<vmem>>, %arg7: memref<99x128xi32, #tpu.memory_space<vmem>>, %arg8: memref<128x128xf32, #tpu.memory_space<vmem>>, %arg9: memref<10240x128xf32, #tpu.memory_space<vmem_shared>>, %arg10: memref<!tpu.dma_semaphore, #tpu.memory_space<semaphore_mem>>) attributes {dimension_semantics = [#tpu.dimension_semantics<core_parallel>, #tpu.dimension_semantics<subcore_parallel>], iteration_bounds = array<i64: 2, 16>, scalar_prefetch = 0 : i64, scratch_operands = 5 : i64, tpu.core_type = #tpu.core_type<sc_vector_subcore>, window_params = [{transform_indices = #map}, {transform_indices = #map1}, {transform_indices = #map1}, {transform_indices = #map1}]} {
    %mul3A = arith.constant 2 : i32
    %mul3A_0 = arith.muli %arg1, %mul3A : i32
    %add3A = arith.addi %mul3A_0, %arg0 : i32
    %broadcast_in_dim3A = arith.constant 0.000000e+00 : f32
    %broadcast_in_dim3A_1 = vector.broadcast %broadcast_in_dim3A : f32 to vector<16xf32>
    %scan3A = arith.constant 0 : i32
    %scan3A_2 = arith.constant 128 : i32
    %scan3A_3 = arith.addi %scan3A, %scan3A_2 : i32
    %scan3A_4 = arith.constant 1 : i32
    scf.for %scan3A_57 = %scan3A to %scan3A_3 step %scan3A_4  : i32 {
      %mul3A_58 = arith.constant 1 : i32
      %mul3A_59 = arith.muli %scan3A_57, %mul3A_58 : i32
      %add3A_60 = arith.constant 0 : i32
      %add3A_61 = arith.addi %add3A_60, %mul3A_59 : i32
      %swap3A = arith.index_cast %add3A_61 : i32 to index
      %swap3A_62 = arith.constant 0 : index
      %swap3A_63 = tpu.vector_load %arg8[%swap3A, %swap3A_62] {strides = array<i32>} : memref<128x128xf32, #tpu.memory_space<vmem>>, vector<1x16xf32>,
      %swap3A_64 = vector.shape_cast %swap3A_63 : vector<1x16xf32> to vector<16xf32>
      %swap3A_65 = vector.shape_cast %broadcast_in_dim3A_1 : vector<16xf32> to vector<1x16xf32>
      tpu.vector_store %arg8[%swap3A, %swap3A_62], %swap3A_65 {strides = array<i32>} : memref<128x128xf32, #tpu.memory_space<vmem>>, vector<1x16xf32>,
      %swap3A_66 = arith.index_cast %add3A_61 : i32 to index
      %swap3A_67 = arith.constant 16 : index
      %swap3A_68 = tpu.vector_load %arg8[%swap3A_66, %swap3A_67] {strides = array<i32>} : memref<128x128xf32, #tpu.memory_space<vmem>>, vector<1x16xf32>,
      %swap3A_69 = vector.shape_cast %swap3A_68 : vector<1x16xf32> to vector<16xf32>
      %swap3A_70 = vector.shape_cast %broadcast_in_dim3A_1 : vector<16xf32> to vector<1x16xf32>
      tpu.vector_store %arg8[%swap3A_66, %swap3A_67], %swap3A_70 {strides = array<i32>} : memref<128x128xf32, #tpu.memory_space<vmem>>, vector<1x16xf32>,
      %swap3A_71 = arith.index_cast %add3A_61 : i32 to index
      %swap3A_72 = arith.constant 32 : index
      %swap3A_73 = tpu.vector_load %arg8[%swap3A_71, %swap3A_72] {strides = array<i32>} : memref<128x128xf32, #tpu.memory_space<vmem>>, vector<1x16xf32>,
      %swap3A_74 = vector.shape_cast %swap3A_73 : vector<1x16xf32> to vector<16xf32>
      %swap3A_75 = vector.shape_cast %broadcast_in_dim3A_1 : vector<16xf32> to vector<1x16xf32>
      tpu.vector_store %arg8[%swap3A_71, %swap3A_72], %swap3A_75 {strides = array<i32>} : memref<128x128xf32, #tpu.memory_space<vmem>>, vector<1x16xf32>,
      %swap3A_76 = arith.index_cast %add3A_61 : i32 to index
      %swap3A_77 = arith.constant 48 : index
      %swap3A_78 = tpu.vector_load %arg8[%swap3A_76, %swap3A_77] {strides = array<i32>} : memref<128x128xf32, #tpu.memory_space<vmem>>, vector<1x16xf32>,
      %swap3A_79 = vector.shape_cast %swap3A_78 : vector<1x16xf32> to vector<16xf32>
      %swap3A_80 = vector.shape_cast %broadcast_in_dim3A_1 : vector<16xf32> to vector<1x16xf32>
      tpu.vector_store %arg8[%swap3A_76, %swap3A_77], %swap3A_80 {strides = array<i32>} : memref<128x128xf32, #tpu.memory_space<vmem>>, vector<1x16xf32>,
      %swap3A_81 = arith.index_cast %add3A_61 : i32 to index
      %swap3A_82 = arith.constant 64 : index
      %swap3A_83 = tpu.vector_load %arg8[%swap3A_81, %swap3A_82] {strides = array<i32>} : memref<128x128xf32, #tpu.memory_space<vmem>>, vector<1x16xf32>,
      %swap3A_84 = vector.shape_cast %swap3A_83 : vector<1x16xf32> to vector<16xf32>
      %swap3A_85 = vector.shape_cast %broadcast_in_dim3A_1 : vector<16xf32> to vector<1x16xf32>
      tpu.vector_store %arg8[%swap3A_81, %swap3A_82], %swap3A_85 {strides = array<i32>} : memref<128x128xf32, #tpu.memory_space<vmem>>, vector<1x16xf32>,
      %swap3A_86 = arith.index_cast %add3A_61 : i32 to index
      %swap3A_87 = arith.constant 80 : index
      %swap3A_88 = tpu.vector_load %arg8[%swap3A_86, %swap3A_87] {strides = array<i32>} : memref<128x128xf32, #tpu.memory_space<vmem>>, vector<1x16xf32>,
      %swap3A_89 = vector.shape_cast %swap3A_88 : vector<1x16xf32> to vector<16xf32>
      %swap3A_90 = vector.shape_cast %broadcast_in_dim3A_1 : vector<16xf32> to vector<1x16xf32>
      tpu.vector_store %arg8[%swap3A_86, %swap3A_87], %swap3A_90 {strides = array<i32>} : memref<128x128xf32, #tpu.memory_space<vmem>>, vector<1x16xf32>,
      %swap3A_91 = arith.index_cast %add3A_61 : i32 to index
      %swap3A_92 = arith.constant 96 : index
      %swap3A_93 = tpu.vector_load %arg8[%swap3A_91, %swap3A_92] {strides = array<i32>} : memref<128x128xf32, #tpu.memory_space<vmem>>, vector<1x16xf32>,
      %swap3A_94 = vector.shape_cast %swap3A_93 : vector<1x16xf32> to vector<16xf32>
      %swap3A_95 = vector.shape_cast %broadcast_in_dim3A_1 : vector<16xf32> to vector<1x16xf32>
      tpu.vector_store %arg8[%swap3A_91, %swap3A_92], %swap3A_95 {strides = array<i32>} : memref<128x128xf32, #tpu.memory_space<vmem>>, vector<1x16xf32>,
      %swap3A_96 = arith.index_cast %add3A_61 : i32 to index
      %swap3A_97 = arith.constant 112 : index
      %swap3A_98 = tpu.vector_load %arg8[%swap3A_96, %swap3A_97] {strides = array<i32>} : memref<128x128xf32, #tpu.memory_space<vmem>>, vector<1x16xf32>,
      %swap3A_99 = vector.shape_cast %swap3A_98 : vector<1x16xf32> to vector<16xf32>
      %swap3A_100 = vector.shape_cast %broadcast_in_dim3A_1 : vector<16xf32> to vector<1x16xf32>
      tpu.vector_store %arg8[%swap3A_96, %swap3A_97], %swap3A_100 {strides = array<i32>} : memref<128x128xf32, #tpu.memory_space<vmem>>, vector<1x16xf32>,
    }
    %scan3A_5 = arith.constant 128 : i32
    %mul3A_6 = arith.constant 640 : i32
    %mul3A_7 = arith.muli %arg1, %mul3A_6 : i32
    %add3A_8 = arith.constant 0 : i32
    %add3A_9 = arith.addi %mul3A_7, %add3A_8 : i32
    "tpu.region"() ({
      %run_scoped3A = tpu.sem_alloc : memref<!tpu.dma_semaphore, #tpu.memory_space<semaphore_mem>>
      %dma_start3A = arith.constant 0 : i32
      %dma_start3A_57 = arith.constant 0 : i32
      %dma_start3A_58 = tpu.memref_slice %arg8[%dma_start3A, %dma_start3A_57] : memref<128x128xf32, #tpu.memory_space<vmem>> -> memref<128x128xf32, #tpu.memory_space<vmem>>
      %dma_start3A_59 = arith.constant 0 : i32
      %dma_start3A_60 = tpu.memref_slice %arg9[%add3A_9, %dma_start3A_59] : memref<10240x128xf32, #tpu.memory_space<vmem_shared>> -> memref<128x128xf32, #tpu.memory_space<vmem_shared>>
      %dma_start3A_61 = arith.constant 0 : i32
      %dma_start3A_62 = tpu.memref_slice %arg9[%add3A_9, %dma_start3A_61] : memref<10240x128xf32, #tpu.memory_space<vmem_shared>> -> memref<128x128xf32, #tpu.memory_space<vmem_shared>>
      %dma_start3A_63 = arith.constant 0 : i32
      %dma_start3A_64 = arith.constant 0 : i32
      %dma_start3A_65 = tpu.memref_slice %arg8[%dma_start3A_63, %dma_start3A_64] : memref<128x128xf32, #tpu.memory_space<vmem>> -> memref<128x128xf32, #tpu.memory_space<vmem>>
      tpu.enqueue_dma source(%dma_start3A_65 : memref<128x128xf32, #tpu.memory_space<vmem>>) target(%dma_start3A_62 : memref<128x128xf32, #tpu.memory_space<vmem_shared>>) target_semaphore(%run_scoped3A : memref<!tpu.dma_semaphore, #tpu.memory_space<semaphore_mem>>)
      %dma_wait3A = arith.constant 0 : i32
      %dma_wait3A_66 = arith.constant 0 : i32
      %dma_wait3A_67 = tpu.memref_slice %arg8[%dma_wait3A, %dma_wait3A_66] : memref<128x128xf32, #tpu.memory_space<vmem>> -> memref<128x128xf32, #tpu.memory_space<vmem>>
      %dma_wait3A_68 = arith.constant 0 : i32
      %dma_wait3A_69 = tpu.memref_slice %arg9[%add3A_9, %dma_wait3A_68] : memref<10240x128xf32, #tpu.memory_space<vmem_shared>> -> memref<128x128xf32, #tpu.memory_space<vmem_shared>>
      %dma_wait3A_70 = arith.constant 0 : i32
      %dma_wait3A_71 = tpu.memref_slice %arg9[%add3A_9, %dma_wait3A_70] : memref<10240x128xf32, #tpu.memory_space<vmem_shared>> -> memref<128x128xf32, #tpu.memory_space<vmem_shared>>
      %dma_wait3A_72 = arith.constant 0 : i32
      %dma_wait3A_73 = arith.constant 0 : i32
      %dma_wait3A_74 = tpu.memref_slice %arg8[%dma_wait3A_72, %dma_wait3A_73] : memref<128x128xf32, #tpu.memory_space<vmem>> -> memref<128x128xf32, #tpu.memory_space<vmem>>
      tpu.wait_dma2 semaphore(%run_scoped3A : memref<!tpu.dma_semaphore, #tpu.memory_space<semaphore_mem>>) src(%dma_wait3A_74 : memref<128x128xf32, #tpu.memory_space<vmem>>) dst(%dma_wait3A_71 : memref<128x128xf32, #tpu.memory_space<vmem_shared>>)
      tpu.yield
    }) : () -> ()
    %add3A_10 = arith.constant 128 : i32
    %add3A_11 = arith.addi %mul3A_7, %add3A_10 : i32
    "tpu.region"() ({
      %run_scoped3A = tpu.sem_alloc : memref<!tpu.dma_semaphore, #tpu.memory_space<semaphore_mem>>
      %dma_start3A = arith.constant 0 : i32
      %dma_start3A_57 = arith.constant 0 : i32
      %dma_start3A_58 = tpu.memref_slice %arg8[%dma_start3A, %dma_start3A_57] : memref<128x128xf32, #tpu.memory_space<vmem>> -> memref<128x128xf32, #tpu.memory_space<vmem>>
      %dma_start3A_59 = arith.constant 0 : i32
      %dma_start3A_60 = tpu.memref_slice %arg9[%add3A_11, %dma_start3A_59] : memref<10240x128xf32, #tpu.memory_space<vmem_shared>> -> memref<128x128xf32, #tpu.memory_space<vmem_shared>>
      %dma_start3A_61 = arith.constant 0 : i32
      %dma_start3A_62 = tpu.memref_slice %arg9[%add3A_11, %dma_start3A_61] : memref<10240x128xf32, #tpu.memory_space<vmem_shared>> -> memref<128x128xf32, #tpu.memory_space<vmem_shared>>
      %dma_start3A_63 = arith.constant 0 : i32
      %dma_start3A_64 = arith.constant 0 : i32
      %dma_start3A_65 = tpu.memref_slice %arg8[%dma_start3A_63, %dma_start3A_64] : memref<128x128xf32, #tpu.memory_space<vmem>> -> memref<128x128xf32, #tpu.memory_space<vmem>>
      tpu.enqueue_dma source(%dma_start3A_65 : memref<128x128xf32, #tpu.memory_space<vmem>>) target(%dma_start3A_62 : memref<128x128xf32, #tpu.memory_space<vmem_shared>>) target_semaphore(%run_scoped3A : memref<!tpu.dma_semaphore, #tpu.memory_space<semaphore_mem>>)
      %dma_wait3A = arith.constant 0 : i32
      %dma_wait3A_66 = arith.constant 0 : i32
      %dma_wait3A_67 = tpu.memref_slice %arg8[%dma_wait3A, %dma_wait3A_66] : memref<128x128xf32, #tpu.memory_space<vmem>> -> memref<128x128xf32, #tpu.memory_space<vmem>>
      %dma_wait3A_68 = arith.constant 0 : i32
      %dma_wait3A_69 = tpu.memref_slice %arg9[%add3A_11, %dma_wait3A_68] : memref<10240x128xf32, #tpu.memory_space<vmem_shared>> -> memref<128x128xf32, #tpu.memory_space<vmem_shared>>
      %dma_wait3A_70 = arith.constant 0 : i32
      %dma_wait3A_71 = tpu.memref_slice %arg9[%add3A_11, %dma_wait3A_70] : memref<10240x128xf32, #tpu.memory_space<vmem_shared>> -> memref<128x128xf32, #tpu.memory_space<vmem_shared>>
      %dma_wait3A_72 = arith.constant 0 : i32
      %dma_wait3A_73 = arith.constant 0 : i32
      %dma_wait3A_74 = tpu.memref_slice %arg8[%dma_wait3A_72, %dma_wait3A_73] : memref<128x128xf32, #tpu.memory_space<vmem>> -> memref<128x128xf32, #tpu.memory_space<vmem>>
      tpu.wait_dma2 semaphore(%run_scoped3A : memref<!tpu.dma_semaphore, #tpu.memory_space<semaphore_mem>>) src(%dma_wait3A_74 : memref<128x128xf32, #tpu.memory_space<vmem>>) dst(%dma_wait3A_71 : memref<128x128xf32, #tpu.memory_space<vmem_shared>>)
      tpu.yield
    }) : () -> ()
    %add3A_12 = arith.constant 256 : i32
    %add3A_13 = arith.addi %mul3A_7, %add3A_12 : i32
    "tpu.region"() ({
      %run_scoped3A = tpu.sem_alloc : memref<!tpu.dma_semaphore, #tpu.memory_space<semaphore_mem>>
      %dma_start3A = arith.constant 0 : i32
      %dma_start3A_57 = arith.constant 0 : i32
      %dma_start3A_58 = tpu.memref_slice %arg8[%dma_start3A, %dma_start3A_57] : memref<128x128xf32, #tpu.memory_space<vmem>> -> memref<128x128xf32, #tpu.memory_space<vmem>>
      %dma_start3A_59 = arith.constant 0 : i32
      %dma_start3A_60 = tpu.memref_slice %arg9[%add3A_13, %dma_start3A_59] : memref<10240x128xf32, #tpu.memory_space<vmem_shared>> -> memref<128x128xf32, #tpu.memory_space<vmem_shared>>
      %dma_start3A_61 = arith.constant 0 : i32
      %dma_start3A_62 = tpu.memref_slice %arg9[%add3A_13, %dma_start3A_61] : memref<10240x128xf32, #tpu.memory_space<vmem_shared>> -> memref<128x128xf32, #tpu.memory_space<vmem_shared>>
      %dma_start3A_63 = arith.constant 0 : i32
      %dma_start3A_64 = arith.constant 0 : i32
      %dma_start3A_65 = tpu.memref_slice %arg8[%dma_start3A_63, %dma_start3A_64] : memref<128x128xf32, #tpu.memory_space<vmem>> -> memref<128x128xf32, #tpu.memory_space<vmem>>
      tpu.enqueue_dma source(%dma_start3A_65 : memref<128x128xf32, #tpu.memory_space<vmem>>) target(%dma_start3A_62 : memref<128x128xf32, #tpu.memory_space<vmem_shared>>) target_semaphore(%run_scoped3A : memref<!tpu.dma_semaphore, #tpu.memory_space<semaphore_mem>>)
      %dma_wait3A = arith.constant 0 : i32
      %dma_wait3A_66 = arith.constant 0 : i32
      %dma_wait3A_67 = tpu.memref_slice %arg8[%dma_wait3A, %dma_wait3A_66] : memref<128x128xf32, #tpu.memory_space<vmem>> -> memref<128x128xf32, #tpu.memory_space<vmem>>
      %dma_wait3A_68 = arith.constant 0 : i32
      %dma_wait3A_69 = tpu.memref_slice %arg9[%add3A_13, %dma_wait3A_68] : memref<10240x128xf32, #tpu.memory_space<vmem_shared>> -> memref<128x128xf32, #tpu.memory_space<vmem_shared>>
      %dma_wait3A_70 = arith.constant 0 : i32
      %dma_wait3A_71 = tpu.memref_slice %arg9[%add3A_13, %dma_wait3A_70] : memref<10240x128xf32, #tpu.memory_space<vmem_shared>> -> memref<128x128xf32, #tpu.memory_space<vmem_shared>>
      %dma_wait3A_72 = arith.constant 0 : i32
      %dma_wait3A_73 = arith.constant 0 : i32
      %dma_wait3A_74 = tpu.memref_slice %arg8[%dma_wait3A_72, %dma_wait3A_73] : memref<128x128xf32, #tpu.memory_space<vmem>> -> memref<128x128xf32, #tpu.memory_space<vmem>>
      tpu.wait_dma2 semaphore(%run_scoped3A : memref<!tpu.dma_semaphore, #tpu.memory_space<semaphore_mem>>) src(%dma_wait3A_74 : memref<128x128xf32, #tpu.memory_space<vmem>>) dst(%dma_wait3A_71 : memref<128x128xf32, #tpu.memory_space<vmem_shared>>)
      tpu.yield
    }) : () -> ()
    %add3A_14 = arith.constant 384 : i32
    %add3A_15 = arith.addi %mul3A_7, %add3A_14 : i32
    "tpu.region"() ({
      %run_scoped3A = tpu.sem_alloc : memref<!tpu.dma_semaphore, #tpu.memory_space<semaphore_mem>>
      %dma_start3A = arith.constant 0 : i32
      %dma_start3A_57 = arith.constant 0 : i32
      %dma_start3A_58 = tpu.memref_slice %arg8[%dma_start3A, %dma_start3A_57] : memref<128x128xf32, #tpu.memory_space<vmem>> -> memref<128x128xf32, #tpu.memory_space<vmem>>
      %dma_start3A_59 = arith.constant 0 : i32
      %dma_start3A_60 = tpu.memref_slice %arg9[%add3A_15, %dma_start3A_59] : memref<10240x128xf32, #tpu.memory_space<vmem_shared>> -> memref<128x128xf32, #tpu.memory_space<vmem_shared>>
      %dma_start3A_61 = arith.constant 0 : i32
      %dma_start3A_62 = tpu.memref_slice %arg9[%add3A_15, %dma_start3A_61] : memref<10240x128xf32, #tpu.memory_space<vmem_shared>> -> memref<128x128xf32, #tpu.memory_space<vmem_shared>>
      %dma_start3A_63 = arith.constant 0 : i32
      %dma_start3A_64 = arith.constant 0 : i32
      %dma_start3A_65 = tpu.memref_slice %arg8[%dma_start3A_63, %dma_start3A_64] : memref<128x128xf32, #tpu.memory_space<vmem>> -> memref<128x128xf32, #tpu.memory_space<vmem>>
      tpu.enqueue_dma source(%dma_start3A_65 : memref<128x128xf32, #tpu.memory_space<vmem>>) target(%dma_start3A_62 : memref<128x128xf32, #tpu.memory_space<vmem_shared>>) target_semaphore(%run_scoped3A : memref<!tpu.dma_semaphore, #tpu.memory_space<semaphore_mem>>)
      %dma_wait3A = arith.constant 0 : i32
      %dma_wait3A_66 = arith.constant 0 : i32
      %dma_wait3A_67 = tpu.memref_slice %arg8[%dma_wait3A, %dma_wait3A_66] : memref<128x128xf32, #tpu.memory_space<vmem>> -> memref<128x128xf32, #tpu.memory_space<vmem>>
      %dma_wait3A_68 = arith.constant 0 : i32
      %dma_wait3A_69 = tpu.memref_slice %arg9[%add3A_15, %dma_wait3A_68] : memref<10240x128xf32, #tpu.memory_space<vmem_shared>> -> memref<128x128xf32, #tpu.memory_space<vmem_shared>>
      %dma_wait3A_70 = arith.constant 0 : i32
      %dma_wait3A_71 = tpu.memref_slice %arg9[%add3A_15, %dma_wait3A_70] : memref<10240x128xf32, #tpu.memory_space<vmem_shared>> -> memref<128x128xf32, #tpu.memory_space<vmem_shared>>
      %dma_wait3A_72 = arith.constant 0 : i32
      %dma_wait3A_73 = arith.constant 0 : i32
      %dma_wait3A_74 = tpu.memref_slice %arg8[%dma_wait3A_72, %dma_wait3A_73] : memref<128x128xf32, #tpu.memory_space<vmem>> -> memref<128x128xf32, #tpu.memory_space<vmem>>
      tpu.wait_dma2 semaphore(%run_scoped3A : memref<!tpu.dma_semaphore, #tpu.memory_space<semaphore_mem>>) src(%dma_wait3A_74 : memref<128x128xf32, #tpu.memory_space<vmem>>) dst(%dma_wait3A_71 : memref<128x128xf32, #tpu.memory_space<vmem_shared>>)
      tpu.yield
    }) : () -> ()
    %add3A_16 = arith.constant 512 : i32
    %add3A_17 = arith.addi %mul3A_7, %add3A_16 : i32
    "tpu.region"() ({
      %run_scoped3A = tpu.sem_alloc : memref<!tpu.dma_semaphore, #tpu.memory_space<semaphore_mem>>
      %dma_start3A = arith.constant 0 : i32
      %dma_start3A_57 = arith.constant 0 : i32
      %dma_start3A_58 = tpu.memref_slice %arg8[%dma_start3A, %dma_start3A_57] : memref<128x128xf32, #tpu.memory_space<vmem>> -> memref<128x128xf32, #tpu.memory_space<vmem>>
      %dma_start3A_59 = arith.constant 0 : i32
      %dma_start3A_60 = tpu.memref_slice %arg9[%add3A_17, %dma_start3A_59] : memref<10240x128xf32, #tpu.memory_space<vmem_shared>> -> memref<128x128xf32, #tpu.memory_space<vmem_shared>>
      %dma_start3A_61 = arith.constant 0 : i32
      %dma_start3A_62 = tpu.memref_slice %arg9[%add3A_17, %dma_start3A_61] : memref<10240x128xf32, #tpu.memory_space<vmem_shared>> -> memref<128x128xf32, #tpu.memory_space<vmem_shared>>
      %dma_start3A_63 = arith.constant 0 : i32
      %dma_start3A_64 = arith.constant 0 : i32
      %dma_start3A_65 = tpu.memref_slice %arg8[%dma_start3A_63, %dma_start3A_64] : memref<128x128xf32, #tpu.memory_space<vmem>> -> memref<128x128xf32, #tpu.memory_space<vmem>>
      tpu.enqueue_dma source(%dma_start3A_65 : memref<128x128xf32, #tpu.memory_space<vmem>>) target(%dma_start3A_62 : memref<128x128xf32, #tpu.memory_space<vmem_shared>>) target_semaphore(%run_scoped3A : memref<!tpu.dma_semaphore, #tpu.memory_space<semaphore_mem>>)
      %dma_wait3A = arith.constant 0 : i32
      %dma_wait3A_66 = arith.constant 0 : i32
      %dma_wait3A_67 = tpu.memref_slice %arg8[%dma_wait3A, %dma_wait3A_66] : memref<128x128xf32, #tpu.memory_space<vmem>> -> memref<128x128xf32, #tpu.memory_space<vmem>>
      %dma_wait3A_68 = arith.constant 0 : i32
      %dma_wait3A_69 = tpu.memref_slice %arg9[%add3A_17, %dma_wait3A_68] : memref<10240x128xf32, #tpu.memory_space<vmem_shared>> -> memref<128x128xf32, #tpu.memory_space<vmem_shared>>
      %dma_wait3A_70 = arith.constant 0 : i32
      %dma_wait3A_71 = tpu.memref_slice %arg9[%add3A_17, %dma_wait3A_70] : memref<10240x128xf32, #tpu.memory_space<vmem_shared>> -> memref<128x128xf32, #tpu.memory_space<vmem_shared>>
      %dma_wait3A_72 = arith.constant 0 : i32
      %dma_wait3A_73 = arith.constant 0 : i32
      %dma_wait3A_74 = tpu.memref_slice %arg8[%dma_wait3A_72, %dma_wait3A_73] : memref<128x128xf32, #tpu.memory_space<vmem>> -> memref<128x128xf32, #tpu.memory_space<vmem>>
      tpu.wait_dma2 semaphore(%run_scoped3A : memref<!tpu.dma_semaphore, #tpu.memory_space<semaphore_mem>>) src(%dma_wait3A_74 : memref<128x128xf32, #tpu.memory_space<vmem>>) dst(%dma_wait3A_71 : memref<128x128xf32, #tpu.memory_space<vmem_shared>>)
      tpu.yield
    }) : () -> ()
    "tpu.region"() ({
      %run_scoped3A = tpu.sem_alloc : memref<!tpu.dma_semaphore, #tpu.memory_space<semaphore_mem>>
      %dma_start3A = arith.constant 0 : i32
      %dma_start3A_57 = arith.constant 0 : i32
      %dma_start3A_58 = tpu.memref_slice %arg3[%add3A, %dma_start3A, %dma_start3A_57] : memref<32x99x128xi32, #tpu.memory_space<hbm>> -> memref<1x99x128xi32, #tpu.memory_space<hbm>>
      %dma_start3A_59 = tpu.memref_squeeze %dma_start3A_58 : memref<1x99x128xi32, #tpu.memory_space<hbm>> -> memref<99x128xi32, #tpu.memory_space<hbm>>
      %dma_start3A_60 = arith.constant 0 : i32
      %dma_start3A_61 = arith.constant 0 : i32
      %dma_start3A_62 = tpu.memref_slice %arg3[%add3A, %dma_start3A_60, %dma_start3A_61] : memref<32x99x128xi32, #tpu.memory_space<hbm>> -> memref<1x99x128xi32, #tpu.memory_space<hbm>>
      %dma_start3A_63 = tpu.memref_squeeze %dma_start3A_62 : memref<1x99x128xi32, #tpu.memory_space<hbm>> -> memref<99x128xi32, #tpu.memory_space<hbm>>
      tpu.enqueue_dma source(%dma_start3A_63 : memref<99x128xi32, #tpu.memory_space<hbm>>) target(%arg6 : memref<99x128xi32, #tpu.memory_space<vmem>>) target_semaphore(%run_scoped3A : memref<!tpu.dma_semaphore, #tpu.memory_space<semaphore_mem>>)
      %dma_wait3A = arith.constant 0 : i32
      %dma_wait3A_64 = arith.constant 0 : i32
      %dma_wait3A_65 = tpu.memref_slice %arg3[%add3A, %dma_wait3A, %dma_wait3A_64] : memref<32x99x128xi32, #tpu.memory_space<hbm>> -> memref<1x99x128xi32, #tpu.memory_space<hbm>>
      %dma_wait3A_66 = tpu.memref_squeeze %dma_wait3A_65 : memref<1x99x128xi32, #tpu.memory_space<hbm>> -> memref<99x128xi32, #tpu.memory_space<hbm>>
      %dma_wait3A_67 = arith.constant 0 : i32
      %dma_wait3A_68 = arith.constant 0 : i32
      %dma_wait3A_69 = tpu.memref_slice %arg3[%add3A, %dma_wait3A_67, %dma_wait3A_68] : memref<32x99x128xi32, #tpu.memory_space<hbm>> -> memref<1x99x128xi32, #tpu.memory_space<hbm>>
      %dma_wait3A_70 = tpu.memref_squeeze %dma_wait3A_69 : memref<1x99x128xi32, #tpu.memory_space<hbm>> -> memref<99x128xi32, #tpu.memory_space<hbm>>
      tpu.wait_dma2 semaphore(%run_scoped3A : memref<!tpu.dma_semaphore, #tpu.memory_space<semaphore_mem>>) src(%dma_wait3A_70 : memref<99x128xi32, #tpu.memory_space<hbm>>) dst(%arg6 : memref<99x128xi32, #tpu.memory_space<vmem>>)
      tpu.yield
    }) : () -> ()
    "tpu.region"() ({
      %run_scoped3A = tpu.sem_alloc : memref<!tpu.dma_semaphore, #tpu.memory_space<semaphore_mem>>
      %dma_start3A = arith.constant 0 : i32
      %dma_start3A_57 = arith.constant 0 : i32
      %dma_start3A_58 = tpu.memref_slice %arg4[%add3A, %dma_start3A, %dma_start3A_57] : memref<32x99x128xi32, #tpu.memory_space<hbm>> -> memref<1x99x128xi32, #tpu.memory_space<hbm>>
      %dma_start3A_59 = tpu.memref_squeeze %dma_start3A_58 : memref<1x99x128xi32, #tpu.memory_space<hbm>> -> memref<99x128xi32, #tpu.memory_space<hbm>>
      %dma_start3A_60 = arith.constant 0 : i32
      %dma_start3A_61 = arith.constant 0 : i32
      %dma_start3A_62 = tpu.memref_slice %arg4[%add3A, %dma_start3A_60, %dma_start3A_61] : memref<32x99x128xi32, #tpu.memory_space<hbm>> -> memref<1x99x128xi32, #tpu.memory_space<hbm>>
      %dma_start3A_63 = tpu.memref_squeeze %dma_start3A_62 : memref<1x99x128xi32, #tpu.memory_space<hbm>> -> memref<99x128xi32, #tpu.memory_space<hbm>>
      tpu.enqueue_dma source(%dma_start3A_63 : memref<99x128xi32, #tpu.memory_space<hbm>>) target(%arg7 : memref<99x128xi32, #tpu.memory_space<vmem>>) target_semaphore(%run_scoped3A : memref<!tpu.dma_semaphore, #tpu.memory_space<semaphore_mem>>)
      %dma_wait3A = arith.constant 0 : i32
      %dma_wait3A_64 = arith.constant 0 : i32
      %dma_wait3A_65 = tpu.memref_slice %arg4[%add3A, %dma_wait3A, %dma_wait3A_64] : memref<32x99x128xi32, #tpu.memory_space<hbm>> -> memref<1x99x128xi32, #tpu.memory_space<hbm>>
      %dma_wait3A_66 = tpu.memref_squeeze %dma_wait3A_65 : memref<1x99x128xi32, #tpu.memory_space<hbm>> -> memref<99x128xi32, #tpu.memory_space<hbm>>
      %dma_wait3A_67 = arith.constant 0 : i32
      %dma_wait3A_68 = arith.constant 0 : i32
      %dma_wait3A_69 = tpu.memref_slice %arg4[%add3A, %dma_wait3A_67, %dma_wait3A_68] : memref<32x99x128xi32, #tpu.memory_space<hbm>> -> memref<1x99x128xi32, #tpu.memory_space<hbm>>
      %dma_wait3A_70 = tpu.memref_squeeze %dma_wait3A_69 : memref<1x99x128xi32, #tpu.memory_space<hbm>> -> memref<99x128xi32, #tpu.memory_space<hbm>>
      tpu.wait_dma2 semaphore(%run_scoped3A : memref<!tpu.dma_semaphore, #tpu.memory_space<semaphore_mem>>) src(%dma_wait3A_70 : memref<99x128xi32, #tpu.memory_space<hbm>>) dst(%arg7 : memref<99x128xi32, #tpu.memory_space<vmem>>)
      tpu.yield
    }) : () -> ()
    %barrier3A = arith.constant 0 : index
    tpu.barrier barrier_id(%barrier3A)
    %eq3A = arith.constant 0 : i32
    %eq3A_18 = arith.cmpi eq, %arg0, %eq3A : i32
    %jit3A = arith.constant 99 : i32
    %jit3A_19 = arith.constant 59 : i32
    %select_n3A = arith.select %eq3A_18, %jit3A, %jit3A_19 : i32
    %sub3A = arith.constant 0 : i32
    %sub3A_20 = arith.subi %select_n3A, %sub3A : i32
    %sub3A_21 = arith.constant 1 : i32
    %sub3A_22 = arith.constant 1 : i32
    %sub3A_23 = arith.subi %sub3A_21, %sub3A_22 : i32
    %add3A_24 = arith.addi %sub3A_20, %sub3A_23 : i32
    %div3A = arith.constant 1 : i32
    %div3A_25 = arith.divsi %add3A_24, %div3A : i32
    %while3A = arith.constant 1 : i32
    %while3A_26 = arith.constant 0 : i32
    %while3A_27 = arith.constant 0 : i32
    %while3A_28 = arith.subi %div3A_25, %while3A_27 : i32
    %while3A_29 = arith.addi %while3A_27, %while3A_28 : i32
    %while3A_30 = arith.constant 1 : i32
    %while3A_31 = arith.divsi %while3A_28, %while3A_30 : i32
    %while3A_32 = arith.muli %while3A_31, %while3A_30 : i32
    %while3A_33 = arith.addi %while3A_27, %while3A_32 : i32
    %while3A_34 = arith.constant 1 : i32
    scf.for %while3A_57 = %while3A_27 to %while3A_33 step %while3A_34  : i32 {
      %mul3A_58 = arith.muli %while3A_57, %while3A : i32
      %add3A_59 = arith.addi %while3A_26, %mul3A_58 : i32
      %dma_start3A = arith.constant 0 : i32
      %dma_start3A_60 = tpu.memref_slice %arg6[%add3A_59, %dma_start3A] : memref<99x128xi32, #tpu.memory_space<vmem>> -> memref<1x128xi32, #tpu.memory_space<vmem>>
      %dma_start3A_61 = tpu.memref_squeeze %dma_start3A_60 : memref<1x128xi32, #tpu.memory_space<vmem>> -> memref<128xi32, #tpu.memory_space<vmem>>
      %dma_start3A_62 = arith.constant 0 : i32
      %dma_start3A_63 = arith.constant 0 : i32
      %dma_start3A_64 = tpu.memref_slice %arg2[%dma_start3A_62, %dma_start3A_63] : memref<10000x128xf32, #tpu.memory_space<hbm>> -> memref<10000x128xf32, #tpu.memory_space<hbm>>
      tpu.enqueue_indirect_dma source(%dma_start3A_64 : memref<10000x128xf32, #tpu.memory_space<hbm>>) target(%arg8 : memref<128x128xf32, #tpu.memory_space<vmem>>) offsets(%dma_start3A_61 : memref<128xi32, #tpu.memory_space<vmem>>) semaphore(%arg10 : memref<!tpu.dma_semaphore, #tpu.memory_space<semaphore_mem>>)
      %dma_wait3A = arith.constant 0 : i32
      %dma_wait3A_65 = tpu.memref_slice %arg6[%add3A_59, %dma_wait3A] : memref<99x128xi32, #tpu.memory_space<vmem>> -> memref<1x128xi32, #tpu.memory_space<vmem>>
      %dma_wait3A_66 = tpu.memref_squeeze %dma_wait3A_65 : memref<1x128xi32, #tpu.memory_space<vmem>> -> memref<128xi32, #tpu.memory_space<vmem>>
      %dma_wait3A_67 = arith.constant 0 : i32
      %dma_wait3A_68 = arith.constant 0 : i32
      %dma_wait3A_69 = tpu.memref_slice %arg2[%dma_wait3A_67, %dma_wait3A_68] : memref<10000x128xf32, #tpu.memory_space<hbm>> -> memref<10000x128xf32, #tpu.memory_space<hbm>>
      tpu.wait_indirect_dma semaphore(%arg10 : memref<!tpu.dma_semaphore, #tpu.memory_space<semaphore_mem>>) src(%dma_wait3A_69 : memref<10000x128xf32, #tpu.memory_space<hbm>>) dst(%arg8 : memref<128x128xf32, #tpu.memory_space<vmem>>)
      "tpu.region"() ({
        %run_scoped3A = tpu.sem_alloc : memref<!tpu.dma_semaphore, #tpu.memory_space<semaphore_mem>>
        %dma_start3A_70 = arith.constant 0 : i32
        %dma_start3A_71 = tpu.memref_slice %arg7[%add3A_59, %dma_start3A_70] : memref<99x128xi32, #tpu.memory_space<vmem>> -> memref<1x128xi32, #tpu.memory_space<vmem>>
        %dma_start3A_72 = tpu.memref_squeeze %dma_start3A_71 : memref<1x128xi32, #tpu.memory_space<vmem>> -> memref<128xi32, #tpu.memory_space<vmem>>
        %dma_start3A_73 = arith.constant 0 : i32
        %dma_start3A_74 = arith.constant 0 : i32
        %dma_start3A_75 = tpu.memref_slice %arg9[%dma_start3A_73, %dma_start3A_74] : memref<10240x128xf32, #tpu.memory_space<vmem_shared>> -> memref<10240x128xf32, #tpu.memory_space<vmem_shared>>
        tpu.enqueue_indirect_dma source(%arg8 : memref<128x128xf32, #tpu.memory_space<vmem>>) target(%dma_start3A_75 : memref<10240x128xf32, #tpu.memory_space<vmem_shared>>) offsets(%dma_start3A_72 : memref<128xi32, #tpu.memory_space<vmem>>) semaphore(%run_scoped3A : memref<!tpu.dma_semaphore, #tpu.memory_space<semaphore_mem>>) {add = true}
        %dma_wait3A_76 = arith.constant 0 : i32
        %dma_wait3A_77 = tpu.memref_slice %arg7[%add3A_59, %dma_wait3A_76] : memref<99x128xi32, #tpu.memory_space<vmem>> -> memref<1x128xi32, #tpu.memory_space<vmem>>
        %dma_wait3A_78 = tpu.memref_squeeze %dma_wait3A_77 : memref<1x128xi32, #tpu.memory_space<vmem>> -> memref<128xi32, #tpu.memory_space<vmem>>
        %dma_wait3A_79 = arith.constant 0 : i32
        %dma_wait3A_80 = arith.constant 0 : i32
        %dma_wait3A_81 = tpu.memref_slice %arg9[%dma_wait3A_79, %dma_wait3A_80] : memref<10240x128xf32, #tpu.memory_space<vmem_shared>> -> memref<10240x128xf32, #tpu.memory_space<vmem_shared>>
        tpu.wait_indirect_dma semaphore(%run_scoped3A : memref<!tpu.dma_semaphore, #tpu.memory_space<semaphore_mem>>) src(%arg8 : memref<128x128xf32, #tpu.memory_space<vmem>>) dst(%dma_wait3A_81 : memref<10240x128xf32, #tpu.memory_space<vmem_shared>>)
        tpu.yield
      }) : () -> ()
    }
    %while3A_35 = arith.constant 1 : i32
    scf.for %while3A_57 = %while3A_33 to %while3A_29 step %while3A_35  : i32 {
      %mul3A_58 = arith.muli %while3A_57, %while3A : i32
      %add3A_59 = arith.addi %while3A_26, %mul3A_58 : i32
      %dma_start3A = arith.constant 0 : i32
      %dma_start3A_60 = tpu.memref_slice %arg6[%add3A_59, %dma_start3A] : memref<99x128xi32, #tpu.memory_space<vmem>> -> memref<1x128xi32, #tpu.memory_space<vmem>>
      %dma_start3A_61 = tpu.memref_squeeze %dma_start3A_60 : memref<1x128xi32, #tpu.memory_space<vmem>> -> memref<128xi32, #tpu.memory_space<vmem>>
      %dma_start3A_62 = arith.constant 0 : i32
      %dma_start3A_63 = arith.constant 0 : i32
      %dma_start3A_64 = tpu.memref_slice %arg2[%dma_start3A_62, %dma_start3A_63] : memref<10000x128xf32, #tpu.memory_space<hbm>> -> memref<10000x128xf32, #tpu.memory_space<hbm>>
      tpu.enqueue_indirect_dma source(%dma_start3A_64 : memref<10000x128xf32, #tpu.memory_space<hbm>>) target(%arg8 : memref<128x128xf32, #tpu.memory_space<vmem>>) offsets(%dma_start3A_61 : memref<128xi32, #tpu.memory_space<vmem>>) semaphore(%arg10 : memref<!tpu.dma_semaphore, #tpu.memory_space<semaphore_mem>>)
      %dma_wait3A = arith.constant 0 : i32
      %dma_wait3A_65 = tpu.memref_slice %arg6[%add3A_59, %dma_wait3A] : memref<99x128xi32, #tpu.memory_space<vmem>> -> memref<1x128xi32, #tpu.memory_space<vmem>>
      %dma_wait3A_66 = tpu.memref_squeeze %dma_wait3A_65 : memref<1x128xi32, #tpu.memory_space<vmem>> -> memref<128xi32, #tpu.memory_space<vmem>>
      %dma_wait3A_67 = arith.constant 0 : i32
      %dma_wait3A_68 = arith.constant 0 : i32
      %dma_wait3A_69 = tpu.memref_slice %arg2[%dma_wait3A_67, %dma_wait3A_68] : memref<10000x128xf32, #tpu.memory_space<hbm>> -> memref<10000x128xf32, #tpu.memory_space<hbm>>
      tpu.wait_indirect_dma semaphore(%arg10 : memref<!tpu.dma_semaphore, #tpu.memory_space<semaphore_mem>>) src(%dma_wait3A_69 : memref<10000x128xf32, #tpu.memory_space<hbm>>) dst(%arg8 : memref<128x128xf32, #tpu.memory_space<vmem>>)
      "tpu.region"() ({
        %run_scoped3A = tpu.sem_alloc : memref<!tpu.dma_semaphore, #tpu.memory_space<semaphore_mem>>
        %dma_start3A_70 = arith.constant 0 : i32
        %dma_start3A_71 = tpu.memref_slice %arg7[%add3A_59, %dma_start3A_70] : memref<99x128xi32, #tpu.memory_space<vmem>> -> memref<1x128xi32, #tpu.memory_space<vmem>>
        %dma_start3A_72 = tpu.memref_squeeze %dma_start3A_71 : memref<1x128xi32, #tpu.memory_space<vmem>> -> memref<128xi32, #tpu.memory_space<vmem>>
        %dma_start3A_73 = arith.constant 0 : i32
        %dma_start3A_74 = arith.constant 0 : i32
        %dma_start3A_75 = tpu.memref_slice %arg9[%dma_start3A_73, %dma_start3A_74] : memref<10240x128xf32, #tpu.memory_space<vmem_shared>> -> memref<10240x128xf32, #tpu.memory_space<vmem_shared>>
        tpu.enqueue_indirect_dma source(%arg8 : memref<128x128xf32, #tpu.memory_space<vmem>>) target(%dma_start3A_75 : memref<10240x128xf32, #tpu.memory_space<vmem_shared>>) offsets(%dma_start3A_72 : memref<128xi32, #tpu.memory_space<vmem>>) semaphore(%run_scoped3A : memref<!tpu.dma_semaphore, #tpu.memory_space<semaphore_mem>>) {add = true}
        %dma_wait3A_76 = arith.constant 0 : i32
        %dma_wait3A_77 = tpu.memref_slice %arg7[%add3A_59, %dma_wait3A_76] : memref<99x128xi32, #tpu.memory_space<vmem>> -> memref<1x128xi32, #tpu.memory_space<vmem>>
        %dma_wait3A_78 = tpu.memref_squeeze %dma_wait3A_77 : memref<1x128xi32, #tpu.memory_space<vmem>> -> memref<128xi32, #tpu.memory_space<vmem>>
        %dma_wait3A_79 = arith.constant 0 : i32
        %dma_wait3A_80 = arith.constant 0 : i32
        %dma_wait3A_81 = tpu.memref_slice %arg9[%dma_wait3A_79, %dma_wait3A_80] : memref<10240x128xf32, #tpu.memory_space<vmem_shared>> -> memref<10240x128xf32, #tpu.memory_space<vmem_shared>>
        tpu.wait_indirect_dma semaphore(%run_scoped3A : memref<!tpu.dma_semaphore, #tpu.memory_space<semaphore_mem>>) src(%arg8 : memref<128x128xf32, #tpu.memory_space<vmem>>) dst(%dma_wait3A_81 : memref<10240x128xf32, #tpu.memory_space<vmem_shared>>)
        tpu.yield
      }) : () -> ()
    }
    %barrier3A_36 = arith.constant 0 : index
    tpu.barrier barrier_id(%barrier3A_36)
    %add3A_37 = arith.constant 0 : i32
    %add3A_38 = arith.addi %mul3A_7, %add3A_37 : i32
    %add3A_39 = arith.constant 0 : i32
    %add3A_40 = arith.addi %mul3A_7, %add3A_39 : i32
    "tpu.region"() ({
      %run_scoped3A = tpu.sem_alloc : memref<!tpu.dma_semaphore, #tpu.memory_space<semaphore_mem>>
      %dma_start3A = arith.constant 0 : i32
      %dma_start3A_57 = tpu.memref_slice %arg5[%arg0, %add3A_40, %dma_start3A] : memref<2x10240x128xf32, #tpu.memory_space<hbm>> -> memref<1x128x128xf32, #tpu.memory_space<hbm>>
      %dma_start3A_58 = tpu.memref_squeeze %dma_start3A_57 : memref<1x128x128xf32, #tpu.memory_space<hbm>> -> memref<128x128xf32, #tpu.memory_space<hbm>>
      %dma_start3A_59 = arith.constant 0 : i32
      %dma_start3A_60 = tpu.memref_slice %arg9[%add3A_38, %dma_start3A_59] : memref<10240x128xf32, #tpu.memory_space<vmem_shared>> -> memref<128x128xf32, #tpu.memory_space<vmem_shared>>
      tpu.enqueue_dma source(%dma_start3A_60 : memref<128x128xf32, #tpu.memory_space<vmem_shared>>) target(%dma_start3A_58 : memref<128x128xf32, #tpu.memory_space<hbm>>) target_semaphore(%run_scoped3A : memref<!tpu.dma_semaphore, #tpu.memory_space<semaphore_mem>>)
      %dma_wait3A = arith.constant 0 : i32
      %dma_wait3A_61 = tpu.memref_slice %arg5[%arg0, %add3A_40, %dma_wait3A] : memref<2x10240x128xf32, #tpu.memory_space<hbm>> -> memref<1x128x128xf32, #tpu.memory_space<hbm>>
      %dma_wait3A_62 = tpu.memref_squeeze %dma_wait3A_61 : memref<1x128x128xf32, #tpu.memory_space<hbm>> -> memref<128x128xf32, #tpu.memory_space<hbm>>
      %dma_wait3A_63 = arith.constant 0 : i32
      %dma_wait3A_64 = tpu.memref_slice %arg9[%add3A_38, %dma_wait3A_63] : memref<10240x128xf32, #tpu.memory_space<vmem_shared>> -> memref<128x128xf32, #tpu.memory_space<vmem_shared>>
      tpu.wait_dma2 semaphore(%run_scoped3A : memref<!tpu.dma_semaphore, #tpu.memory_space<semaphore_mem>>) src(%dma_wait3A_64 : memref<128x128xf32, #tpu.memory_space<vmem_shared>>) dst(%dma_wait3A_62 : memref<128x128xf32, #tpu.memory_space<hbm>>)
      tpu.yield
    }) : () -> ()
    %add3A_41 = arith.constant 128 : i32
    %add3A_42 = arith.addi %mul3A_7, %add3A_41 : i32
    %add3A_43 = arith.constant 128 : i32
    %add3A_44 = arith.addi %mul3A_7, %add3A_43 : i32
    "tpu.region"() ({
      %run_scoped3A = tpu.sem_alloc : memref<!tpu.dma_semaphore, #tpu.memory_space<semaphore_mem>>
      %dma_start3A = arith.constant 0 : i32
      %dma_start3A_57 = tpu.memref_slice %arg5[%arg0, %add3A_44, %dma_start3A] : memref<2x10240x128xf32, #tpu.memory_space<hbm>> -> memref<1x128x128xf32, #tpu.memory_space<hbm>>
      %dma_start3A_58 = tpu.memref_squeeze %dma_start3A_57 : memref<1x128x128xf32, #tpu.memory_space<hbm>> -> memref<128x128xf32, #tpu.memory_space<hbm>>
      %dma_start3A_59 = arith.constant 0 : i32
      %dma_start3A_60 = tpu.memref_slice %arg9[%add3A_42, %dma_start3A_59] : memref<10240x128xf32, #tpu.memory_space<vmem_shared>> -> memref<128x128xf32, #tpu.memory_space<vmem_shared>>
      tpu.enqueue_dma source(%dma_start3A_60 : memref<128x128xf32, #tpu.memory_space<vmem_shared>>) target(%dma_start3A_58 : memref<128x128xf32, #tpu.memory_space<hbm>>) target_semaphore(%run_scoped3A : memref<!tpu.dma_semaphore, #tpu.memory_space<semaphore_mem>>)
      %dma_wait3A = arith.constant 0 : i32
      %dma_wait3A_61 = tpu.memref_slice %arg5[%arg0, %add3A_44, %dma_wait3A] : memref<2x10240x128xf32, #tpu.memory_space<hbm>> -> memref<1x128x128xf32, #tpu.memory_space<hbm>>
      %dma_wait3A_62 = tpu.memref_squeeze %dma_wait3A_61 : memref<1x128x128xf32, #tpu.memory_space<hbm>> -> memref<128x128xf32, #tpu.memory_space<hbm>>
      %dma_wait3A_63 = arith.constant 0 : i32
      %dma_wait3A_64 = tpu.memref_slice %arg9[%add3A_42, %dma_wait3A_63] : memref<10240x128xf32, #tpu.memory_space<vmem_shared>> -> memref<128x128xf32, #tpu.memory_space<vmem_shared>>
      tpu.wait_dma2 semaphore(%run_scoped3A : memref<!tpu.dma_semaphore, #tpu.memory_space<semaphore_mem>>) src(%dma_wait3A_64 : memref<128x128xf32, #tpu.memory_space<vmem_shared>>) dst(%dma_wait3A_62 : memref<128x128xf32, #tpu.memory_space<hbm>>)
      tpu.yield
    }) : () -> ()
    %add3A_45 = arith.constant 256 : i32
    %add3A_46 = arith.addi %mul3A_7, %add3A_45 : i32
    %add3A_47 = arith.constant 256 : i32
    %add3A_48 = arith.addi %mul3A_7, %add3A_47 : i32
    "tpu.region"() ({
      %run_scoped3A = tpu.sem_alloc : memref<!tpu.dma_semaphore, #tpu.memory_space<semaphore_mem>>
      %dma_start3A = arith.constant 0 : i32
      %dma_start3A_57 = tpu.memref_slice %arg5[%arg0, %add3A_48, %dma_start3A] : memref<2x10240x128xf32, #tpu.memory_space<hbm>> -> memref<1x128x128xf32, #tpu.memory_space<hbm>>
      %dma_start3A_58 = tpu.memref_squeeze %dma_start3A_57 : memref<1x128x128xf32, #tpu.memory_space<hbm>> -> memref<128x128xf32, #tpu.memory_space<hbm>>
      %dma_start3A_59 = arith.constant 0 : i32
      %dma_start3A_60 = tpu.memref_slice %arg9[%add3A_46, %dma_start3A_59] : memref<10240x128xf32, #tpu.memory_space<vmem_shared>> -> memref<128x128xf32, #tpu.memory_space<vmem_shared>>
      tpu.enqueue_dma source(%dma_start3A_60 : memref<128x128xf32, #tpu.memory_space<vmem_shared>>) target(%dma_start3A_58 : memref<128x128xf32, #tpu.memory_space<hbm>>) target_semaphore(%run_scoped3A : memref<!tpu.dma_semaphore, #tpu.memory_space<semaphore_mem>>)
      %dma_wait3A = arith.constant 0 : i32
      %dma_wait3A_61 = tpu.memref_slice %arg5[%arg0, %add3A_48, %dma_wait3A] : memref<2x10240x128xf32, #tpu.memory_space<hbm>> -> memref<1x128x128xf32, #tpu.memory_space<hbm>>
      %dma_wait3A_62 = tpu.memref_squeeze %dma_wait3A_61 : memref<1x128x128xf32, #tpu.memory_space<hbm>> -> memref<128x128xf32, #tpu.memory_space<hbm>>
      %dma_wait3A_63 = arith.constant 0 : i32
      %dma_wait3A_64 = tpu.memref_slice %arg9[%add3A_46, %dma_wait3A_63] : memref<10240x128xf32, #tpu.memory_space<vmem_shared>> -> memref<128x128xf32, #tpu.memory_space<vmem_shared>>
      tpu.wait_dma2 semaphore(%run_scoped3A : memref<!tpu.dma_semaphore, #tpu.memory_space<semaphore_mem>>) src(%dma_wait3A_64 : memref<128x128xf32, #tpu.memory_space<vmem_shared>>) dst(%dma_wait3A_62 : memref<128x128xf32, #tpu.memory_space<hbm>>)
      tpu.yield
    }) : () -> ()
    %add3A_49 = arith.constant 384 : i32
    %add3A_50 = arith.addi %mul3A_7, %add3A_49 : i32
    %add3A_51 = arith.constant 384 : i32
    %add3A_52 = arith.addi %mul3A_7, %add3A_51 : i32
    "tpu.region"() ({
      %run_scoped3A = tpu.sem_alloc : memref<!tpu.dma_semaphore, #tpu.memory_space<semaphore_mem>>
      %dma_start3A = arith.constant 0 : i32
      %dma_start3A_57 = tpu.memref_slice %arg5[%arg0, %add3A_52, %dma_start3A] : memref<2x10240x128xf32, #tpu.memory_space<hbm>> -> memref<1x128x128xf32, #tpu.memory_space<hbm>>
      %dma_start3A_58 = tpu.memref_squeeze %dma_start3A_57 : memref<1x128x128xf32, #tpu.memory_space<hbm>> -> memref<128x128xf32, #tpu.memory_space<hbm>>
      %dma_start3A_59 = arith.constant 0 : i32
      %dma_start3A_60 = tpu.memref_slice %arg9[%add3A_50, %dma_start3A_59] : memref<10240x128xf32, #tpu.memory_space<vmem_shared>> -> memref<128x128xf32, #tpu.memory_space<vmem_shared>>
      tpu.enqueue_dma source(%dma_start3A_60 : memref<128x128xf32, #tpu.memory_space<vmem_shared>>) target(%dma_start3A_58 : memref<128x128xf32, #tpu.memory_space<hbm>>) target_semaphore(%run_scoped3A : memref<!tpu.dma_semaphore, #tpu.memory_space<semaphore_mem>>)
      %dma_wait3A = arith.constant 0 : i32
      %dma_wait3A_61 = tpu.memref_slice %arg5[%arg0, %add3A_52, %dma_wait3A] : memref<2x10240x128xf32, #tpu.memory_space<hbm>> -> memref<1x128x128xf32, #tpu.memory_space<hbm>>
      %dma_wait3A_62 = tpu.memref_squeeze %dma_wait3A_61 : memref<1x128x128xf32, #tpu.memory_space<hbm>> -> memref<128x128xf32, #tpu.memory_space<hbm>>
      %dma_wait3A_63 = arith.constant 0 : i32
      %dma_wait3A_64 = tpu.memref_slice %arg9[%add3A_50, %dma_wait3A_63] : memref<10240x128xf32, #tpu.memory_space<vmem_shared>> -> memref<128x128xf32, #tpu.memory_space<vmem_shared>>
      tpu.wait_dma2 semaphore(%run_scoped3A : memref<!tpu.dma_semaphore, #tpu.memory_space<semaphore_mem>>) src(%dma_wait3A_64 : memref<128x128xf32, #tpu.memory_space<vmem_shared>>) dst(%dma_wait3A_62 : memref<128x128xf32, #tpu.memory_space<hbm>>)
      tpu.yield
    }) : () -> ()
    %add3A_53 = arith.constant 512 : i32
    %add3A_54 = arith.addi %mul3A_7, %add3A_53 : i32
    %add3A_55 = arith.constant 512 : i32
    %add3A_56 = arith.addi %mul3A_7, %add3A_55 : i32
    "tpu.region"() ({
      %run_scoped3A = tpu.sem_alloc : memref<!tpu.dma_semaphore, #tpu.memory_space<semaphore_mem>>
      %dma_start3A = arith.constant 0 : i32
      %dma_start3A_57 = tpu.memref_slice %arg5[%arg0, %add3A_56, %dma_start3A] : memref<2x10240x128xf32, #tpu.memory_space<hbm>> -> memref<1x128x128xf32, #tpu.memory_space<hbm>>
      %dma_start3A_58 = tpu.memref_squeeze %dma_start3A_57 : memref<1x128x128xf32, #tpu.memory_space<hbm>> -> memref<128x128xf32, #tpu.memory_space<hbm>>
      %dma_start3A_59 = arith.constant 0 : i32
      %dma_start3A_60 = tpu.memref_slice %arg9[%add3A_54, %dma_start3A_59] : memref<10240x128xf32, #tpu.memory_space<vmem_shared>> -> memref<128x128xf32, #tpu.memory_space<vmem_shared>>
      tpu.enqueue_dma source(%dma_start3A_60 : memref<128x128xf32, #tpu.memory_space<vmem_shared>>) target(%dma_start3A_58 : memref<128x128xf32, #tpu.memory_space<hbm>>) target_semaphore(%run_scoped3A : memref<!tpu.dma_semaphore, #tpu.memory_space<semaphore_mem>>)
      %dma_wait3A = arith.constant 0 : i32
      %dma_wait3A_61 = tpu.memref_slice %arg5[%arg0, %add3A_56, %dma_wait3A] : memref<2x10240x128xf32, #tpu.memory_space<hbm>> -> memref<1x128x128xf32, #tpu.memory_space<hbm>>
      %dma_wait3A_62 = tpu.memref_squeeze %dma_wait3A_61 : memref<1x128x128xf32, #tpu.memory_space<hbm>> -> memref<128x128xf32, #tpu.memory_space<hbm>>
      %dma_wait3A_63 = arith.constant 0 : i32
      %dma_wait3A_64 = tpu.memref_slice %arg9[%add3A_54, %dma_wait3A_63] : memref<10240x128xf32, #tpu.memory_space<vmem_shared>> -> memref<128x128xf32, #tpu.memory_space<vmem_shared>>
      tpu.wait_dma2 semaphore(%run_scoped3A : memref<!tpu.dma_semaphore, #tpu.memory_space<semaphore_mem>>) src(%dma_wait3A_64 : memref<128x128xf32, #tpu.memory_space<vmem_shared>>) dst(%dma_wait3A_62 : memref<128x128xf32, #tpu.memory_space<hbm>>)
      tpu.yield
    }) : () -> ()
    return
  }
}

#map = affine_map<(d0, d1) -> (0, 0)>
#map1 = affine_map<(d0, d1) -> (0, 0, 0)>
module attributes {stable_mosaic.version = 14 : i64} {
  func.func @agg_kernel(%arg0: i32, %arg1: i32, %arg2: memref<10000x128xf32, #tpu.memory_space<hbm>>, %arg3: memref<32x99x128xi32, #tpu.memory_space<hbm>>, %arg4: memref<32x99x128xi32, #tpu.memory_space<hbm>>, %arg5: memref<2x10240x128xf32, #tpu.memory_space<hbm>>, %arg6: memref<99x128xi32, #tpu.memory_space<vmem>>, %arg7: memref<99x128xi32, #tpu.memory_space<vmem>>, %arg8: memref<128x128xf32, #tpu.memory_space<vmem>>, %arg9: memref<10240x128xf32, #tpu.memory_space<vmem_shared>>, %arg10: memref<!tpu.dma_semaphore, #tpu.memory_space<semaphore_mem>>) attributes {dimension_semantics = [#tpu.dimension_semantics<core_parallel>, #tpu.dimension_semantics<subcore_parallel>], iteration_bounds = array<i64: 2, 16>, scalar_prefetch = 0 : i64, scratch_operands = 5 : i64, tpu.core_type = #tpu.core_type<sc_vector_subcore>, window_params = [{transform_indices = #map}, {transform_indices = #map1}, {transform_indices = #map1}, {transform_indices = #map1}]} {
    %mul3A = arith.constant 2 : i32
    %mul3A_0 = arith.muli %arg1, %mul3A : i32
    %add3A = arith.addi %mul3A_0, %arg0 : i32
    %broadcast_in_dim3A = arith.constant 0.000000e+00 : f32
    %broadcast_in_dim3A_1 = vector.broadcast %broadcast_in_dim3A : f32 to vector<16xf32>
    %scan3A = arith.constant 0 : i32
    %scan3A_2 = arith.constant 128 : i32
    %scan3A_3 = arith.addi %scan3A, %scan3A_2 : i32
    %scan3A_4 = arith.constant 1 : i32
    scf.for %scan3A_57 = %scan3A to %scan3A_3 step %scan3A_4  : i32 {
      %mul3A_58 = arith.constant 1 : i32
      %mul3A_59 = arith.muli %scan3A_57, %mul3A_58 : i32
      %add3A_60 = arith.constant 0 : i32
      %add3A_61 = arith.addi %add3A_60, %mul3A_59 : i32
      %swap3A = arith.index_cast %add3A_61 : i32 to index
      %swap3A_62 = arith.constant 0 : index
      %swap3A_63 = tpu.vector_load %arg8[%swap3A, %swap3A_62] {strides = array<i32>} : memref<128x128xf32, #tpu.memory_space<vmem>>, vector<1x16xf32>,
      %swap3A_64 = vector.shape_cast %swap3A_63 : vector<1x16xf32> to vector<16xf32>
      %swap3A_65 = vector.shape_cast %broadcast_in_dim3A_1 : vector<16xf32> to vector<1x16xf32>
      tpu.vector_store %arg8[%swap3A, %swap3A_62], %swap3A_65 {strides = array<i32>} : memref<128x128xf32, #tpu.memory_space<vmem>>, vector<1x16xf32>,
      %swap3A_66 = arith.index_cast %add3A_61 : i32 to index
      %swap3A_67 = arith.constant 16 : index
      %swap3A_68 = tpu.vector_load %arg8[%swap3A_66, %swap3A_67] {strides = array<i32>} : memref<128x128xf32, #tpu.memory_space<vmem>>, vector<1x16xf32>,
      %swap3A_69 = vector.shape_cast %swap3A_68 : vector<1x16xf32> to vector<16xf32>
      %swap3A_70 = vector.shape_cast %broadcast_in_dim3A_1 : vector<16xf32> to vector<1x16xf32>
      tpu.vector_store %arg8[%swap3A_66, %swap3A_67], %swap3A_70 {strides = array<i32>} : memref<128x128xf32, #tpu.memory_space<vmem>>, vector<1x16xf32>,
      %swap3A_71 = arith.index_cast %add3A_61 : i32 to index
      %swap3A_72 = arith.constant 32 : index
      %swap3A_73 = tpu.vector_load %arg8[%swap3A_71, %swap3A_72] {strides = array<i32>} : memref<128x128xf32, #tpu.memory_space<vmem>>, vector<1x16xf32>,
      %swap3A_74 = vector.shape_cast %swap3A_73 : vector<1x16xf32> to vector<16xf32>
      %swap3A_75 = vector.shape_cast %broadcast_in_dim3A_1 : vector<16xf32> to vector<1x16xf32>
      tpu.vector_store %arg8[%swap3A_71, %swap3A_72], %swap3A_75 {strides = array<i32>} : memref<128x128xf32, #tpu.memory_space<vmem>>, vector<1x16xf32>,
      %swap3A_76 = arith.index_cast %add3A_61 : i32 to index
      %swap3A_77 = arith.constant 48 : index
      %swap3A_78 = tpu.vector_load %arg8[%swap3A_76, %swap3A_77] {strides = array<i32>} : memref<128x128xf32, #tpu.memory_space<vmem>>, vector<1x16xf32>,
      %swap3A_79 = vector.shape_cast %swap3A_78 : vector<1x16xf32> to vector<16xf32>
      %swap3A_80 = vector.shape_cast %broadcast_in_dim3A_1 : vector<16xf32> to vector<1x16xf32>
      tpu.vector_store %arg8[%swap3A_76, %swap3A_77], %swap3A_80 {strides = array<i32>} : memref<128x128xf32, #tpu.memory_space<vmem>>, vector<1x16xf32>,
      %swap3A_81 = arith.index_cast %add3A_61 : i32 to index
      %swap3A_82 = arith.constant 64 : index
      %swap3A_83 = tpu.vector_load %arg8[%swap3A_81, %swap3A_82] {strides = array<i32>} : memref<128x128xf32, #tpu.memory_space<vmem>>, vector<1x16xf32>,
      %swap3A_84 = vector.shape_cast %swap3A_83 : vector<1x16xf32> to vector<16xf32>
      %swap3A_85 = vector.shape_cast %broadcast_in_dim3A_1 : vector<16xf32> to vector<1x16xf32>
      tpu.vector_store %arg8[%swap3A_81, %swap3A_82], %swap3A_85 {strides = array<i32>} : memref<128x128xf32, #tpu.memory_space<vmem>>, vector<1x16xf32>,
      %swap3A_86 = arith.index_cast %add3A_61 : i32 to index
      %swap3A_87 = arith.constant 80 : index
      %swap3A_88 = tpu.vector_load %arg8[%swap3A_86, %swap3A_87] {strides = array<i32>} : memref<128x128xf32, #tpu.memory_space<vmem>>, vector<1x16xf32>,
      %swap3A_89 = vector.shape_cast %swap3A_88 : vector<1x16xf32> to vector<16xf32>
      %swap3A_90 = vector.shape_cast %broadcast_in_dim3A_1 : vector<16xf32> to vector<1x16xf32>
      tpu.vector_store %arg8[%swap3A_86, %swap3A_87], %swap3A_90 {strides = array<i32>} : memref<128x128xf32, #tpu.memory_space<vmem>>, vector<1x16xf32>,
      %swap3A_91 = arith.index_cast %add3A_61 : i32 to index
      %swap3A_92 = arith.constant 96 : index
      %swap3A_93 = tpu.vector_load %arg8[%swap3A_91, %swap3A_92] {strides = array<i32>} : memref<128x128xf32, #tpu.memory_space<vmem>>, vector<1x16xf32>,
      %swap3A_94 = vector.shape_cast %swap3A_93 : vector<1x16xf32> to vector<16xf32>
      %swap3A_95 = vector.shape_cast %broadcast_in_dim3A_1 : vector<16xf32> to vector<1x16xf32>
      tpu.vector_store %arg8[%swap3A_91, %swap3A_92], %swap3A_95 {strides = array<i32>} : memref<128x128xf32, #tpu.memory_space<vmem>>, vector<1x16xf32>,
      %swap3A_96 = arith.index_cast %add3A_61 : i32 to index
      %swap3A_97 = arith.constant 112 : index
      %swap3A_98 = tpu.vector_load %arg8[%swap3A_96, %swap3A_97] {strides = array<i32>} : memref<128x128xf32, #tpu.memory_space<vmem>>, vector<1x16xf32>,
      %swap3A_99 = vector.shape_cast %swap3A_98 : vector<1x16xf32> to vector<16xf32>
      %swap3A_100 = vector.shape_cast %broadcast_in_dim3A_1 : vector<16xf32> to vector<1x16xf32>
      tpu.vector_store %arg8[%swap3A_96, %swap3A_97], %swap3A_100 {strides = array<i32>} : memref<128x128xf32, #tpu.memory_space<vmem>>, vector<1x16xf32>,
    }
    %scan3A_5 = arith.constant 128 : i32
    %mul3A_6 = arith.constant 640 : i32
    %mul3A_7 = arith.muli %arg1, %mul3A_6 : i32
    %add3A_8 = arith.constant 0 : i32
    %add3A_9 = arith.addi %mul3A_7, %add3A_8 : i32
    "tpu.region"() ({
      %run_scoped3A = tpu.sem_alloc : memref<!tpu.dma_semaphore, #tpu.memory_space<semaphore_mem>>
      %dma_start3A = arith.constant 0 : i32
      %dma_start3A_57 = arith.constant 0 : i32
      %dma_start3A_58 = tpu.memref_slice %arg8[%dma_start3A, %dma_start3A_57] : memref<128x128xf32, #tpu.memory_space<vmem>> -> memref<128x128xf32, #tpu.memory_space<vmem>>
      %dma_start3A_59 = arith.constant 0 : i32
      %dma_start3A_60 = tpu.memref_slice %arg9[%add3A_9, %dma_start3A_59] : memref<10240x128xf32, #tpu.memory_space<vmem_shared>> -> memref<128x128xf32, #tpu.memory_space<vmem_shared>>
      %dma_start3A_61 = arith.constant 0 : i32
      %dma_start3A_62 = tpu.memref_slice %arg9[%add3A_9, %dma_start3A_61] : memref<10240x128xf32, #tpu.memory_space<vmem_shared>> -> memref<128x128xf32, #tpu.memory_space<vmem_shared>>
      %dma_start3A_63 = arith.constant 0 : i32
      %dma_start3A_64 = arith.constant 0 : i32
      %dma_start3A_65 = tpu.memref_slice %arg8[%dma_start3A_63, %dma_start3A_64] : memref<128x128xf32, #tpu.memory_space<vmem>> -> memref<128x128xf32, #tpu.memory_space<vmem>>
      tpu.enqueue_dma source(%dma_start3A_65 : memref<128x128xf32, #tpu.memory_space<vmem>>) target(%dma_start3A_62 : memref<128x128xf32, #tpu.memory_space<vmem_shared>>) target_semaphore(%run_scoped3A : memref<!tpu.dma_semaphore, #tpu.memory_space<semaphore_mem>>)
      %dma_wait3A = arith.constant 0 : i32
      %dma_wait3A_66 = arith.constant 0 : i32
      %dma_wait3A_67 = tpu.memref_slice %arg8[%dma_wait3A, %dma_wait3A_66] : memref<128x128xf32, #tpu.memory_space<vmem>> -> memref<128x128xf32, #tpu.memory_space<vmem>>
      %dma_wait3A_68 = arith.constant 0 : i32
      %dma_wait3A_69 = tpu.memref_slice %arg9[%add3A_9, %dma_wait3A_68] : memref<10240x128xf32, #tpu.memory_space<vmem_shared>> -> memref<128x128xf32, #tpu.memory_space<vmem_shared>>
      %dma_wait3A_70 = arith.constant 0 : i32
      %dma_wait3A_71 = tpu.memref_slice %arg9[%add3A_9, %dma_wait3A_70] : memref<10240x128xf32, #tpu.memory_space<vmem_shared>> -> memref<128x128xf32, #tpu.memory_space<vmem_shared>>
      %dma_wait3A_72 = arith.constant 0 : i32
      %dma_wait3A_73 = arith.constant 0 : i32
      %dma_wait3A_74 = tpu.memref_slice %arg8[%dma_wait3A_72, %dma_wait3A_73] : memref<128x128xf32, #tpu.memory_space<vmem>> -> memref<128x128xf32, #tpu.memory_space<vmem>>
      tpu.wait_dma2 semaphore(%run_scoped3A : memref<!tpu.dma_semaphore, #tpu.memory_space<semaphore_mem>>) src(%dma_wait3A_74 : memref<128x128xf32, #tpu.memory_space<vmem>>) dst(%dma_wait3A_71 : memref<128x128xf32, #tpu.memory_space<vmem_shared>>)
      tpu.yield
    }) : () -> ()
    %add3A_10 = arith.constant 128 : i32
    %add3A_11 = arith.addi %mul3A_7, %add3A_10 : i32
    "tpu.region"() ({
      %run_scoped3A = tpu.sem_alloc : memref<!tpu.dma_semaphore, #tpu.memory_space<semaphore_mem>>
      %dma_start3A = arith.constant 0 : i32
      %dma_start3A_57 = arith.constant 0 : i32
      %dma_start3A_58 = tpu.memref_slice %arg8[%dma_start3A, %dma_start3A_57] : memref<128x128xf32, #tpu.memory_space<vmem>> -> memref<128x128xf32, #tpu.memory_space<vmem>>
      %dma_start3A_59 = arith.constant 0 : i32
      %dma_start3A_60 = tpu.memref_slice %arg9[%add3A_11, %dma_start3A_59] : memref<10240x128xf32, #tpu.memory_space<vmem_shared>> -> memref<128x128xf32, #tpu.memory_space<vmem_shared>>
      %dma_start3A_61 = arith.constant 0 : i32
      %dma_start3A_62 = tpu.memref_slice %arg9[%add3A_11, %dma_start3A_61] : memref<10240x128xf32, #tpu.memory_space<vmem_shared>> -> memref<128x128xf32, #tpu.memory_space<vmem_shared>>
      %dma_start3A_63 = arith.constant 0 : i32
      %dma_start3A_64 = arith.constant 0 : i32
      %dma_start3A_65 = tpu.memref_slice %arg8[%dma_start3A_63, %dma_start3A_64] : memref<128x128xf32, #tpu.memory_space<vmem>> -> memref<128x128xf32, #tpu.memory_space<vmem>>
      tpu.enqueue_dma source(%dma_start3A_65 : memref<128x128xf32, #tpu.memory_space<vmem>>) target(%dma_start3A_62 : memref<128x128xf32, #tpu.memory_space<vmem_shared>>) target_semaphore(%run_scoped3A : memref<!tpu.dma_semaphore, #tpu.memory_space<semaphore_mem>>)
      %dma_wait3A = arith.constant 0 : i32
      %dma_wait3A_66 = arith.constant 0 : i32
      %dma_wait3A_67 = tpu.memref_slice %arg8[%dma_wait3A, %dma_wait3A_66] : memref<128x128xf32, #tpu.memory_space<vmem>> -> memref<128x128xf32, #tpu.memory_space<vmem>>
      %dma_wait3A_68 = arith.constant 0 : i32
      %dma_wait3A_69 = tpu.memref_slice %arg9[%add3A_11, %dma_wait3A_68] : memref<10240x128xf32, #tpu.memory_space<vmem_shared>> -> memref<128x128xf32, #tpu.memory_space<vmem_shared>>
      %dma_wait3A_70 = arith.constant 0 : i32
      %dma_wait3A_71 = tpu.memref_slice %arg9[%add3A_11, %dma_wait3A_70] : memref<10240x128xf32, #tpu.memory_space<vmem_shared>> -> memref<128x128xf32, #tpu.memory_space<vmem_shared>>
      %dma_wait3A_72 = arith.constant 0 : i32
      %dma_wait3A_73 = arith.constant 0 : i32
      %dma_wait3A_74 = tpu.memref_slice %arg8[%dma_wait3A_72, %dma_wait3A_73] : memref<128x128xf32, #tpu.memory_space<vmem>> -> memref<128x128xf32, #tpu.memory_space<vmem>>
      tpu.wait_dma2 semaphore(%run_scoped3A : memref<!tpu.dma_semaphore, #tpu.memory_space<semaphore_mem>>) src(%dma_wait3A_74 : memref<128x128xf32, #tpu.memory_space<vmem>>) dst(%dma_wait3A_71 : memref<128x128xf32, #tpu.memory_space<vmem_shared>>)
      tpu.yield
    }) : () -> ()
    %add3A_12 = arith.constant 256 : i32
    %add3A_13 = arith.addi %mul3A_7, %add3A_12 : i32
    "tpu.region"() ({
      %run_scoped3A = tpu.sem_alloc : memref<!tpu.dma_semaphore, #tpu.memory_space<semaphore_mem>>
      %dma_start3A = arith.constant 0 : i32
      %dma_start3A_57 = arith.constant 0 : i32
      %dma_start3A_58 = tpu.memref_slice %arg8[%dma_start3A, %dma_start3A_57] : memref<128x128xf32, #tpu.memory_space<vmem>> -> memref<128x128xf32, #tpu.memory_space<vmem>>
      %dma_start3A_59 = arith.constant 0 : i32
      %dma_start3A_60 = tpu.memref_slice %arg9[%add3A_13, %dma_start3A_59] : memref<10240x128xf32, #tpu.memory_space<vmem_shared>> -> memref<128x128xf32, #tpu.memory_space<vmem_shared>>
      %dma_start3A_61 = arith.constant 0 : i32
      %dma_start3A_62 = tpu.memref_slice %arg9[%add3A_13, %dma_start3A_61] : memref<10240x128xf32, #tpu.memory_space<vmem_shared>> -> memref<128x128xf32, #tpu.memory_space<vmem_shared>>
      %dma_start3A_63 = arith.constant 0 : i32
      %dma_start3A_64 = arith.constant 0 : i32
      %dma_start3A_65 = tpu.memref_slice %arg8[%dma_start3A_63, %dma_start3A_64] : memref<128x128xf32, #tpu.memory_space<vmem>> -> memref<128x128xf32, #tpu.memory_space<vmem>>
      tpu.enqueue_dma source(%dma_start3A_65 : memref<128x128xf32, #tpu.memory_space<vmem>>) target(%dma_start3A_62 : memref<128x128xf32, #tpu.memory_space<vmem_shared>>) target_semaphore(%run_scoped3A : memref<!tpu.dma_semaphore, #tpu.memory_space<semaphore_mem>>)
      %dma_wait3A = arith.constant 0 : i32
      %dma_wait3A_66 = arith.constant 0 : i32
      %dma_wait3A_67 = tpu.memref_slice %arg8[%dma_wait3A, %dma_wait3A_66] : memref<128x128xf32, #tpu.memory_space<vmem>> -> memref<128x128xf32, #tpu.memory_space<vmem>>
      %dma_wait3A_68 = arith.constant 0 : i32
      %dma_wait3A_69 = tpu.memref_slice %arg9[%add3A_13, %dma_wait3A_68] : memref<10240x128xf32, #tpu.memory_space<vmem_shared>> -> memref<128x128xf32, #tpu.memory_space<vmem_shared>>
      %dma_wait3A_70 = arith.constant 0 : i32
      %dma_wait3A_71 = tpu.memref_slice %arg9[%add3A_13, %dma_wait3A_70] : memref<10240x128xf32, #tpu.memory_space<vmem_shared>> -> memref<128x128xf32, #tpu.memory_space<vmem_shared>>
      %dma_wait3A_72 = arith.constant 0 : i32
      %dma_wait3A_73 = arith.constant 0 : i32
      %dma_wait3A_74 = tpu.memref_slice %arg8[%dma_wait3A_72, %dma_wait3A_73] : memref<128x128xf32, #tpu.memory_space<vmem>> -> memref<128x128xf32, #tpu.memory_space<vmem>>
      tpu.wait_dma2 semaphore(%run_scoped3A : memref<!tpu.dma_semaphore, #tpu.memory_space<semaphore_mem>>) src(%dma_wait3A_74 : memref<128x128xf32, #tpu.memory_space<vmem>>) dst(%dma_wait3A_71 : memref<128x128xf32, #tpu.memory_space<vmem_shared>>)
      tpu.yield
    }) : () -> ()
    %add3A_14 = arith.constant 384 : i32
    %add3A_15 = arith.addi %mul3A_7, %add3A_14 : i32
    "tpu.region"() ({
      %run_scoped3A = tpu.sem_alloc : memref<!tpu.dma_semaphore, #tpu.memory_space<semaphore_mem>>
      %dma_start3A = arith.constant 0 : i32
      %dma_start3A_57 = arith.constant 0 : i32
      %dma_start3A_58 = tpu.memref_slice %arg8[%dma_start3A, %dma_start3A_57] : memref<128x128xf32, #tpu.memory_space<vmem>> -> memref<128x128xf32, #tpu.memory_space<vmem>>
      %dma_start3A_59 = arith.constant 0 : i32
      %dma_start3A_60 = tpu.memref_slice %arg9[%add3A_15, %dma_start3A_59] : memref<10240x128xf32, #tpu.memory_space<vmem_shared>> -> memref<128x128xf32, #tpu.memory_space<vmem_shared>>
      %dma_start3A_61 = arith.constant 0 : i32
      %dma_start3A_62 = tpu.memref_slice %arg9[%add3A_15, %dma_start3A_61] : memref<10240x128xf32, #tpu.memory_space<vmem_shared>> -> memref<128x128xf32, #tpu.memory_space<vmem_shared>>
      %dma_start3A_63 = arith.constant 0 : i32
      %dma_start3A_64 = arith.constant 0 : i32
      %dma_start3A_65 = tpu.memref_slice %arg8[%dma_start3A_63, %dma_start3A_64] : memref<128x128xf32, #tpu.memory_space<vmem>> -> memref<128x128xf32, #tpu.memory_space<vmem>>
      tpu.enqueue_dma source(%dma_start3A_65 : memref<128x128xf32, #tpu.memory_space<vmem>>) target(%dma_start3A_62 : memref<128x128xf32, #tpu.memory_space<vmem_shared>>) target_semaphore(%run_scoped3A : memref<!tpu.dma_semaphore, #tpu.memory_space<semaphore_mem>>)
      %dma_wait3A = arith.constant 0 : i32
      %dma_wait3A_66 = arith.constant 0 : i32
      %dma_wait3A_67 = tpu.memref_slice %arg8[%dma_wait3A, %dma_wait3A_66] : memref<128x128xf32, #tpu.memory_space<vmem>> -> memref<128x128xf32, #tpu.memory_space<vmem>>
      %dma_wait3A_68 = arith.constant 0 : i32
      %dma_wait3A_69 = tpu.memref_slice %arg9[%add3A_15, %dma_wait3A_68] : memref<10240x128xf32, #tpu.memory_space<vmem_shared>> -> memref<128x128xf32, #tpu.memory_space<vmem_shared>>
      %dma_wait3A_70 = arith.constant 0 : i32
      %dma_wait3A_71 = tpu.memref_slice %arg9[%add3A_15, %dma_wait3A_70] : memref<10240x128xf32, #tpu.memory_space<vmem_shared>> -> memref<128x128xf32, #tpu.memory_space<vmem_shared>>
      %dma_wait3A_72 = arith.constant 0 : i32
      %dma_wait3A_73 = arith.constant 0 : i32
      %dma_wait3A_74 = tpu.memref_slice %arg8[%dma_wait3A_72, %dma_wait3A_73] : memref<128x128xf32, #tpu.memory_space<vmem>> -> memref<128x128xf32, #tpu.memory_space<vmem>>
      tpu.wait_dma2 semaphore(%run_scoped3A : memref<!tpu.dma_semaphore, #tpu.memory_space<semaphore_mem>>) src(%dma_wait3A_74 : memref<128x128xf32, #tpu.memory_space<vmem>>) dst(%dma_wait3A_71 : memref<128x128xf32, #tpu.memory_space<vmem_shared>>)
      tpu.yield
    }) : () -> ()
    %add3A_16 = arith.constant 512 : i32
    %add3A_17 = arith.addi %mul3A_7, %add3A_16 : i32
    "tpu.region"() ({
      %run_scoped3A = tpu.sem_alloc : memref<!tpu.dma_semaphore, #tpu.memory_space<semaphore_mem>>
      %dma_start3A = arith.constant 0 : i32
      %dma_start3A_57 = arith.constant 0 : i32
      %dma_start3A_58 = tpu.memref_slice %arg8[%dma_start3A, %dma_start3A_57] : memref<128x128xf32, #tpu.memory_space<vmem>> -> memref<128x128xf32, #tpu.memory_space<vmem>>
      %dma_start3A_59 = arith.constant 0 : i32
      %dma_start3A_60 = tpu.memref_slice %arg9[%add3A_17, %dma_start3A_59] : memref<10240x128xf32, #tpu.memory_space<vmem_shared>> -> memref<128x128xf32, #tpu.memory_space<vmem_shared>>
      %dma_start3A_61 = arith.constant 0 : i32
      %dma_start3A_62 = tpu.memref_slice %arg9[%add3A_17, %dma_start3A_61] : memref<10240x128xf32, #tpu.memory_space<vmem_shared>> -> memref<128x128xf32, #tpu.memory_space<vmem_shared>>
      %dma_start3A_63 = arith.constant 0 : i32
      %dma_start3A_64 = arith.constant 0 : i32
      %dma_start3A_65 = tpu.memref_slice %arg8[%dma_start3A_63, %dma_start3A_64] : memref<128x128xf32, #tpu.memory_space<vmem>> -> memref<128x128xf32, #tpu.memory_space<vmem>>
      tpu.enqueue_dma source(%dma_start3A_65 : memref<128x128xf32, #tpu.memory_space<vmem>>) target(%dma_start3A_62 : memref<128x128xf32, #tpu.memory_space<vmem_shared>>) target_semaphore(%run_scoped3A : memref<!tpu.dma_semaphore, #tpu.memory_space<semaphore_mem>>)
      %dma_wait3A = arith.constant 0 : i32
      %dma_wait3A_66 = arith.constant 0 : i32
      %dma_wait3A_67 = tpu.memref_slice %arg8[%dma_wait3A, %dma_wait3A_66] : memref<128x128xf32, #tpu.memory_space<vmem>> -> memref<128x128xf32, #tpu.memory_space<vmem>>
      %dma_wait3A_68 = arith.constant 0 : i32
      %dma_wait3A_69 = tpu.memref_slice %arg9[%add3A_17, %dma_wait3A_68] : memref<10240x128xf32, #tpu.memory_space<vmem_shared>> -> memref<128x128xf32, #tpu.memory_space<vmem_shared>>
      %dma_wait3A_70 = arith.constant 0 : i32
      %dma_wait3A_71 = tpu.memref_slice %arg9[%add3A_17, %dma_wait3A_70] : memref<10240x128xf32, #tpu.memory_space<vmem_shared>> -> memref<128x128xf32, #tpu.memory_space<vmem_shared>>
      %dma_wait3A_72 = arith.constant 0 : i32
      %dma_wait3A_73 = arith.constant 0 : i32
      %dma_wait3A_74 = tpu.memref_slice %arg8[%dma_wait3A_72, %dma_wait3A_73] : memref<128x128xf32, #tpu.memory_space<vmem>> -> memref<128x128xf32, #tpu.memory_space<vmem>>
      tpu.wait_dma2 semaphore(%run_scoped3A : memref<!tpu.dma_semaphore, #tpu.memory_space<semaphore_mem>>) src(%dma_wait3A_74 : memref<128x128xf32, #tpu.memory_space<vmem>>) dst(%dma_wait3A_71 : memref<128x128xf32, #tpu.memory_space<vmem_shared>>)
      tpu.yield
    }) : () -> ()
    "tpu.region"() ({
      %run_scoped3A = tpu.sem_alloc : memref<!tpu.dma_semaphore, #tpu.memory_space<semaphore_mem>>
      %dma_start3A = arith.constant 0 : i32
      %dma_start3A_57 = arith.constant 0 : i32
      %dma_start3A_58 = tpu.memref_slice %arg3[%add3A, %dma_start3A, %dma_start3A_57] : memref<32x99x128xi32, #tpu.memory_space<hbm>> -> memref<1x99x128xi32, #tpu.memory_space<hbm>>
      %dma_start3A_59 = tpu.memref_squeeze %dma_start3A_58 : memref<1x99x128xi32, #tpu.memory_space<hbm>> -> memref<99x128xi32, #tpu.memory_space<hbm>>
      %dma_start3A_60 = arith.constant 0 : i32
      %dma_start3A_61 = arith.constant 0 : i32
      %dma_start3A_62 = tpu.memref_slice %arg3[%add3A, %dma_start3A_60, %dma_start3A_61] : memref<32x99x128xi32, #tpu.memory_space<hbm>> -> memref<1x99x128xi32, #tpu.memory_space<hbm>>
      %dma_start3A_63 = tpu.memref_squeeze %dma_start3A_62 : memref<1x99x128xi32, #tpu.memory_space<hbm>> -> memref<99x128xi32, #tpu.memory_space<hbm>>
      tpu.enqueue_dma source(%dma_start3A_63 : memref<99x128xi32, #tpu.memory_space<hbm>>) target(%arg6 : memref<99x128xi32, #tpu.memory_space<vmem>>) target_semaphore(%run_scoped3A : memref<!tpu.dma_semaphore, #tpu.memory_space<semaphore_mem>>)
      %dma_wait3A = arith.constant 0 : i32
      %dma_wait3A_64 = arith.constant 0 : i32
      %dma_wait3A_65 = tpu.memref_slice %arg3[%add3A, %dma_wait3A, %dma_wait3A_64] : memref<32x99x128xi32, #tpu.memory_space<hbm>> -> memref<1x99x128xi32, #tpu.memory_space<hbm>>
      %dma_wait3A_66 = tpu.memref_squeeze %dma_wait3A_65 : memref<1x99x128xi32, #tpu.memory_space<hbm>> -> memref<99x128xi32, #tpu.memory_space<hbm>>
      %dma_wait3A_67 = arith.constant 0 : i32
      %dma_wait3A_68 = arith.constant 0 : i32
      %dma_wait3A_69 = tpu.memref_slice %arg3[%add3A, %dma_wait3A_67, %dma_wait3A_68] : memref<32x99x128xi32, #tpu.memory_space<hbm>> -> memref<1x99x128xi32, #tpu.memory_space<hbm>>
      %dma_wait3A_70 = tpu.memref_squeeze %dma_wait3A_69 : memref<1x99x128xi32, #tpu.memory_space<hbm>> -> memref<99x128xi32, #tpu.memory_space<hbm>>
      tpu.wait_dma2 semaphore(%run_scoped3A : memref<!tpu.dma_semaphore, #tpu.memory_space<semaphore_mem>>) src(%dma_wait3A_70 : memref<99x128xi32, #tpu.memory_space<hbm>>) dst(%arg6 : memref<99x128xi32, #tpu.memory_space<vmem>>)
      tpu.yield
    }) : () -> ()
    "tpu.region"() ({
      %run_scoped3A = tpu.sem_alloc : memref<!tpu.dma_semaphore, #tpu.memory_space<semaphore_mem>>
      %dma_start3A = arith.constant 0 : i32
      %dma_start3A_57 = arith.constant 0 : i32
      %dma_start3A_58 = tpu.memref_slice %arg4[%add3A, %dma_start3A, %dma_start3A_57] : memref<32x99x128xi32, #tpu.memory_space<hbm>> -> memref<1x99x128xi32, #tpu.memory_space<hbm>>
      %dma_start3A_59 = tpu.memref_squeeze %dma_start3A_58 : memref<1x99x128xi32, #tpu.memory_space<hbm>> -> memref<99x128xi32, #tpu.memory_space<hbm>>
      %dma_start3A_60 = arith.constant 0 : i32
      %dma_start3A_61 = arith.constant 0 : i32
      %dma_start3A_62 = tpu.memref_slice %arg4[%add3A, %dma_start3A_60, %dma_start3A_61] : memref<32x99x128xi32, #tpu.memory_space<hbm>> -> memref<1x99x128xi32, #tpu.memory_space<hbm>>
      %dma_start3A_63 = tpu.memref_squeeze %dma_start3A_62 : memref<1x99x128xi32, #tpu.memory_space<hbm>> -> memref<99x128xi32, #tpu.memory_space<hbm>>
      tpu.enqueue_dma source(%dma_start3A_63 : memref<99x128xi32, #tpu.memory_space<hbm>>) target(%arg7 : memref<99x128xi32, #tpu.memory_space<vmem>>) target_semaphore(%run_scoped3A : memref<!tpu.dma_semaphore, #tpu.memory_space<semaphore_mem>>)
      %dma_wait3A = arith.constant 0 : i32
      %dma_wait3A_64 = arith.constant 0 : i32
      %dma_wait3A_65 = tpu.memref_slice %arg4[%add3A, %dma_wait3A, %dma_wait3A_64] : memref<32x99x128xi32, #tpu.memory_space<hbm>> -> memref<1x99x128xi32, #tpu.memory_space<hbm>>
      %dma_wait3A_66 = tpu.memref_squeeze %dma_wait3A_65 : memref<1x99x128xi32, #tpu.memory_space<hbm>> -> memref<99x128xi32, #tpu.memory_space<hbm>>
      %dma_wait3A_67 = arith.constant 0 : i32
      %dma_wait3A_68 = arith.constant 0 : i32
      %dma_wait3A_69 = tpu.memref_slice %arg4[%add3A, %dma_wait3A_67, %dma_wait3A_68] : memref<32x99x128xi32, #tpu.memory_space<hbm>> -> memref<1x99x128xi32, #tpu.memory_space<hbm>>
      %dma_wait3A_70 = tpu.memref_squeeze %dma_wait3A_69 : memref<1x99x128xi32, #tpu.memory_space<hbm>> -> memref<99x128xi32, #tpu.memory_space<hbm>>
      tpu.wait_dma2 semaphore(%run_scoped3A : memref<!tpu.dma_semaphore, #tpu.memory_space<semaphore_mem>>) src(%dma_wait3A_70 : memref<99x128xi32, #tpu.memory_space<hbm>>) dst(%arg7 : memref<99x128xi32, #tpu.memory_space<vmem>>)
      tpu.yield
    }) : () -> ()
    %barrier3A = arith.constant 0 : index
    tpu.barrier barrier_id(%barrier3A)
    %eq3A = arith.constant 0 : i32
    %eq3A_18 = arith.cmpi eq, %arg0, %eq3A : i32
    %jit3A = arith.constant 99 : i32
    %jit3A_19 = arith.constant 59 : i32
    %select_n3A = arith.select %eq3A_18, %jit3A, %jit3A_19 : i32
    %sub3A = arith.constant 0 : i32
    %sub3A_20 = arith.subi %select_n3A, %sub3A : i32
    %sub3A_21 = arith.constant 1 : i32
    %sub3A_22 = arith.constant 1 : i32
    %sub3A_23 = arith.subi %sub3A_21, %sub3A_22 : i32
    %add3A_24 = arith.addi %sub3A_20, %sub3A_23 : i32
    %div3A = arith.constant 1 : i32
    %div3A_25 = arith.divsi %add3A_24, %div3A : i32
    %while3A = arith.constant 1 : i32
    %while3A_26 = arith.constant 0 : i32
    %while3A_27 = arith.constant 0 : i32
    %while3A_28 = arith.subi %div3A_25, %while3A_27 : i32
    %while3A_29 = arith.addi %while3A_27, %while3A_28 : i32
    %while3A_30 = arith.constant 1 : i32
    %while3A_31 = arith.divsi %while3A_28, %while3A_30 : i32
    %while3A_32 = arith.muli %while3A_31, %while3A_30 : i32
    %while3A_33 = arith.addi %while3A_27, %while3A_32 : i32
    %while3A_34 = arith.constant 1 : i32
    scf.for %while3A_57 = %while3A_27 to %while3A_33 step %while3A_34  : i32 {
      %mul3A_58 = arith.muli %while3A_57, %while3A : i32
      %add3A_59 = arith.addi %while3A_26, %mul3A_58 : i32
      %dma_start3A = arith.constant 0 : i32
      %dma_start3A_60 = tpu.memref_slice %arg6[%add3A_59, %dma_start3A] : memref<99x128xi32, #tpu.memory_space<vmem>> -> memref<1x128xi32, #tpu.memory_space<vmem>>
      %dma_start3A_61 = tpu.memref_squeeze %dma_start3A_60 : memref<1x128xi32, #tpu.memory_space<vmem>> -> memref<128xi32, #tpu.memory_space<vmem>>
      %dma_start3A_62 = arith.constant 0 : i32
      %dma_start3A_63 = arith.constant 0 : i32
      %dma_start3A_64 = tpu.memref_slice %arg2[%dma_start3A_62, %dma_start3A_63] : memref<10000x128xf32, #tpu.memory_space<hbm>> -> memref<10000x128xf32, #tpu.memory_space<hbm>>
      tpu.enqueue_indirect_dma source(%dma_start3A_64 : memref<10000x128xf32, #tpu.memory_space<hbm>>) target(%arg8 : memref<128x128xf32, #tpu.memory_space<vmem>>) offsets(%dma_start3A_61 : memref<128xi32, #tpu.memory_space<vmem>>) semaphore(%arg10 : memref<!tpu.dma_semaphore, #tpu.memory_space<semaphore_mem>>)
      %dma_wait3A = arith.constant 0 : i32
      %dma_wait3A_65 = tpu.memref_slice %arg6[%add3A_59, %dma_wait3A] : memref<99x128xi32, #tpu.memory_space<vmem>> -> memref<1x128xi32, #tpu.memory_space<vmem>>
      %dma_wait3A_66 = tpu.memref_squeeze %dma_wait3A_65 : memref<1x128xi32, #tpu.memory_space<vmem>> -> memref<128xi32, #tpu.memory_space<vmem>>
      %dma_wait3A_67 = arith.constant 0 : i32
      %dma_wait3A_68 = arith.constant 0 : i32
      %dma_wait3A_69 = tpu.memref_slice %arg2[%dma_wait3A_67, %dma_wait3A_68] : memref<10000x128xf32, #tpu.memory_space<hbm>> -> memref<10000x128xf32, #tpu.memory_space<hbm>>
      tpu.wait_indirect_dma semaphore(%arg10 : memref<!tpu.dma_semaphore, #tpu.memory_space<semaphore_mem>>) src(%dma_wait3A_69 : memref<10000x128xf32, #tpu.memory_space<hbm>>) dst(%arg8 : memref<128x128xf32, #tpu.memory_space<vmem>>)
      "tpu.region"() ({
        %run_scoped3A = tpu.sem_alloc : memref<!tpu.dma_semaphore, #tpu.memory_space<semaphore_mem>>
        %dma_start3A_70 = arith.constant 0 : i32
        %dma_start3A_71 = tpu.memref_slice %arg7[%add3A_59, %dma_start3A_70] : memref<99x128xi32, #tpu.memory_space<vmem>> -> memref<1x128xi32, #tpu.memory_space<vmem>>
        %dma_start3A_72 = tpu.memref_squeeze %dma_start3A_71 : memref<1x128xi32, #tpu.memory_space<vmem>> -> memref<128xi32, #tpu.memory_space<vmem>>
        %dma_start3A_73 = arith.constant 0 : i32
        %dma_start3A_74 = arith.constant 0 : i32
        %dma_start3A_75 = tpu.memref_slice %arg9[%dma_start3A_73, %dma_start3A_74] : memref<10240x128xf32, #tpu.memory_space<vmem_shared>> -> memref<10240x128xf32, #tpu.memory_space<vmem_shared>>
        tpu.enqueue_indirect_dma source(%arg8 : memref<128x128xf32, #tpu.memory_space<vmem>>) target(%dma_start3A_75 : memref<10240x128xf32, #tpu.memory_space<vmem_shared>>) offsets(%dma_start3A_72 : memref<128xi32, #tpu.memory_space<vmem>>) semaphore(%run_scoped3A : memref<!tpu.dma_semaphore, #tpu.memory_space<semaphore_mem>>) {add = true}
        %dma_wait3A_76 = arith.constant 0 : i32
        %dma_wait3A_77 = tpu.memref_slice %arg7[%add3A_59, %dma_wait3A_76] : memref<99x128xi32, #tpu.memory_space<vmem>> -> memref<1x128xi32, #tpu.memory_space<vmem>>
        %dma_wait3A_78 = tpu.memref_squeeze %dma_wait3A_77 : memref<1x128xi32, #tpu.memory_space<vmem>> -> memref<128xi32, #tpu.memory_space<vmem>>
        %dma_wait3A_79 = arith.constant 0 : i32
        %dma_wait3A_80 = arith.constant 0 : i32
        %dma_wait3A_81 = tpu.memref_slice %arg9[%dma_wait3A_79, %dma_wait3A_80] : memref<10240x128xf32, #tpu.memory_space<vmem_shared>> -> memref<10240x128xf32, #tpu.memory_space<vmem_shared>>
        tpu.wait_indirect_dma semaphore(%run_scoped3A : memref<!tpu.dma_semaphore, #tpu.memory_space<semaphore_mem>>) src(%arg8 : memref<128x128xf32, #tpu.memory_space<vmem>>) dst(%dma_wait3A_81 : memref<10240x128xf32, #tpu.memory_space<vmem_shared>>)
        tpu.yield
      }) : () -> ()
    }
    %while3A_35 = arith.constant 1 : i32
    scf.for %while3A_57 = %while3A_33 to %while3A_29 step %while3A_35  : i32 {
      %mul3A_58 = arith.muli %while3A_57, %while3A : i32
      %add3A_59 = arith.addi %while3A_26, %mul3A_58 : i32
      %dma_start3A = arith.constant 0 : i32
      %dma_start3A_60 = tpu.memref_slice %arg6[%add3A_59, %dma_start3A] : memref<99x128xi32, #tpu.memory_space<vmem>> -> memref<1x128xi32, #tpu.memory_space<vmem>>
      %dma_start3A_61 = tpu.memref_squeeze %dma_start3A_60 : memref<1x128xi32, #tpu.memory_space<vmem>> -> memref<128xi32, #tpu.memory_space<vmem>>
      %dma_start3A_62 = arith.constant 0 : i32
      %dma_start3A_63 = arith.constant 0 : i32
      %dma_start3A_64 = tpu.memref_slice %arg2[%dma_start3A_62, %dma_start3A_63] : memref<10000x128xf32, #tpu.memory_space<hbm>> -> memref<10000x128xf32, #tpu.memory_space<hbm>>
      tpu.enqueue_indirect_dma source(%dma_start3A_64 : memref<10000x128xf32, #tpu.memory_space<hbm>>) target(%arg8 : memref<128x128xf32, #tpu.memory_space<vmem>>) offsets(%dma_start3A_61 : memref<128xi32, #tpu.memory_space<vmem>>) semaphore(%arg10 : memref<!tpu.dma_semaphore, #tpu.memory_space<semaphore_mem>>)
      %dma_wait3A = arith.constant 0 : i32
      %dma_wait3A_65 = tpu.memref_slice %arg6[%add3A_59, %dma_wait3A] : memref<99x128xi32, #tpu.memory_space<vmem>> -> memref<1x128xi32, #tpu.memory_space<vmem>>
      %dma_wait3A_66 = tpu.memref_squeeze %dma_wait3A_65 : memref<1x128xi32, #tpu.memory_space<vmem>> -> memref<128xi32, #tpu.memory_space<vmem>>
      %dma_wait3A_67 = arith.constant 0 : i32
      %dma_wait3A_68 = arith.constant 0 : i32
      %dma_wait3A_69 = tpu.memref_slice %arg2[%dma_wait3A_67, %dma_wait3A_68] : memref<10000x128xf32, #tpu.memory_space<hbm>> -> memref<10000x128xf32, #tpu.memory_space<hbm>>
      tpu.wait_indirect_dma semaphore(%arg10 : memref<!tpu.dma_semaphore, #tpu.memory_space<semaphore_mem>>) src(%dma_wait3A_69 : memref<10000x128xf32, #tpu.memory_space<hbm>>) dst(%arg8 : memref<128x128xf32, #tpu.memory_space<vmem>>)
      "tpu.region"() ({
        %run_scoped3A = tpu.sem_alloc : memref<!tpu.dma_semaphore, #tpu.memory_space<semaphore_mem>>
        %dma_start3A_70 = arith.constant 0 : i32
        %dma_start3A_71 = tpu.memref_slice %arg7[%add3A_59, %dma_start3A_70] : memref<99x128xi32, #tpu.memory_space<vmem>> -> memref<1x128xi32, #tpu.memory_space<vmem>>
        %dma_start3A_72 = tpu.memref_squeeze %dma_start3A_71 : memref<1x128xi32, #tpu.memory_space<vmem>> -> memref<128xi32, #tpu.memory_space<vmem>>
        %dma_start3A_73 = arith.constant 0 : i32
        %dma_start3A_74 = arith.constant 0 : i32
        %dma_start3A_75 = tpu.memref_slice %arg9[%dma_start3A_73, %dma_start3A_74] : memref<10240x128xf32, #tpu.memory_space<vmem_shared>> -> memref<10240x128xf32, #tpu.memory_space<vmem_shared>>
        tpu.enqueue_indirect_dma source(%arg8 : memref<128x128xf32, #tpu.memory_space<vmem>>) target(%dma_start3A_75 : memref<10240x128xf32, #tpu.memory_space<vmem_shared>>) offsets(%dma_start3A_72 : memref<128xi32, #tpu.memory_space<vmem>>) semaphore(%run_scoped3A : memref<!tpu.dma_semaphore, #tpu.memory_space<semaphore_mem>>) {add = true}
        %dma_wait3A_76 = arith.constant 0 : i32
        %dma_wait3A_77 = tpu.memref_slice %arg7[%add3A_59, %dma_wait3A_76] : memref<99x128xi32, #tpu.memory_space<vmem>> -> memref<1x128xi32, #tpu.memory_space<vmem>>
        %dma_wait3A_78 = tpu.memref_squeeze %dma_wait3A_77 : memref<1x128xi32, #tpu.memory_space<vmem>> -> memref<128xi32, #tpu.memory_space<vmem>>
        %dma_wait3A_79 = arith.constant 0 : i32
        %dma_wait3A_80 = arith.constant 0 : i32
        %dma_wait3A_81 = tpu.memref_slice %arg9[%dma_wait3A_79, %dma_wait3A_80] : memref<10240x128xf32, #tpu.memory_space<vmem_shared>> -> memref<10240x128xf32, #tpu.memory_space<vmem_shared>>
        tpu.wait_indirect_dma semaphore(%run_scoped3A : memref<!tpu.dma_semaphore, #tpu.memory_space<semaphore_mem>>) src(%arg8 : memref<128x128xf32, #tpu.memory_space<vmem>>) dst(%dma_wait3A_81 : memref<10240x128xf32, #tpu.memory_space<vmem_shared>>)
        tpu.yield
      }) : () -> ()
    }
    %barrier3A_36 = arith.constant 0 : index
    tpu.barrier barrier_id(%barrier3A_36)
    %add3A_37 = arith.constant 0 : i32
    %add3A_38 = arith.addi %mul3A_7, %add3A_37 : i32
    %add3A_39 = arith.constant 0 : i32
    %add3A_40 = arith.addi %mul3A_7, %add3A_39 : i32
    "tpu.region"() ({
      %run_scoped3A = tpu.sem_alloc : memref<!tpu.dma_semaphore, #tpu.memory_space<semaphore_mem>>
      %dma_start3A = arith.constant 0 : i32
      %dma_start3A_57 = tpu.memref_slice %arg5[%arg0, %add3A_40, %dma_start3A] : memref<2x10240x128xf32, #tpu.memory_space<hbm>> -> memref<1x128x128xf32, #tpu.memory_space<hbm>>
      %dma_start3A_58 = tpu.memref_squeeze %dma_start3A_57 : memref<1x128x128xf32, #tpu.memory_space<hbm>> -> memref<128x128xf32, #tpu.memory_space<hbm>>
      %dma_start3A_59 = arith.constant 0 : i32
      %dma_start3A_60 = tpu.memref_slice %arg9[%add3A_38, %dma_start3A_59] : memref<10240x128xf32, #tpu.memory_space<vmem_shared>> -> memref<128x128xf32, #tpu.memory_space<vmem_shared>>
      tpu.enqueue_dma source(%dma_start3A_60 : memref<128x128xf32, #tpu.memory_space<vmem_shared>>) target(%dma_start3A_58 : memref<128x128xf32, #tpu.memory_space<hbm>>) target_semaphore(%run_scoped3A : memref<!tpu.dma_semaphore, #tpu.memory_space<semaphore_mem>>)
      %dma_wait3A = arith.constant 0 : i32
      %dma_wait3A_61 = tpu.memref_slice %arg5[%arg0, %add3A_40, %dma_wait3A] : memref<2x10240x128xf32, #tpu.memory_space<hbm>> -> memref<1x128x128xf32, #tpu.memory_space<hbm>>
      %dma_wait3A_62 = tpu.memref_squeeze %dma_wait3A_61 : memref<1x128x128xf32, #tpu.memory_space<hbm>> -> memref<128x128xf32, #tpu.memory_space<hbm>>
      %dma_wait3A_63 = arith.constant 0 : i32
      %dma_wait3A_64 = tpu.memref_slice %arg9[%add3A_38, %dma_wait3A_63] : memref<10240x128xf32, #tpu.memory_space<vmem_shared>> -> memref<128x128xf32, #tpu.memory_space<vmem_shared>>
      tpu.wait_dma2 semaphore(%run_scoped3A : memref<!tpu.dma_semaphore, #tpu.memory_space<semaphore_mem>>) src(%dma_wait3A_64 : memref<128x128xf32, #tpu.memory_space<vmem_shared>>) dst(%dma_wait3A_62 : memref<128x128xf32, #tpu.memory_space<hbm>>)
      tpu.yield
    }) : () -> ()
    %add3A_41 = arith.constant 128 : i32
    %add3A_42 = arith.addi %mul3A_7, %add3A_41 : i32
    %add3A_43 = arith.constant 128 : i32
    %add3A_44 = arith.addi %mul3A_7, %add3A_43 : i32
    "tpu.region"() ({
      %run_scoped3A = tpu.sem_alloc : memref<!tpu.dma_semaphore, #tpu.memory_space<semaphore_mem>>
      %dma_start3A = arith.constant 0 : i32
      %dma_start3A_57 = tpu.memref_slice %arg5[%arg0, %add3A_44, %dma_start3A] : memref<2x10240x128xf32, #tpu.memory_space<hbm>> -> memref<1x128x128xf32, #tpu.memory_space<hbm>>
      %dma_start3A_58 = tpu.memref_squeeze %dma_start3A_57 : memref<1x128x128xf32, #tpu.memory_space<hbm>> -> memref<128x128xf32, #tpu.memory_space<hbm>>
      %dma_start3A_59 = arith.constant 0 : i32
      %dma_start3A_60 = tpu.memref_slice %arg9[%add3A_42, %dma_start3A_59] : memref<10240x128xf32, #tpu.memory_space<vmem_shared>> -> memref<128x128xf32, #tpu.memory_space<vmem_shared>>
      tpu.enqueue_dma source(%dma_start3A_60 : memref<128x128xf32, #tpu.memory_space<vmem_shared>>) target(%dma_start3A_58 : memref<128x128xf32, #tpu.memory_space<hbm>>) target_semaphore(%run_scoped3A : memref<!tpu.dma_semaphore, #tpu.memory_space<semaphore_mem>>)
      %dma_wait3A = arith.constant 0 : i32
      %dma_wait3A_61 = tpu.memref_slice %arg5[%arg0, %add3A_44, %dma_wait3A] : memref<2x10240x128xf32, #tpu.memory_space<hbm>> -> memref<1x128x128xf32, #tpu.memory_space<hbm>>
      %dma_wait3A_62 = tpu.memref_squeeze %dma_wait3A_61 : memref<1x128x128xf32, #tpu.memory_space<hbm>> -> memref<128x128xf32, #tpu.memory_space<hbm>>
      %dma_wait3A_63 = arith.constant 0 : i32
      %dma_wait3A_64 = tpu.memref_slice %arg9[%add3A_42, %dma_wait3A_63] : memref<10240x128xf32, #tpu.memory_space<vmem_shared>> -> memref<128x128xf32, #tpu.memory_space<vmem_shared>>
      tpu.wait_dma2 semaphore(%run_scoped3A : memref<!tpu.dma_semaphore, #tpu.memory_space<semaphore_mem>>) src(%dma_wait3A_64 : memref<128x128xf32, #tpu.memory_space<vmem_shared>>) dst(%dma_wait3A_62 : memref<128x128xf32, #tpu.memory_space<hbm>>)
      tpu.yield
    }) : () -> ()
    %add3A_45 = arith.constant 256 : i32
    %add3A_46 = arith.addi %mul3A_7, %add3A_45 : i32
    %add3A_47 = arith.constant 256 : i32
    %add3A_48 = arith.addi %mul3A_7, %add3A_47 : i32
    "tpu.region"() ({
      %run_scoped3A = tpu.sem_alloc : memref<!tpu.dma_semaphore, #tpu.memory_space<semaphore_mem>>
      %dma_start3A = arith.constant 0 : i32
      %dma_start3A_57 = tpu.memref_slice %arg5[%arg0, %add3A_48, %dma_start3A] : memref<2x10240x128xf32, #tpu.memory_space<hbm>> -> memref<1x128x128xf32, #tpu.memory_space<hbm>>
      %dma_start3A_58 = tpu.memref_squeeze %dma_start3A_57 : memref<1x128x128xf32, #tpu.memory_space<hbm>> -> memref<128x128xf32, #tpu.memory_space<hbm>>
      %dma_start3A_59 = arith.constant 0 : i32
      %dma_start3A_60 = tpu.memref_slice %arg9[%add3A_46, %dma_start3A_59] : memref<10240x128xf32, #tpu.memory_space<vmem_shared>> -> memref<128x128xf32, #tpu.memory_space<vmem_shared>>
      tpu.enqueue_dma source(%dma_start3A_60 : memref<128x128xf32, #tpu.memory_space<vmem_shared>>) target(%dma_start3A_58 : memref<128x128xf32, #tpu.memory_space<hbm>>) target_semaphore(%run_scoped3A : memref<!tpu.dma_semaphore, #tpu.memory_space<semaphore_mem>>)
      %dma_wait3A = arith.constant 0 : i32
      %dma_wait3A_61 = tpu.memref_slice %arg5[%arg0, %add3A_48, %dma_wait3A] : memref<2x10240x128xf32, #tpu.memory_space<hbm>> -> memref<1x128x128xf32, #tpu.memory_space<hbm>>
      %dma_wait3A_62 = tpu.memref_squeeze %dma_wait3A_61 : memref<1x128x128xf32, #tpu.memory_space<hbm>> -> memref<128x128xf32, #tpu.memory_space<hbm>>
      %dma_wait3A_63 = arith.constant 0 : i32
      %dma_wait3A_64 = tpu.memref_slice %arg9[%add3A_46, %dma_wait3A_63] : memref<10240x128xf32, #tpu.memory_space<vmem_shared>> -> memref<128x128xf32, #tpu.memory_space<vmem_shared>>
      tpu.wait_dma2 semaphore(%run_scoped3A : memref<!tpu.dma_semaphore, #tpu.memory_space<semaphore_mem>>) src(%dma_wait3A_64 : memref<128x128xf32, #tpu.memory_space<vmem_shared>>) dst(%dma_wait3A_62 : memref<128x128xf32, #tpu.memory_space<hbm>>)
      tpu.yield
    }) : () -> ()
    %add3A_49 = arith.constant 384 : i32
    %add3A_50 = arith.addi %mul3A_7, %add3A_49 : i32
    %add3A_51 = arith.constant 384 : i32
    %add3A_52 = arith.addi %mul3A_7, %add3A_51 : i32
    "tpu.region"() ({
      %run_scoped3A = tpu.sem_alloc : memref<!tpu.dma_semaphore, #tpu.memory_space<semaphore_mem>>
      %dma_start3A = arith.constant 0 : i32
      %dma_start3A_57 = tpu.memref_slice %arg5[%arg0, %add3A_52, %dma_start3A] : memref<2x10240x128xf32, #tpu.memory_space<hbm>> -> memref<1x128x128xf32, #tpu.memory_space<hbm>>
      %dma_start3A_58 = tpu.memref_squeeze %dma_start3A_57 : memref<1x128x128xf32, #tpu.memory_space<hbm>> -> memref<128x128xf32, #tpu.memory_space<hbm>>
      %dma_start3A_59 = arith.constant 0 : i32
      %dma_start3A_60 = tpu.memref_slice %arg9[%add3A_50, %dma_start3A_59] : memref<10240x128xf32, #tpu.memory_space<vmem_shared>> -> memref<128x128xf32, #tpu.memory_space<vmem_shared>>
      tpu.enqueue_dma source(%dma_start3A_60 : memref<128x128xf32, #tpu.memory_space<vmem_shared>>) target(%dma_start3A_58 : memref<128x128xf32, #tpu.memory_space<hbm>>) target_semaphore(%run_scoped3A : memref<!tpu.dma_semaphore, #tpu.memory_space<semaphore_mem>>)
      %dma_wait3A = arith.constant 0 : i32
      %dma_wait3A_61 = tpu.memref_slice %arg5[%arg0, %add3A_52, %dma_wait3A] : memref<2x10240x128xf32, #tpu.memory_space<hbm>> -> memref<1x128x128xf32, #tpu.memory_space<hbm>>
      %dma_wait3A_62 = tpu.memref_squeeze %dma_wait3A_61 : memref<1x128x128xf32, #tpu.memory_space<hbm>> -> memref<128x128xf32, #tpu.memory_space<hbm>>
      %dma_wait3A_63 = arith.constant 0 : i32
      %dma_wait3A_64 = tpu.memref_slice %arg9[%add3A_50, %dma_wait3A_63] : memref<10240x128xf32, #tpu.memory_space<vmem_shared>> -> memref<128x128xf32, #tpu.memory_space<vmem_shared>>
      tpu.wait_dma2 semaphore(%run_scoped3A : memref<!tpu.dma_semaphore, #tpu.memory_space<semaphore_mem>>) src(%dma_wait3A_64 : memref<128x128xf32, #tpu.memory_space<vmem_shared>>) dst(%dma_wait3A_62 : memref<128x128xf32, #tpu.memory_space<hbm>>)
      tpu.yield
    }) : () -> ()
    %add3A_53 = arith.constant 512 : i32
    %add3A_54 = arith.addi %mul3A_7, %add3A_53 : i32
    %add3A_55 = arith.constant 512 : i32
    %add3A_56 = arith.addi %mul3A_7, %add3A_55 : i32
    "tpu.region"() ({
      %run_scoped3A = tpu.sem_alloc : memref<!tpu.dma_semaphore, #tpu.memory_space<semaphore_mem>>
      %dma_start3A = arith.constant 0 : i32
      %dma_start3A_57 = tpu.memref_slice %arg5[%arg0, %add3A_56, %dma_start3A] : memref<2x10240x128xf32, #tpu.memory_space<hbm>> -> memref<1x128x128xf32, #tpu.memory_space<hbm>>
      %dma_start3A_58 = tpu.memref_squeeze %dma_start3A_57 : memref<1x128x128xf32, #tpu.memory_space<hbm>> -> memref<128x128xf32, #tpu.memory_space<hbm>>
      %dma_start3A_59 = arith.constant 0 : i32
      %dma_start3A_60 = tpu.memref_slice %arg9[%add3A_54, %dma_start3A_59] : memref<10240x128xf32, #tpu.memory_space<vmem_shared>> -> memref<128x128xf32, #tpu.memory_space<vmem_shared>>
      tpu.enqueue_dma source(%dma_start3A_60 : memref<128x128xf32, #tpu.memory_space<vmem_shared>>) target(%dma_start3A_58 : memref<128x128xf32, #tpu.memory_space<hbm>>) target_semaphore(%run_scoped3A : memref<!tpu.dma_semaphore, #tpu.memory_space<semaphore_mem>>)
      %dma_wait3A = arith.constant 0 : i32
      %dma_wait3A_61 = tpu.memref_slice %arg5[%arg0, %add3A_56, %dma_wait3A] : memref<2x10240x128xf32, #tpu.memory_space<hbm>> -> memref<1x128x128xf32, #tpu.memory_space<hbm>>
      %dma_wait3A_62 = tpu.memref_squeeze %dma_wait3A_61 : memref<1x128x128xf32, #tpu.memory_space<hbm>> -> memref<128x128xf32, #tpu.memory_space<hbm>>
      %dma_wait3A_63 = arith.constant 0 : i32
      %dma_wait3A_64 = tpu.memref_slice %arg9[%add3A_54, %dma_wait3A_63] : memref<10240x128xf32, #tpu.memory_space<vmem_shared>> -> memref<128x128xf32, #tpu.memory_space<vmem_shared>>
      tpu.wait_dma2 semaphore(%run_scoped3A : memref<!tpu.dma_semaphore, #tpu.memory_space<semaphore_mem>>) src(%dma_wait3A_64 : memref<128x128xf32, #tpu.memory_space<vmem_shared>>) dst(%dma_wait3A_62 : memref<128x128xf32, #tpu.memory_space<hbm>>)
      tpu.yield
    }) : () -> ()
    return
  }
}

module attributes {stable_mosaic.version = 14 : i64} {
  func.func @_mm_body(%arg0: i32, %arg1: memref<400x128xf32, #tpu.memory_space<vmem>>, %arg2: memref<128x128xf32, #tpu.memory_space<vmem>>, %arg3: memref<400x128xf32, #tpu.memory_space<vmem>>) attributes {dimension_semantics = [#tpu.dimension_semantics<arbitrary>], iteration_bounds = array<i64: 25>, scalar_prefetch = 0 : i64, scratch_operands = 0 : i64, tpu.core_type = #tpu.core_type<tc>, window_params = [{transform_indices = @transform_0, window_bounds = array<i64: 400, 128>}, {pipeline_mode = #tpu.pipeline_mode<synchronous>, transform_indices = @transform_1, window_bounds = array<i64: 128, 128>}, {transform_indices = @transform_2, window_bounds = array<i64: 400, 128>}]} {
    %get3A = arith.constant 0 : index
    %get3A_0 = arith.constant 0 : index
    %get3A_1 = vector.load %arg1[%get3A, %get3A_0] : memref<400x128xf32, #tpu.memory_space<vmem>>, vector<400x128xf32>
    %get3A_2 = arith.constant 0 : index
    %get3A_3 = arith.constant 0 : index
    %get3A_4 = vector.load %arg2[%get3A_2, %get3A_3] : memref<128x128xf32, #tpu.memory_space<vmem>>, vector<128x128xf32>
    %dot_general3A = arith.constant dense<0.000000e+00> : vector<400x128xf32>
    %dot_general3A_5 = tpu.matmul %get3A_1, %get3A_4, %dot_general3A {dimension_numbers = #tpu.dot_dimension_numbers<[1], [0], [0], [1], [0, 0, 1, 1], [], []>, transpose_lhs_hint = false} : vector<400x128xf32>, vector<128x128xf32>, vector<400x128xf32> -> vector<400x128xf32>
    %swap3A = arith.constant 0 : index
    %swap3A_6 = arith.constant 0 : index
    %swap3A_7 = vector.load %arg3[%swap3A, %swap3A_6] : memref<400x128xf32, #tpu.memory_space<vmem>>, vector<400x128xf32>
    tpu.vector_store %arg3[%swap3A, %swap3A_6], %dot_general3A_5 {strides = array<i32>} : memref<400x128xf32, #tpu.memory_space<vmem>>, vector<400x128xf32>,
    return
  }
  func.func @transform_0(%arg0: i32) -> (i32, i32) {
    %c0_i32 = arith.constant 0 : i32
    %c0_i32_0 = arith.constant 0 : i32
    return %arg0, %c0_i32 : i32, i32
  }
  func.func @transform_1(%arg0: i32) -> (i32, i32) {
    %c0_i32 = arith.constant 0 : i32
    %c0_i32_0 = arith.constant 0 : i32
    %c0_i32_1 = arith.constant 0 : i32
    return %c0_i32, %c0_i32_0 : i32, i32
  }
  func.func @transform_2(%arg0: i32) -> (i32, i32) {
    %c0_i32 = arith.constant 0 : i32
    %c0_i32_0 = arith.constant 0 : i32
    return %arg0, %c0_i32 : i32, i32
  }
}

module attributes {stable_mosaic.version = 14 : i64} {
  func.func @_scale_body(%arg0: i32, %arg1: memref<400x128xf32, #tpu.memory_space<vmem>>, %arg2: memref<400x16xf32, #tpu.memory_space<vmem>>, %arg3: memref<400x16xf32, #tpu.memory_space<vmem>>, %arg4: memref<400x128xf32, #tpu.memory_space<vmem>>) attributes {dimension_semantics = [#tpu.dimension_semantics<arbitrary>], iteration_bounds = array<i64: 25>, scalar_prefetch = 0 : i64, scratch_operands = 0 : i64, tpu.core_type = #tpu.core_type<tc>, window_params = [{transform_indices = @transform_0, window_bounds = array<i64: 400, 128>}, {transform_indices = @transform_1, window_bounds = array<i64: 400, 16>}, {transform_indices = @transform_2, window_bounds = array<i64: 400, 16>}, {transform_indices = @transform_3, window_bounds = array<i64: 400, 128>}]} {
    %get3A = arith.constant 0 : index
    %get3A_0 = arith.constant 0 : index
    %get3A_1 = vector.load %arg1[%get3A, %get3A_0] : memref<400x128xf32, #tpu.memory_space<vmem>>, vector<400x128xf32>
    %get3A_2 = arith.constant 0 : index
    %get3A_3 = arith.constant 0 : index
    %get3A_4 = vector.load %arg2[%get3A_2, %get3A_3] : memref<400x16xf32, #tpu.memory_space<vmem>>, vector<400x1xf32>
    %get3A_5 = arith.constant 0 : index
    %get3A_6 = arith.constant 0 : index
    %get3A_7 = vector.load %arg3[%get3A_5, %get3A_6] : memref<400x16xf32, #tpu.memory_space<vmem>>, vector<400x1xf32>
    %add3A = arith.addf %get3A_4, %get3A_7 : vector<400x1xf32>
    %add3A_8 = arith.constant 1.000000e+00 : f32
    %add3A_9 = vector.broadcast %add3A_8 : f32 to vector<400x1xf32>
    %add3A_10 = arith.addf %add3A, %add3A_9 : vector<400x1xf32>
    %rsqrt3A = math.rsqrt %add3A_10 : vector<400x1xf32>
    %mul3A = vector.broadcast %rsqrt3A : vector<400x1xf32> to vector<400x128xf32>
    %mul3A_11 = arith.mulf %get3A_1, %mul3A : vector<400x128xf32>
    %swap3A = arith.constant 0 : index
    %swap3A_12 = arith.constant 0 : index
    %swap3A_13 = vector.load %arg4[%swap3A, %swap3A_12] : memref<400x128xf32, #tpu.memory_space<vmem>>, vector<400x128xf32>
    tpu.vector_store %arg4[%swap3A, %swap3A_12], %mul3A_11 {strides = array<i32>} : memref<400x128xf32, #tpu.memory_space<vmem>>, vector<400x128xf32>,
    return
  }
  func.func @transform_0(%arg0: i32) -> (i32, i32) {
    %c0_i32 = arith.constant 0 : i32
    %c0_i32_0 = arith.constant 0 : i32
    return %arg0, %c0_i32 : i32, i32
  }
  func.func @transform_1(%arg0: i32) -> (i32, i32) {
    %c0_i32 = arith.constant 0 : i32
    %c0_i32_0 = arith.constant 0 : i32
    return %arg0, %c0_i32 : i32, i32
  }
  func.func @transform_2(%arg0: i32) -> (i32, i32) {
    %c0_i32 = arith.constant 0 : i32
    %c0_i32_0 = arith.constant 0 : i32
    return %arg0, %c0_i32 : i32, i32
  }
  func.func @transform_3(%arg0: i32) -> (i32, i32) {
    %c0_i32 = arith.constant 0 : i32
    %c0_i32_0 = arith.constant 0 : i32
    return %arg0, %c0_i32 : i32, i32
  }
}

module attributes {stable_mosaic.version = 14 : i64} {
  func.func @_layer2_body(%arg0: i32, %arg1: memref<400x128xf32, #tpu.memory_space<vmem>>, %arg2: memref<400x128xf32, #tpu.memory_space<vmem>>, %arg3: memref<400x128xf32, #tpu.memory_space<vmem>>, %arg4: memref<400x16xf32, #tpu.memory_space<vmem>>, %arg5: memref<400x16xf32, #tpu.memory_space<vmem>>, %arg6: memref<128x128xf32, #tpu.memory_space<vmem>>, %arg7: memref<1x128xf32, #tpu.memory_space<vmem>>, %arg8: memref<400x128xf32, #tpu.memory_space<vmem>>) attributes {dimension_semantics = [#tpu.dimension_semantics<arbitrary>], iteration_bounds = array<i64: 25>, scalar_prefetch = 0 : i64, scratch_operands = 0 : i64, tpu.core_type = #tpu.core_type<tc>, window_params = [{transform_indices = @transform_0, window_bounds = array<i64: 400, 128>}, {transform_indices = @transform_1, window_bounds = array<i64: 400, 128>}, {transform_indices = @transform_2, window_bounds = array<i64: 400, 128>}, {transform_indices = @transform_3, window_bounds = array<i64: 400, 16>}, {transform_indices = @transform_4, window_bounds = array<i64: 400, 16>}, {pipeline_mode = #tpu.pipeline_mode<synchronous>, transform_indices = @transform_5, window_bounds = array<i64: 128, 128>}, {pipeline_mode = #tpu.pipeline_mode<synchronous>, transform_indices = @transform_6, window_bounds = array<i64: 1, 128>}, {transform_indices = @transform_7, window_bounds = array<i64: 400, 128>}]} {
    %get3A = arith.constant 0 : index
    %get3A_0 = arith.constant 0 : index
    %get3A_1 = vector.load %arg4[%get3A, %get3A_0] : memref<400x16xf32, #tpu.memory_space<vmem>>, vector<400x1xf32>
    %get3A_2 = arith.constant 0 : index
    %get3A_3 = arith.constant 0 : index
    %get3A_4 = vector.load %arg5[%get3A_2, %get3A_3] : memref<400x16xf32, #tpu.memory_space<vmem>>, vector<400x1xf32>
    %add3A = arith.addf %get3A_1, %get3A_4 : vector<400x1xf32>
    %add3A_5 = arith.constant 1.000000e+00 : f32
    %add3A_6 = vector.broadcast %add3A_5 : f32 to vector<400x1xf32>
    %add3A_7 = arith.addf %add3A, %add3A_6 : vector<400x1xf32>
    %rsqrt3A = math.rsqrt %add3A_7 : vector<400x1xf32>
    %get3A_8 = arith.constant 0 : index
    %get3A_9 = arith.constant 0 : index
    %get3A_10 = vector.load %arg1[%get3A_8, %get3A_9] : memref<400x128xf32, #tpu.memory_space<vmem>>, vector<400x128xf32>
    %get3A_11 = arith.constant 0 : index
    %get3A_12 = arith.constant 0 : index
    %get3A_13 = vector.load %arg2[%get3A_11, %get3A_12] : memref<400x128xf32, #tpu.memory_space<vmem>>, vector<400x128xf32>
    %add3A_14 = arith.addf %get3A_10, %get3A_13 : vector<400x128xf32>
    %get3A_15 = arith.constant 0 : index
    %get3A_16 = arith.constant 0 : index
    %get3A_17 = vector.load %arg3[%get3A_15, %get3A_16] : memref<400x128xf32, #tpu.memory_space<vmem>>, vector<400x128xf32>
    %add3A_18 = arith.addf %add3A_14, %get3A_17 : vector<400x128xf32>
    %mul3A = vector.broadcast %rsqrt3A : vector<400x1xf32> to vector<400x128xf32>
    %mul3A_19 = arith.mulf %add3A_18, %mul3A : vector<400x128xf32>
    %get3A_20 = arith.constant 0 : index
    %get3A_21 = arith.constant 0 : index
    %get3A_22 = vector.load %arg7[%get3A_20, %get3A_21] : memref<1x128xf32, #tpu.memory_space<vmem>>, vector<1x128xf32>
    %add3A_23 = vector.broadcast %get3A_22 : vector<1x128xf32> to vector<400x128xf32>
    %add3A_24 = arith.addf %mul3A_19, %add3A_23 : vector<400x128xf32>
    %max3A = arith.constant 0.000000e+00 : f32
    %max3A_25 = vector.broadcast %max3A : f32 to vector<400x128xf32>
    %max3A_26 = arith.maximumf %add3A_24, %max3A_25 : vector<400x128xf32>
    %get3A_27 = arith.constant 0 : index
    %get3A_28 = arith.constant 0 : index
    %get3A_29 = vector.load %arg6[%get3A_27, %get3A_28] : memref<128x128xf32, #tpu.memory_space<vmem>>, vector<128x128xf32>
    %dot_general3A = arith.constant dense<0.000000e+00> : vector<400x128xf32>
    %dot_general3A_30 = tpu.matmul %max3A_26, %get3A_29, %dot_general3A {dimension_numbers = #tpu.dot_dimension_numbers<[1], [0], [0], [1], [0, 0, 1, 1], [], []>, transpose_lhs_hint = false} : vector<400x128xf32>, vector<128x128xf32>, vector<400x128xf32> -> vector<400x128xf32>
    %mul3A_31 = vector.broadcast %rsqrt3A : vector<400x1xf32> to vector<400x128xf32>
    %mul3A_32 = arith.mulf %dot_general3A_30, %mul3A_31 : vector<400x128xf32>
    %swap3A = arith.constant 0 : index
    %swap3A_33 = arith.constant 0 : index
    %swap3A_34 = vector.load %arg8[%swap3A, %swap3A_33] : memref<400x128xf32, #tpu.memory_space<vmem>>, vector<400x128xf32>
    tpu.vector_store %arg8[%swap3A, %swap3A_33], %mul3A_32 {strides = array<i32>} : memref<400x128xf32, #tpu.memory_space<vmem>>, vector<400x128xf32>,
    return
  }
  func.func @transform_0(%arg0: i32) -> (i32, i32) {
    %c0_i32 = arith.constant 0 : i32
    %c0_i32_0 = arith.constant 0 : i32
    return %arg0, %c0_i32 : i32, i32
  }
  func.func @transform_1(%arg0: i32) -> (i32, i32) {
    %c0_i32 = arith.constant 0 : i32
    %c0_i32_0 = arith.constant 0 : i32
    return %arg0, %c0_i32 : i32, i32
  }
  func.func @transform_2(%arg0: i32) -> (i32, i32) {
    %c0_i32 = arith.constant 0 : i32
    %c0_i32_0 = arith.constant 0 : i32
    return %arg0, %c0_i32 : i32, i32
  }
  func.func @transform_3(%arg0: i32) -> (i32, i32) {
    %c0_i32 = arith.constant 0 : i32
    %c0_i32_0 = arith.constant 0 : i32
    return %arg0, %c0_i32 : i32, i32
  }
  func.func @transform_4(%arg0: i32) -> (i32, i32) {
    %c0_i32 = arith.constant 0 : i32
    %c0_i32_0 = arith.constant 0 : i32
    return %arg0, %c0_i32 : i32, i32
  }
  func.func @transform_5(%arg0: i32) -> (i32, i32) {
    %c0_i32 = arith.constant 0 : i32
    %c0_i32_0 = arith.constant 0 : i32
    %c0_i32_1 = arith.constant 0 : i32
    return %c0_i32, %c0_i32_0 : i32, i32
  }
  func.func @transform_6(%arg0: i32) -> (i32, i32) {
    %c0_i32 = arith.constant 0 : i32
    %c0_i32_0 = arith.constant 0 : i32
    %c0_i32_1 = arith.constant 0 : i32
    return %c0_i32, %c0_i32_0 : i32, i32
  }
  func.func @transform_7(%arg0: i32) -> (i32, i32) {
    %c0_i32 = arith.constant 0 : i32
    %c0_i32_0 = arith.constant 0 : i32
    return %arg0, %c0_i32 : i32, i32
  }
}

module attributes {stable_mosaic.version = 14 : i64} {
  func.func @_final_body(%arg0: i32, %arg1: memref<400x128xf32, #tpu.memory_space<vmem>>, %arg2: memref<400x128xf32, #tpu.memory_space<vmem>>, %arg3: memref<400x128xf32, #tpu.memory_space<vmem>>, %arg4: memref<400x16xf32, #tpu.memory_space<vmem>>, %arg5: memref<400x16xf32, #tpu.memory_space<vmem>>, %arg6: memref<1x128xf32, #tpu.memory_space<vmem>>, %arg7: memref<400x128xf32, #tpu.memory_space<vmem>>) attributes {dimension_semantics = [#tpu.dimension_semantics<arbitrary>], iteration_bounds = array<i64: 25>, scalar_prefetch = 0 : i64, scratch_operands = 0 : i64, tpu.core_type = #tpu.core_type<tc>, window_params = [{transform_indices = @transform_0, window_bounds = array<i64: 400, 128>}, {transform_indices = @transform_1, window_bounds = array<i64: 400, 128>}, {transform_indices = @transform_2, window_bounds = array<i64: 400, 128>}, {transform_indices = @transform_3, window_bounds = array<i64: 400, 16>}, {transform_indices = @transform_4, window_bounds = array<i64: 400, 16>}, {pipeline_mode = #tpu.pipeline_mode<synchronous>, transform_indices = @transform_5, window_bounds = array<i64: 1, 128>}, {transform_indices = @transform_6, window_bounds = array<i64: 400, 128>}]} {
    %get3A = arith.constant 0 : index
    %get3A_0 = arith.constant 0 : index
    %get3A_1 = vector.load %arg4[%get3A, %get3A_0] : memref<400x16xf32, #tpu.memory_space<vmem>>, vector<400x1xf32>
    %get3A_2 = arith.constant 0 : index
    %get3A_3 = arith.constant 0 : index
    %get3A_4 = vector.load %arg5[%get3A_2, %get3A_3] : memref<400x16xf32, #tpu.memory_space<vmem>>, vector<400x1xf32>
    %add3A = arith.addf %get3A_1, %get3A_4 : vector<400x1xf32>
    %add3A_5 = arith.constant 1.000000e+00 : f32
    %add3A_6 = vector.broadcast %add3A_5 : f32 to vector<400x1xf32>
    %add3A_7 = arith.addf %add3A, %add3A_6 : vector<400x1xf32>
    %rsqrt3A = math.rsqrt %add3A_7 : vector<400x1xf32>
    %get3A_8 = arith.constant 0 : index
    %get3A_9 = arith.constant 0 : index
    %get3A_10 = vector.load %arg1[%get3A_8, %get3A_9] : memref<400x128xf32, #tpu.memory_space<vmem>>, vector<400x128xf32>
    %get3A_11 = arith.constant 0 : index
    %get3A_12 = arith.constant 0 : index
    %get3A_13 = vector.load %arg2[%get3A_11, %get3A_12] : memref<400x128xf32, #tpu.memory_space<vmem>>, vector<400x128xf32>
    %add3A_14 = arith.addf %get3A_10, %get3A_13 : vector<400x128xf32>
    %get3A_15 = arith.constant 0 : index
    %get3A_16 = arith.constant 0 : index
    %get3A_17 = vector.load %arg3[%get3A_15, %get3A_16] : memref<400x128xf32, #tpu.memory_space<vmem>>, vector<400x128xf32>
    %add3A_18 = arith.addf %add3A_14, %get3A_17 : vector<400x128xf32>
    %mul3A = vector.broadcast %rsqrt3A : vector<400x1xf32> to vector<400x128xf32>
    %mul3A_19 = arith.mulf %add3A_18, %mul3A : vector<400x128xf32>
    %get3A_20 = arith.constant 0 : index
    %get3A_21 = arith.constant 0 : index
    %get3A_22 = vector.load %arg6[%get3A_20, %get3A_21] : memref<1x128xf32, #tpu.memory_space<vmem>>, vector<1x128xf32>
    %add3A_23 = vector.broadcast %get3A_22 : vector<1x128xf32> to vector<400x128xf32>
    %add3A_24 = arith.addf %mul3A_19, %add3A_23 : vector<400x128xf32>
    %swap3A = arith.constant 0 : index
    %swap3A_25 = arith.constant 0 : index
    %swap3A_26 = vector.load %arg7[%swap3A, %swap3A_25] : memref<400x128xf32, #tpu.memory_space<vmem>>, vector<400x128xf32>
    tpu.vector_store %arg7[%swap3A, %swap3A_25], %add3A_24 {strides = array<i32>} : memref<400x128xf32, #tpu.memory_space<vmem>>, vector<400x128xf32>,
    return
  }
  func.func @transform_0(%arg0: i32) -> (i32, i32) {
    %c0_i32 = arith.constant 0 : i32
    %c0_i32_0 = arith.constant 0 : i32
    return %arg0, %c0_i32 : i32, i32
  }
  func.func @transform_1(%arg0: i32) -> (i32, i32) {
    %c0_i32 = arith.constant 0 : i32
    %c0_i32_0 = arith.constant 0 : i32
    return %arg0, %c0_i32 : i32, i32
  }
  func.func @transform_2(%arg0: i32) -> (i32, i32) {
    %c0_i32 = arith.constant 0 : i32
    %c0_i32_0 = arith.constant 0 : i32
    return %arg0, %c0_i32 : i32, i32
  }
  func.func @transform_3(%arg0: i32) -> (i32, i32) {
    %c0_i32 = arith.constant 0 : i32
    %c0_i32_0 = arith.constant 0 : i32
    return %arg0, %c0_i32 : i32, i32
  }
  func.func @transform_4(%arg0: i32) -> (i32, i32) {
    %c0_i32 = arith.constant 0 : i32
    %c0_i32_0 = arith.constant 0 : i32
    return %arg0, %c0_i32 : i32, i32
  }
  func.func @transform_5(%arg0: i32) -> (i32, i32) {
    %c0_i32 = arith.constant 0 : i32
    %c0_i32_0 = arith.constant 0 : i32
    %c0_i32_1 = arith.constant 0 : i32
    return %c0_i32, %c0_i32_0 : i32, i32
  }
  func.func @transform_6(%arg0: i32) -> (i32, i32) {
    %c0_i32 = arith.constant 0 : i32
    %c0_i32_0 = arith.constant 0 : i32
    return %arg0, %c0_i32 : i32, i32
  }
}

</mosaic_0001>

<sc_bundles>
// kernel: kernel.12.cloned.1.call-start
scs
__scs_entry_jumppad:
0x0: {  	(pc) =	sbr.rel $0x88, $3  }
0x1: {  	(tag) =	ssettag $0x0;
	lr =	simm.s32 $0x1  }
0x2: {  	[smem:$0x3F9B] =	sst lr;
	_ =	strace $0xD0000000  }
0x3: {  	_ = 	snop  }
0x4: {  	_ = 	snop  }
0x5: {  	_ = 	snop  }
0x6: {  	_ = 	snop  }
0x7: {  	_ = 	snop  }
__scs_overlays_trampoline_lowered:
0x8: {  	[smem:$0x3FAA] =	sst s0  }
0x9: {  	[smem:$0x3FAB] =	sst s1  }
0xa: {  	[smem:$0x3FAC] =	sst s2  }
0xb: {  	[smem:$0x3FAD] =	sst s3  }
0xc: {  	[smem:$0x3FAE] =	sst s4  }
0xd: {  	[smem:$0x3FAF] =	sst s5  }
0xe: {  	[smem:$0x3FB0] =	sst s6  }
0xf: {  	[smem:$0x3FB1] =	sst s7  }
0x10: {  	[smem:$0x3FB2] =	sst s8  }
0x11: {  	[smem:$0x3FB3] =	sst s9;
	s0 =	simm.s32 @!p0 $0x0  }
0x12: {  	s1 =	sld [smem:$0x3F99];
	s0 =	simm.s32 @p0 $0x1  }
0x13: {  	[smem:$0x3FB4] =	sst s0;
	s0 =	simm.s32 @!p1 $0x0  }
0x14: {  	s2 =	sld [smem:$0x3F98];
	s0 =	simm.s32 @p1 $0x1  }
0x15: {  	[smem:$0x3FB5] =	sst s0;
	s0 =	simm.s32 @!p2 $0x0  }
0x16: {  	s3 =	sld [smem:$0x3FDB];
	s0 =	simm.s32 @p2 $0x1  }
0x17: {  	s4 =	simm.s32 $0x1BF5;
	[smem:$0x3FB7] =	sst s0  }
0x18: {  	s0 =	sld [smem:$0x3F9A];
	_ =	swait.ge [sflag:s4], $0x0  }
0x19: {  	s7 =	sld [smem:$0x3F9B]  }
0x1a: {  	s8 =	sadd.s32 $0xFFFFE003, lr  }
0x1b: {  	s9 =	sadd.s32 $0xFFFFFEF7, lr;
	s5 =	simm.s32 $0xFFFFFFFF;
	p2 =	slt.u32 s8, $0xFFFFF086  }
0x1c: {  	p1 =	slt.u32 s9, $0xF7A;
	s5 =	simm.s32 @!p2 $0x0  }
0x1d: {  	s5 =	simm.s32 @p1 $0x1;
	p0 =	seq.s32 s7, s2  }
0x1e: {  	s7 =	smul.u32 @!p0 $0xF7A, s2;
	p2 =	seq.s32 @!p0 s5, $0x0  }
0x1f: {  	s9 =	smul.u32 $0xF7A, s1;
	s8 =	simm.s32 @!p0 $0x1BF5;
	p2 =	por !p2, p0  }
0x20: {  	[sflag:s8] =	ssyncset.s32 @!p0 $0xFFFFF086;
	s6 =	sadd.s32 @!p0 s3, s7;
	s7 =	simm.s32 @!p0 $0x108  }
0x21: {  	s3 =	sadd.s32 s3, s9;
	s6 =	sadd.s32 @!p0 $0x88, s6;
	s7 =	simm.s32 @p2 $0x1082  }
0x22: {  	[simem:s7], [sflag:s8] =	dma.local @!p0 [hbm:s6], $0xF7A  }
0x23: {  	s9 =	sor.u32 $0xD0000000, s2;
	s6 =	simm.s32 $0x108;
	_ =	swait.ge @!p0 [sflag:s8], $0x0  }
0x24: {  	s3 =	sadd.s32 $0x88, s3;
	s6 =	simm.s32 @!p1 $0x1082;
	[sflag:s4] =	ssyncset.s32 $0xFFFFF086  }
0x25: {  	[simem:s6], [sflag:s4] =	dma.local [hbm:s3], $0xF7A  }
0x26: {  	[smem:$0x3F9B] =	sst s1;
	(tag) =	ssettag s2;
	_ =	strace s9  }
0x27: {  	s1 =	sld [smem:$0x3FAB]  }
0x28: {  	s2 =	sld [smem:$0x3FAC]  }
0x29: {  	s4 =	sld [smem:$0x3FAE]  }
0x2a: {  	p0 =	seq.s32 s5, $0x0;
	s5 =	sld [smem:$0x3FAF]  }
0x2b: {  	s6 =	sld [smem:$0x3FB0]  }
0x2c: {  	s7 =	sld [smem:$0x3FB1]  }
0x2d: {  	s3 =	simm.s32 $0x108;
	s8 =	sld [smem:$0x3FB2]  }
0x2e: {  	s3 =	simm.s32 @!p0 $0x1082;
	s9 =	sld [smem:$0x3FB3]  }
0x2f: {  	lr =	sadd.s32 s0, s3;
	s0 =	sld [smem:$0x3FAA]  }
0x30: {  	s3 =	sld [smem:$0x3FAD]  }
0x31: {  	[smem:$0x3FB6] =	sst s10  }
0x32: {  	s10 =	sld [smem:$0x3FB4];
	_ =	sdelay $0x3  }
0x33: {  	p0 =	seq.s32 s10, $0x1;
	s10 =	sld [smem:$0x3FB6];
	_ =	sdelay $0x3  }
0x34: {  	[smem:$0x3FB6] =	sst s10  }
0x35: {  	s10 =	sld [smem:$0x3FB5];
	_ =	sdelay $0x3  }
0x36: {  	p1 =	seq.s32 s10, $0x1;
	s10 =	sld [smem:$0x3FB6];
	_ =	sdelay $0x3  }
0x37: {  	[smem:$0x3FB6] =	sst s10  }
0x38: {  	s10 =	sld [smem:$0x3FB7]  }
0x39: {  	_ = 	snop;
	(pc) =	sbr.ind lr, $3  }
0x3a: {  	_ = 	snop  }
0x3b: {  	_ = 	snop  }
0x3c: {  	p2 =	seq.s32 s10, $0x1;
	s10 =	sld [smem:$0x3FB6]  }
0x3d: {  	_ =	shalt  }
0x3e: {  	_ =	shalt  }
0x3f: {  	_ =	shalt  }
0x40: {  	_ =	shalt  }
0x41: {  	_ =	shalt  }
0x42: {  	_ =	shalt  }
0x43: {  	_ =	shalt  }
0x44: {  	_ =	shalt  }
0x45: {  	_ =	shalt  }
0x46: {  	_ =	shalt  }
0x47: {  	_ =	shalt  }
0x48: {  	_ =	shalt  }
0x49: {  	_ =	shalt  }
0x4a: {  	_ =	shalt  }
0x4b: {  	_ =	shalt  }
0x4c: {  	_ =	shalt  }
0x4d: {  	_ =	shalt  }
0x4e: {  	_ =	shalt  }
0x4f: {  	_ =	shalt  }
0x50: {  	_ =	shalt  }
0x51: {  	_ =	shalt  }
0x52: {  	_ =	shalt  }
0x53: {  	_ =	shalt  }
0x54: {  	_ =	shalt  }
0x55: {  	_ =	shalt  }
0x56: {  	_ =	shalt  }
0x57: {  	_ =	shalt  }
0x58: {  	_ =	shalt  }
0x59: {  	_ =	shalt  }
0x5a: {  	_ =	shalt  }
0x5b: {  	_ =	shalt  }
0x5c: {  	_ =	shalt  }
0x5d: {  	_ =	shalt  }
0x5e: {  	_ =	shalt  }
0x5f: {  	_ =	shalt  }
0x60: {  	_ =	shalt  }
0x61: {  	_ =	shalt  }
0x62: {  	_ =	shalt  }
0x63: {  	_ =	shalt  }
0x64: {  	_ =	shalt  }
0x65: {  	_ =	shalt  }
0x66: {  	_ =	shalt  }
0x67: {  	_ =	shalt  }
0x68: {  	_ =	shalt  }
0x69: {  	_ =	shalt  }
0x6a: {  	_ =	shalt  }
0x6b: {  	_ =	shalt  }
0x6c: {  	_ =	shalt  }
0x6d: {  	_ =	shalt  }
0x6e: {  	_ =	shalt  }
0x6f: {  	_ =	shalt  }
0x70: {  	_ =	shalt  }
0x71: {  	_ =	shalt  }
0x72: {  	_ =	shalt  }
0x73: {  	_ =	shalt  }
0x74: {  	_ =	shalt  }
0x75: {  	_ =	shalt  }
0x76: {  	_ =	shalt  }
0x77: {  	_ =	shalt  }
0x78: {  	_ =	shalt  }
0x79: {  	_ =	shalt  }
0x7a: {  	_ =	shalt  }
0x7b: {  	_ =	shalt  }
0x7c: {  	_ =	shalt  }
0x7d: {  	_ =	shalt  }
0x7e: {  	_ =	shalt  }
0x7f: {  	_ =	shalt  }
0x80: {  	_ =	shalt  }
0x81: {  	_ =	shalt  }
0x82: {  	_ =	shalt  }
0x83: {  	_ =	shalt  }
0x84: {  	_ =	shalt  }
0x85: {  	_ =	shalt  }
0x86: {  	_ =	shalt  }
0x87: {  	_ =	shalt  }
.Lfunc_end0:
.L_simem_size_0:
called_computation.1_lowered:
.L_overlay_start_0:
0x88: {  	s2 =	sld [smem:$0x3FD9]  }
0x89: {  	s3 =	sld [smem:$0x3FFE];
	_ =	sdelay $0x1  }
0x8a: {  	s1 =	srdreg.scid  }
0x8b: {  	s0 =	sand.u32 $0x1, s1  }
0x8c: {  	s17 =	sshll.u32 s0, $0xA;
	s2 =	sadd.s32 s3, s2  }
0x8d: {  	s2 =	sadd.s32 s2, s17  }
0x8e: {  	[smem:$0x3FC2] =	sst s2  }
0x8f: {  	_ = 	snop  }
0x90: {  	s2 =	sld [smem:$0x3FD0];
	(tm) =	ssettm $0x1  }
0x91: {  	s18 =	sld [smem:$0x3FFB];
	_ =	sdelay $0x3  }
0x92: {  	_ =	strace s18  }
0x93: {  	s3 =	sld [smem:$0x3FFC];
	_ =	sdelay $0x3  }
0x94: {  	_ =	strace s3  }
0x95: {  	s3 =	sld [smem:$0x3FFD];
	_ =	sdelay $0x3  }
0x96: {  	_ =	strace s3  }
0x97: {  	_ =	strace $0x8FFFFFFF  }
0x98: {  	s19 =	sld [smem:$0x3FDB];
	_ =	sdelay $0x1  }
0x99: {  	s4 =	simm.s32 $_scs_section_size  }
0x9a: {  	s5 =	simm.s32 $_size__tile_overlayer_lowered;
	s6 =	simm.s32 $_tile_overlayer_lowered  }
0x9b: {  	s22 =	simm.s32 $0x1BFF;
	s21 =	sshll.u32 s6, $0x1;
	s3 =	sadd.s32 s4, s19  }
0x9c: {  	s7 =	simm.s32 $0x0;
	s20 =	sshll.u32 s5, $0x1;
	s5 =	sadd.s32 s21, s3  }
0x9d: {  	[timem:s7], [sflag:s22] =	dma.local [hbm:s5], s20  }
0x9e: {  	_ =	swait.ge [sflag:s22], s20  }
0x9f: {  	s4 =	ssub.s32 $0x0, s20;
	[sflag:s22] =	ssyncset.done $0x0  }
0xa0: {  	[sflag:s22] =	ssyncadd.s32 s4;
	_ =	sdelay $0x1  }
0xa1: {  	s23 =	simm.s32 $0x1B8B  }
0xa2: {  	_ =	swait.ge [sflag:s23], $0x1  }
0xa3: {  	[sflag:s23] =	ssyncset.done $0x0  }
0xa4: {  	s25 =	simm.s32 $0x1B8E;
	s24 =	sld [smem:$0x3FFE];
	[sflag:s23] =	ssyncadd.s32 $0xFFFFFFFF  }
0xa5: {  	s26 =	simm.s32 $execute0_lowered;
	[smem:$0x3FD2] =	sst s25  }
0xa6: {  	s5 =	sshll.u32 s26, $0x1;
	_ =	strace $0x80000049;
	[dreg:$0x1] =	wrdreg $0xFFFFFFFF  }
0xa7: {  	s28 =	simm.s32 $_size_execute0_lowered;
	s3 =	sadd.s32 s3, s5;
	[dreg:$0x0] =	wrdreg $0x0  }
0xa8: {  	s5 =	sshll.u32 s28, $0x1;
	[dreg:$0x2] =	wrdreg s3  }
0xa9: {  	[dreg:$0x3] =	wrdreg s5  }
0xaa: {  	[dreg:$0x4] =	wrdreg $0xC0  }
0xab: {  	_ =	task [dreg:s7], $0x5FFFF  }
0xac: {  	[dreg:$0x1] =	wrdreg $0xFFFFFFFF  }
0xad: {  	[dreg:$0x0] =	wrdreg $0x60  }
0xae: {  	[dreg:$0x2] =	wrdreg s2  }
0xaf: {  	[dreg:$0x3] =	wrdreg s24  }
0xb0: {  	[dreg:$0x4] =	wrdreg $0xA8000  }
0xb1: {  	[dreg:$0x5] =	wrdreg $0x9  }
0xb2: {  	_ =	task.clear_ibuf [dreg:s7], $0x6FFFF;
	_ =	strace $0x90000049  }
0xb3: {  	s29 =	simm.s32 $0x9;
	_ =	strace $0x8000004B  }
0xb4: {  	_ =	swait.ge [sflag:s29], $0x1  }
0xb5: {  	[sflag:s29] =	ssyncadd.s32 $0xFFFFFFFF  }
0xb6: {  	_ =	strace $0x9000004B  }
0xb7: {  	_ =	sfence  }
0xb8: {  	s30 =	sld [smem:$0x0];
	_ =	sdelay $0x2  }
0xb9: {  	s31 =	sshll.u32 s1, $0xD;
	s1 =	sshrl.u32 s1, $0x2  }
0xba: {  	s3 =	sand.u32 $0x4000, s31;
	s1 =	sadd.s32 s1, s30  }
0xbb: {  	s0 =	sor.u32 s3, s0;
	s1 =	sshll.u32 s1, $0x11  }
0xbc: {  	s0 =	sor.u32 s1, s0  }
0xbd: {  	s0 =	sadd.s32 $0x8F2B, s0  }
0xbe: {  	[sflag:s0] =	ssyncadd.remote.s32 $0x1  }
0xbf: {  	_ =	sfence.sel $0xFFFF  }
0xc0: {  	[dreg:$0x0] =	wrdreg $0xFFFFFFFF;
	(pc) =	sbr.abs _section_cstart, $3  }
0xc1: {  	[dreg:$0x1] =	wrdreg $0xFFFFFFFF  }
0xc2: {  	_ =	task.clear_ibuf [dreg:s7], $0x2FFFF;
	_ =	strace $0x9FFFFFFF  }
0xc3: {  	(tm) =	ssettm $0x7FFFFFFF  }
tec
execute0_lowered:
.L_overlay_start_1:
0x0: {  	(tag) =	ssettag $0x1  }
0x1: {  	s1 =	rddreg [dreg:$0x0]  }
0x2: {  	s2 =	srdreg.scid;
	s5 =	rddreg [dreg:$0x1]  }
0x3: {  	s0 =	stileid.u32;
	s3 =	rddreg [dreg:$0x2]  }
0x4: {  	s4 =	simm.s32 $0x0;
	s21 =	simm.s32 $0x80;
	s22 =	simm.s32 $0x1  }
0x5: {  	s12 =	sand.u32 $0x1, s2;
	s2 =	rddreg [dreg:$0x3];
	s8 =	smul.u32 $0x50000, s0  }
0x6: {  	s30 =	sshll.u32 s0, $0x1;
	[smem:$0x7FF] =	sst s4;
	s13 =	smul.u32 $0x14000, s0  }
0x7: {  	s17 =	sadd.s32 $0x6CE00, s5;
	s6 =	sor.u32 s12, s30;
	s7 =	ssub.s32 $0x2, s12  }
0x8: {  	_ =	strace $0x8000004A;
	s20 =	smul.u32 $0x140000, s12;
	p0 =	seq.s32 s12, $0x0  }
0x9: {  	s12 =	simm.s32 $0x63;
	s6 =	smul.u32 $0x680, s6;
	s9 =	sshrl.u32 s7, $0x1  }
0xa: {  	s31 =	sshrl.u32 s8, $0x2;
	s14 =	sadd.s32 $0x4000, s13;
	s15 =	sadd.s32 $0x8000, s13  }
0xb: {  	s16 =	sadd.s32 $0xC000, s13;
	s19 =	sadd.s32 $0x10000, s13;
	s12 =	simm.s32 @!p0 $0x3B  }
0xc: {  	s18 =	ssub.s32 s7, s9;
	s7 =	sadd.s32 s15, s3;
	s8 =	sadd.s32 s16, s3  }
0xd: {  	s9 =	sadd.s32 s19, s3;
	s13 =	sadd.s32 s13, s20;
	s15 =	sadd.s32 s20, s15  }
0xe: {  	s16 =	sadd.s32 s20, s16;
	s19 =	sadd.s32 s20, s19;
	s11 =	sadd.s32 s6, s5  }
0xf: {  	s5 =	sadd.s32 s31, s3;
	s6 =	sadd.s32 s14, s3;
	s13 =	sshrl.u32 s13, $0x3  }
0x10: {  	s14 =	sadd.s32 s20, s14;
	s15 =	sshrl.u32 s15, $0x3;
	s16 =	sshrl.u32 s16, $0x3  }
0x11: {  	s19 =	sshrl.u32 s19, $0x3;
	s18 =	smax.u32 s18, $0x1;
	s20 =	simm.s32 $0x2  }
0x12: {  	s10 =	sadd.s32 $0x52E00, s11;
	s11 =	sadd.s32 $0x5FE00, s11;
	s13 =	sadd.s32 s17, s13  }
0x13: {  	s14 =	sshrl.u32 s14, $0x3;
	s15 =	sadd.s32 s17, s15;
	s16 =	sadd.s32 s17, s16  }
0x14: {  	v0 =	vimm.f32 $0.0e+00;
	s14 =	sadd.s32 s17, s14;
	s17 =	sadd.s32 s17, s19;
	s19 =	simm.s32 $0x6800  }
.LBB2_1:
0x15: {  	s23 =	simm.s32 $0x0;
	s24 =	simm.s32 $0x200  }
.LBB2_2:
0x16: {  	p0 =	sne.s32 s24, $0xFE00;
	[tilespmem:s23+$0x6870] =	vst v0  }
0x17: {  	[tilespmem:s23+$0x6800] =	vst v0  }
0x18: {  	[tilespmem:s23+$0x6810] =	vst v0  }
.Ltmp0:
0x19: {  	[tilespmem:s23+$0x6820] =	vst v0;
	(pc) =	sbr.rel @p0 .LBB2_2-.Ltmp0, $4  }
0x1a: {  	[tilespmem:s23+$0x6830] =	vst v0  }
0x1b: {  	[tilespmem:s23+$0x6840] =	vst v0  }
0x1c: {  	[tilespmem:s23+$0x6850] =	vst v0  }
0x1d: {  	[tilespmem:s23+$0x6860] =	vst v0;
	s23 =	sshra.s32 s24, $0x2;
	s24 =	sadd.s32 $0x200, s24  }
0x1e: {  	[tilespmem:s23+$0x6870] =	vst v0  }
0x1f: {  	[tilespmem:s23+$0x6800] =	vst v0  }
0x20: {  	[tilespmem:s23+$0x6810] =	vst v0  }
0x21: {  	[tilespmem:s23+$0x6820] =	vst v0  }
0x22: {  	[tilespmem:s23+$0x6830] =	vst v0  }
0x23: {  	[tilespmem:s23+$0x6840] =	vst v0  }
0x24: {  	[tilespmem:s23+$0x6850] =	vst v0  }
0x25: {  	[tilespmem:s23+$0x6860] =	vst v0  }
0x26: {  	[spmem:s5] =	stream.linear.scatter [tilespmem:s19], [sflag:$0x2], $0x4000, $0x38;
	[tilespmem:$0x1E800] =	vst v63  }
0x27: {  	_ =	swait.ge [sflag:s20], $0x4000  }
0x28: {  	[sflag:s20] =	ssyncset.done $0x0  }
0x29: {  	[sflag:s20] =	ssyncadd.s32 $0xFFFFC000  }
0x2a: {  	[spmem:s6] =	stream.linear.scatter [tilespmem:s19], [sflag:$0x2], $0x4000, $0x38;
	[tilespmem:$0x1E800] =	vst v63  }
0x2b: {  	_ =	swait.ge [sflag:s20], $0x4000  }
0x2c: {  	[sflag:s20] =	ssyncset.done $0x0  }
0x2d: {  	[sflag:s20] =	ssyncadd.s32 $0xFFFFC000  }
0x2e: {  	[spmem:s7] =	stream.linear.scatter [tilespmem:s19], [sflag:$0x2], $0x4000, $0x38;
	[tilespmem:$0x1E800] =	vst v63  }
0x2f: {  	_ =	swait.ge [sflag:s20], $0x4000  }
0x30: {  	[sflag:s20] =	ssyncset.done $0x0  }
0x31: {  	[sflag:s20] =	ssyncadd.s32 $0xFFFFC000  }
0x32: {  	[spmem:s8] =	stream.linear.scatter [tilespmem:s19], [sflag:$0x2], $0x4000, $0x38;
	[tilespmem:$0x1E800] =	vst v63  }
0x33: {  	_ =	swait.ge [sflag:s20], $0x4000  }
0x34: {  	[sflag:s20] =	ssyncset.done $0x0  }
0x35: {  	[sflag:s20] =	ssyncadd.s32 $0xFFFFC000  }
0x36: {  	[spmem:s9] =	stream.linear.scatter [tilespmem:s19], [sflag:$0x2], $0x4000, $0x38;
	[tilespmem:$0x1E800] =	vst v63  }
0x37: {  	_ =	swait.ge [sflag:s20], $0x4000  }
0x38: {  	[sflag:s20] =	ssyncset.done $0x0  }
0x39: {  	s23 =	simm.s32 $0x0;
	[sflag:s20] =	ssyncadd.s32 $0xFFFFC000  }
0x3a: {  	[tilespmem:s23], [sflag:$0x2] =	stream.linear.gather [hbm4b:s10+s23], $0x3180, $0x38;
	[tilespmem:$0x1E800] =	vst v63  }
0x3b: {  	_ =	swait.ge [sflag:s20], $0x3180  }
0x3c: {  	[sflag:s20] =	ssyncset.done $0x0  }
0x3d: {  	s24 =	simm.s32 $0x3400;
	[sflag:s20] =	ssyncadd.s32 $0xFFFFCE80  }
0x3e: {  	[tilespmem:s24], [sflag:$0x2] =	stream.linear.gather [hbm4b:s11+s23], $0x3180, $0x38;
	[tilespmem:$0x1E800] =	vst v63  }
0x3f: {  	_ =	swait.ge [sflag:s20], $0x3180  }
0x40: {  	[sflag:s20] =	ssyncset.done $0x0  }
0x41: {  	[sflag:s20] =	ssyncadd.s32 $0xFFFFCE80  }
0x42: {  	[bflag:$0x0] =	sbarrier.arrive $0xFFFF  }
0x43: {  	[tilespmem:s19], [sflag:$0x1] =	stream.indirect.gather [hbm4b:s1+s21], $0x80, s23, s21, $0xb8;
	[tilespmem:$0x1E800] =	vst v63  }
0x44: {  	p0 =	sne.s32 s12, $0x1;
	_ =	swait.ge [sflag:s22], $0x4000  }
.Ltmp1:
0x45: {  	[sflag:s22] =	ssyncset.done $0x0;
	(pc) =	sbr.rel @!p0 .LBB2_5-.Ltmp1, $4  }
0x46: {  	[sflag:s22] =	ssyncadd.s32 $0xFFFFC000  }
0x47: {  	[spmem:s3] =	stream.indirect.scatter.add.f32 [tilespmem:s19], [sflag:$0x2], $0x80, s24, s21, $0xb8;
	[tilespmem:$0x1E800] =	vst v63  }
0x48: {  	_ =	swait.ge [sflag:s20], $0x4000  }
0x49: {  	s25 =	sadd.s32 $0xFFFFFFFF, s12;
	[sflag:s20] =	ssyncset.done $0x0  }
.LBB2_4:
0x4a: {  	[sflag:s20] =	ssyncadd.s32 $0xFFFFC000;
	s23 =	sadd.s32 $0x80, s23;
	s24 =	sadd.s32 $0x80, s24  }
0x4b: {  	[tilespmem:s19], [sflag:$0x1] =	stream.indirect.gather [hbm4b:s1+s21], $0x80, s23, s21, $0xb8;
	[tilespmem:$0x1E800] =	vst v63  }
0x4c: {  	p0 =	sne.s32 s25, $0x1;
	s25 =	sadd.s32 $0xFFFFFFFF, s25;
	_ =	swait.ge [sflag:s22], $0x4000  }
.Ltmp2:
0x4d: {  	[sflag:s22] =	ssyncset.done $0x0;
	(pc) =	sbr.rel @p0 .LBB2_4-.Ltmp2, $4  }
0x4e: {  	[sflag:s22] =	ssyncadd.s32 $0xFFFFC000  }
0x4f: {  	[spmem:s3] =	stream.indirect.scatter.add.f32 [tilespmem:s19], [sflag:$0x2], $0x80, s24, s21, $0xb8;
	[tilespmem:$0x1E800] =	vst v63  }
0x50: {  	_ =	swait.ge [sflag:s20], $0x4000  }
0x51: {  	[sflag:s20] =	ssyncset.done $0x0  }
.LBB2_5:
0x52: {  	[sflag:s20] =	ssyncadd.s32 $0xFFFFC000;
	s23 =	sshll.u32 s0, $0x6  }
0x53: {  	s24 =	sshrl.u32 s5, $0x3;
	[bflag:$0x0] =	sbarrier.arrive $0xFFFF;
	s23 =	sor.u32 $0x1C02, s23  }
0x54: {  	[hbm:s13], [sflag:s23] =	dma.local [spmem:s24], $0x800  }
0x55: {  	_ =	swait.ge [sflag:s20], $0x800  }
0x56: {  	[sflag:s20] =	ssyncset.done $0x0  }
0x57: {  	s28 =	sshrl.u32 s6, $0x3;
	[sflag:s20] =	ssyncadd.s32 $0xFFFFF800  }
0x58: {  	[hbm:s14], [sflag:s23] =	dma.local [spmem:s28], $0x800  }
0x59: {  	_ =	swait.ge [sflag:s20], $0x800  }
0x5a: {  	[sflag:s20] =	ssyncset.done $0x0  }
0x5b: {  	s29 =	sshrl.u32 s7, $0x3;
	[sflag:s20] =	ssyncadd.s32 $0xFFFFF800  }
0x5c: {  	[hbm:s15], [sflag:s23] =	dma.local [spmem:s29], $0x800  }
0x5d: {  	_ =	swait.ge [sflag:s20], $0x800  }
0x5e: {  	[sflag:s20] =	ssyncset.done $0x0  }
0x5f: {  	s30 =	sshrl.u32 s8, $0x3;
	[sflag:s20] =	ssyncadd.s32 $0xFFFFF800  }
0x60: {  	[hbm:s16], [sflag:s23] =	dma.local [spmem:s30], $0x800  }
0x61: {  	s4 =	sadd.s32 $0x1, s4;
	_ =	swait.ge [sflag:s20], $0x800  }
0x62: {  	p0 =	sne.s32 s4, s18;
	[sflag:s20] =	ssyncset.done $0x0  }
.Ltmp3:
0x63: {  	s31 =	sshrl.u32 s9, $0x3;
	[sflag:s20] =	ssyncadd.s32 $0xFFFFF800;
	(pc) =	sbr.rel @p0 .LBB2_1-.Ltmp3, $4  }
0x64: {  	[hbm:s17], [sflag:s23] =	dma.local [spmem:s31], $0x800  }
0x65: {  	_ =	swait.ge [sflag:s20], $0x800  }
0x66: {  	[sflag:s20] =	ssyncset.done $0x0  }
0x67: {  	[sflag:s20] =	ssyncadd.s32 $0xFFFFF800  }
0x68: {  	_ =	sfence.sel $0x180000  }
0x69: {  	[bflag:$0x0] =	sbarrier.arrive $0xFFFF  }
0x6a: {  	p0 =	sne.s32 s0, $0x0;
	_ =	strace $0x9000004A  }
0x6b: {  	s0 =	sadd.s32 @!p0 $0x100000, s2;
	[bflag:$0x2] =	sbarrier.arrive $0xFFFF  }
0x6c: {  	[sflag:s0] =	ssyncadd.tile.s32 @!p0 $0x1;
	_ =	shalt  }
.Lfunc_end2:
_tile_overlayer_lowered:
.L_overlay_start_2:
0x6d: {  	(tag) =	ssettag $0x2  }
0x6e: {  	s0 =	rddreg [dreg:$0x0];
	s2 =	stileid.u32  }
0x6f: {  	s1 =	rddreg [dreg:$0x1];
	p0 =	sne.s32 s2, $0x0  }
0x70: {  	s3 =	rddreg [dreg:$0x2];
	[bflag:$0x3] =	sbarrier.arrive $0xFFFF;
	s2 =	simm.s32 @!p0 $0x1C02  }
0x71: {  	[timem:s3], [sflag:s2] =	dma.local @!p0 [hbm:s0], s1  }
0x72: {  	s0 =	simm.s32 @!p0 $0x2  }
0x73: {  	_ =	swait.ge @!p0 [sflag:s0], s1  }
0x74: {  	s1 =	ssub.s32 @!p0 $0x0, s1;
	[sflag:s0] =	ssyncset.done @!p0 $0x0  }
0x75: {  	[sflag:s0] =	ssyncadd.s32 @!p0 s1  }
0x76: {  	[bflag:$0x3] =	sbarrier.arrive $0xFFFF  }
0x77: {  	_ =	shalt  }

// kernel: kernel.15.cloned.1.call-start
scs
__scs_entry_jumppad:
0x0: {  	(pc) =	sbr.rel $0x88, $3  }
0x1: {  	(tag) =	ssettag $0x0;
	lr =	simm.s32 $0x1  }
0x2: {  	[smem:$0x3F9B] =	sst lr;
	_ =	strace $0xD0000000  }
0x3: {  	_ = 	snop  }
0x4: {  	_ = 	snop  }
0x5: {  	_ = 	snop  }
0x6: {  	_ = 	snop  }
0x7: {  	_ = 	snop  }
__scs_overlays_trampoline_lowered:
0x8: {  	[smem:$0x3FAA] =	sst s0  }
0x9: {  	[smem:$0x3FAB] =	sst s1  }
0xa: {  	[smem:$0x3FAC] =	sst s2  }
0xb: {  	[smem:$0x3FAD] =	sst s3  }
0xc: {  	[smem:$0x3FAE] =	sst s4  }
0xd: {  	[smem:$0x3FAF] =	sst s5  }
0xe: {  	[smem:$0x3FB0] =	sst s6  }
0xf: {  	[smem:$0x3FB1] =	sst s7  }
0x10: {  	[smem:$0x3FB2] =	sst s8  }
0x11: {  	[smem:$0x3FB3] =	sst s9;
	s0 =	simm.s32 @!p0 $0x0  }
0x12: {  	s1 =	sld [smem:$0x3F99];
	s0 =	simm.s32 @p0 $0x1  }
0x13: {  	[smem:$0x3FB4] =	sst s0;
	s0 =	simm.s32 @!p1 $0x0  }
0x14: {  	s2 =	sld [smem:$0x3F98];
	s0 =	simm.s32 @p1 $0x1  }
0x15: {  	[smem:$0x3FB5] =	sst s0;
	s0 =	simm.s32 @!p2 $0x0  }
0x16: {  	s3 =	sld [smem:$0x3FDB];
	s0 =	simm.s32 @p2 $0x1  }
0x17: {  	s4 =	simm.s32 $0x1BF5;
	[smem:$0x3FB7] =	sst s0  }
0x18: {  	s0 =	sld [smem:$0x3F9A];
	_ =	swait.ge [sflag:s4], $0x0  }
0x19: {  	s7 =	sld [smem:$0x3F9B]  }
0x1a: {  	s8 =	sadd.s32 $0xFFFFE003, lr  }
0x1b: {  	s9 =	sadd.s32 $0xFFFFFEF7, lr;
	s5 =	simm.s32 $0xFFFFFFFF;
	p2 =	slt.u32 s8, $0xFFFFF086  }
0x1c: {  	p1 =	slt.u32 s9, $0xF7A;
	s5 =	simm.s32 @!p2 $0x0  }
0x1d: {  	s5 =	simm.s32 @p1 $0x1;
	p0 =	seq.s32 s7, s2  }
0x1e: {  	s7 =	smul.u32 @!p0 $0xF7A, s2;
	p2 =	seq.s32 @!p0 s5, $0x0  }
0x1f: {  	s9 =	smul.u32 $0xF7A, s1;
	s8 =	simm.s32 @!p0 $0x1BF5;
	p2 =	por !p2, p0  }
0x20: {  	[sflag:s8] =	ssyncset.s32 @!p0 $0xFFFFF086;
	s6 =	sadd.s32 @!p0 s3, s7;
	s7 =	simm.s32 @!p0 $0x108  }
0x21: {  	s3 =	sadd.s32 s3, s9;
	s6 =	sadd.s32 @!p0 $0x88, s6;
	s7 =	simm.s32 @p2 $0x1082  }
0x22: {  	[simem:s7], [sflag:s8] =	dma.local @!p0 [hbm:s6], $0xF7A  }
0x23: {  	s9 =	sor.u32 $0xD0000000, s2;
	s6 =	simm.s32 $0x108;
	_ =	swait.ge @!p0 [sflag:s8], $0x0  }
0x24: {  	s3 =	sadd.s32 $0x88, s3;
	s6 =	simm.s32 @!p1 $0x1082;
	[sflag:s4] =	ssyncset.s32 $0xFFFFF086  }
0x25: {  	[simem:s6], [sflag:s4] =	dma.local [hbm:s3], $0xF7A  }
0x26: {  	[smem:$0x3F9B] =	sst s1;
	(tag) =	ssettag s2;
	_ =	strace s9  }
0x27: {  	s1 =	sld [smem:$0x3FAB]  }
0x28: {  	s2 =	sld [smem:$0x3FAC]  }
0x29: {  	s4 =	sld [smem:$0x3FAE]  }
0x2a: {  	p0 =	seq.s32 s5, $0x0;
	s5 =	sld [smem:$0x3FAF]  }
0x2b: {  	s6 =	sld [smem:$0x3FB0]  }
0x2c: {  	s7 =	sld [smem:$0x3FB1]  }
0x2d: {  	s3 =	simm.s32 $0x108;
	s8 =	sld [smem:$0x3FB2]  }
0x2e: {  	s3 =	simm.s32 @!p0 $0x1082;
	s9 =	sld [smem:$0x3FB3]  }
0x2f: {  	lr =	sadd.s32 s0, s3;
	s0 =	sld [smem:$0x3FAA]  }
0x30: {  	s3 =	sld [smem:$0x3FAD]  }
0x31: {  	[smem:$0x3FB6] =	sst s10  }
0x32: {  	s10 =	sld [smem:$0x3FB4];
	_ =	sdelay $0x3  }
0x33: {  	p0 =	seq.s32 s10, $0x1;
	s10 =	sld [smem:$0x3FB6];
	_ =	sdelay $0x3  }
0x34: {  	[smem:$0x3FB6] =	sst s10  }
0x35: {  	s10 =	sld [smem:$0x3FB5];
	_ =	sdelay $0x3  }
0x36: {  	p1 =	seq.s32 s10, $0x1;
	s10 =	sld [smem:$0x3FB6];
	_ =	sdelay $0x3  }
0x37: {  	[smem:$0x3FB6] =	sst s10  }
0x38: {  	s10 =	sld [smem:$0x3FB7]  }
0x39: {  	_ = 	snop;
	(pc) =	sbr.ind lr, $3  }
0x3a: {  	_ = 	snop  }
0x3b: {  	_ = 	snop  }
0x3c: {  	p2 =	seq.s32 s10, $0x1;
	s10 =	sld [smem:$0x3FB6]  }
0x3d: {  	_ =	shalt  }
0x3e: {  	_ =	shalt  }
0x3f: {  	_ =	shalt  }
0x40: {  	_ =	shalt  }
0x41: {  	_ =	shalt  }
0x42: {  	_ =	shalt  }
0x43: {  	_ =	shalt  }
0x44: {  	_ =	shalt  }
0x45: {  	_ =	shalt  }
0x46: {  	_ =	shalt  }
0x47: {  	_ =	shalt  }
0x48: {  	_ =	shalt  }
0x49: {  	_ =	shalt  }
0x4a: {  	_ =	shalt  }
0x4b: {  	_ =	shalt  }
0x4c: {  	_ =	shalt  }
0x4d: {  	_ =	shalt  }
0x4e: {  	_ =	shalt  }
0x4f: {  	_ =	shalt  }
0x50: {  	_ =	shalt  }
0x51: {  	_ =	shalt  }
0x52: {  	_ =	shalt  }
0x53: {  	_ =	shalt  }
0x54: {  	_ =	shalt  }
0x55: {  	_ =	shalt  }
0x56: {  	_ =	shalt  }
0x57: {  	_ =	shalt  }
0x58: {  	_ =	shalt  }
0x59: {  	_ =	shalt  }
0x5a: {  	_ =	shalt  }
0x5b: {  	_ =	shalt  }
0x5c: {  	_ =	shalt  }
0x5d: {  	_ =	shalt  }
0x5e: {  	_ =	shalt  }
0x5f: {  	_ =	shalt  }
0x60: {  	_ =	shalt  }
0x61: {  	_ =	shalt  }
0x62: {  	_ =	shalt  }
0x63: {  	_ =	shalt  }
0x64: {  	_ =	shalt  }
0x65: {  	_ =	shalt  }
0x66: {  	_ =	shalt  }
0x67: {  	_ =	shalt  }
0x68: {  	_ =	shalt  }
0x69: {  	_ =	shalt  }
0x6a: {  	_ =	shalt  }
0x6b: {  	_ =	shalt  }
0x6c: {  	_ =	shalt  }
0x6d: {  	_ =	shalt  }
0x6e: {  	_ =	shalt  }
0x6f: {  	_ =	shalt  }
0x70: {  	_ =	shalt  }
0x71: {  	_ =	shalt  }
0x72: {  	_ =	shalt  }
0x73: {  	_ =	shalt  }
0x74: {  	_ =	shalt  }
0x75: {  	_ =	shalt  }
0x76: {  	_ =	shalt  }
0x77: {  	_ =	shalt  }
0x78: {  	_ =	shalt  }
0x79: {  	_ =	shalt  }
0x7a: {  	_ =	shalt  }
0x7b: {  	_ =	shalt  }
0x7c: {  	_ =	shalt  }
0x7d: {  	_ =	shalt  }
0x7e: {  	_ =	shalt  }
0x7f: {  	_ =	shalt  }
0x80: {  	_ =	shalt  }
0x81: {  	_ =	shalt  }
0x82: {  	_ =	shalt  }
0x83: {  	_ =	shalt  }
0x84: {  	_ =	shalt  }
0x85: {  	_ =	shalt  }
0x86: {  	_ =	shalt  }
0x87: {  	_ =	shalt  }
.Lfunc_end0:
.L_simem_size_0:
called_computation.2_lowered:
.L_overlay_start_0:
0x88: {  	s2 =	sld [smem:$0x3FD9]  }
0x89: {  	s3 =	sld [smem:$0x3FFE];
	_ =	sdelay $0x1  }
0x8a: {  	s1 =	srdreg.scid  }
0x8b: {  	s0 =	sand.u32 $0x1, s1  }
0x8c: {  	s17 =	sshll.u32 s0, $0xA;
	s2 =	sadd.s32 s3, s2  }
0x8d: {  	s2 =	sadd.s32 s2, s17  }
0x8e: {  	[smem:$0x3FC2] =	sst s2  }
0x8f: {  	_ = 	snop  }
0x90: {  	s2 =	sld [smem:$0x3FD0];
	(tm) =	ssettm $0x1  }
0x91: {  	s18 =	sld [smem:$0x3FFB];
	_ =	sdelay $0x3  }
0x92: {  	_ =	strace s18  }
0x93: {  	s3 =	sld [smem:$0x3FFC];
	_ =	sdelay $0x3  }
0x94: {  	_ =	strace s3  }
0x95: {  	s3 =	sld [smem:$0x3FFD];
	_ =	sdelay $0x3  }
0x96: {  	_ =	strace s3  }
0x97: {  	_ =	strace $0x8FFFFFFF  }
0x98: {  	s19 =	sld [smem:$0x3FDB];
	_ =	sdelay $0x1  }
0x99: {  	s4 =	simm.s32 $_scs_section_size  }
0x9a: {  	s5 =	simm.s32 $_size__tile_overlayer_lowered;
	s6 =	simm.s32 $_tile_overlayer_lowered  }
0x9b: {  	s22 =	simm.s32 $0x1BFF;
	s21 =	sshll.u32 s6, $0x1;
	s3 =	sadd.s32 s4, s19  }
0x9c: {  	s7 =	simm.s32 $0x0;
	s20 =	sshll.u32 s5, $0x1;
	s5 =	sadd.s32 s21, s3  }
0x9d: {  	[timem:s7], [sflag:s22] =	dma.local [hbm:s5], s20  }
0x9e: {  	_ =	swait.ge [sflag:s22], s20  }
0x9f: {  	s4 =	ssub.s32 $0x0, s20;
	[sflag:s22] =	ssyncset.done $0x0  }
0xa0: {  	[sflag:s22] =	ssyncadd.s32 s4;
	_ =	sdelay $0x1  }
0xa1: {  	s23 =	simm.s32 $0x1B8B  }
0xa2: {  	_ =	swait.ge [sflag:s23], $0x1  }
0xa3: {  	[sflag:s23] =	ssyncset.done $0x0  }
0xa4: {  	s25 =	simm.s32 $0x1B8E;
	s24 =	sld [smem:$0x3FFE];
	[sflag:s23] =	ssyncadd.s32 $0xFFFFFFFF  }
0xa5: {  	s26 =	simm.s32 $execute0_lowered;
	[smem:$0x3FD2] =	sst s25  }
0xa6: {  	s5 =	sshll.u32 s26, $0x1;
	_ =	strace $0x8000004C;
	[dreg:$0x1] =	wrdreg $0xFFFFFFFF  }
0xa7: {  	s28 =	simm.s32 $_size_execute0_lowered;
	s3 =	sadd.s32 s3, s5;
	[dreg:$0x0] =	wrdreg $0x0  }
0xa8: {  	s5 =	sshll.u32 s28, $0x1;
	[dreg:$0x2] =	wrdreg s3  }
0xa9: {  	[dreg:$0x3] =	wrdreg s5  }
0xaa: {  	[dreg:$0x4] =	wrdreg $0xC0  }
0xab: {  	_ =	task [dreg:s7], $0x5FFFF  }
0xac: {  	[dreg:$0x1] =	wrdreg $0xFFFFFFFF  }
0xad: {  	[dreg:$0x0] =	wrdreg $0x60  }
0xae: {  	[dreg:$0x2] =	wrdreg s2  }
0xaf: {  	[dreg:$0x3] =	wrdreg s24  }
0xb0: {  	[dreg:$0x4] =	wrdreg $0xA8000  }
0xb1: {  	[dreg:$0x5] =	wrdreg $0x9  }
0xb2: {  	_ =	task.clear_ibuf [dreg:s7], $0x6FFFF;
	_ =	strace $0x9000004C  }
0xb3: {  	s29 =	simm.s32 $0x9;
	_ =	strace $0x8000004E  }
0xb4: {  	_ =	swait.ge [sflag:s29], $0x1  }
0xb5: {  	[sflag:s29] =	ssyncadd.s32 $0xFFFFFFFF  }
0xb6: {  	_ =	strace $0x9000004E  }
0xb7: {  	_ =	sfence  }
0xb8: {  	s30 =	sld [smem:$0x0];
	_ =	sdelay $0x2  }
0xb9: {  	s31 =	sshll.u32 s1, $0xD;
	s1 =	sshrl.u32 s1, $0x2  }
0xba: {  	s3 =	sand.u32 $0x4000, s31;
	s1 =	sadd.s32 s1, s30  }
0xbb: {  	s0 =	sor.u32 s3, s0;
	s1 =	sshll.u32 s1, $0x11  }
0xbc: {  	s0 =	sor.u32 s1, s0  }
0xbd: {  	s0 =	sadd.s32 $0x8F2B, s0  }
0xbe: {  	[sflag:s0] =	ssyncadd.remote.s32 $0x1  }
0xbf: {  	_ =	sfence.sel $0xFFFF  }
0xc0: {  	[dreg:$0x0] =	wrdreg $0xFFFFFFFF;
	(pc) =	sbr.abs _section_cstart, $3  }
0xc1: {  	[dreg:$0x1] =	wrdreg $0xFFFFFFFF  }
0xc2: {  	_ =	task.clear_ibuf [dreg:s7], $0x2FFFF;
	_ =	strace $0x9FFFFFFF  }
0xc3: {  	(tm) =	ssettm $0x7FFFFFFF  }
tec
execute0_lowered:
.L_overlay_start_1:
0x0: {  	(tag) =	ssettag $0x1  }
0x1: {  	s1 =	rddreg [dreg:$0x0]  }
0x2: {  	s2 =	srdreg.scid;
	s5 =	rddreg [dreg:$0x1]  }
0x3: {  	s0 =	stileid.u32;
	s3 =	rddreg [dreg:$0x2]  }
0x4: {  	s4 =	simm.s32 $0x0;
	s21 =	simm.s32 $0x80;
	s22 =	simm.s32 $0x1  }
0x5: {  	s12 =	sand.u32 $0x1, s2;
	s2 =	rddreg [dreg:$0x3];
	s8 =	smul.u32 $0x50000, s0  }
0x6: {  	s30 =	sshll.u32 s0, $0x1;
	[smem:$0x7FF] =	sst s4;
	s13 =	smul.u32 $0x14000, s0  }
0x7: {  	s17 =	sadd.s32 $0x6CE00, s5;
	s6 =	sor.u32 s12, s30;
	s7 =	ssub.s32 $0x2, s12  }
0x8: {  	_ =	strace $0x8000004D;
	s20 =	smul.u32 $0x140000, s12;
	p0 =	seq.s32 s12, $0x0  }
0x9: {  	s12 =	simm.s32 $0x63;
	s6 =	smul.u32 $0x680, s6;
	s9 =	sshrl.u32 s7, $0x1  }
0xa: {  	s31 =	sshrl.u32 s8, $0x2;
	s14 =	sadd.s32 $0x4000, s13;
	s15 =	sadd.s32 $0x8000, s13  }
0xb: {  	s16 =	sadd.s32 $0xC000, s13;
	s19 =	sadd.s32 $0x10000, s13;
	s12 =	simm.s32 @!p0 $0x3B  }
0xc: {  	s18 =	ssub.s32 s7, s9;
	s7 =	sadd.s32 s15, s3;
	s8 =	sadd.s32 s16, s3  }
0xd: {  	s9 =	sadd.s32 s19, s3;
	s13 =	sadd.s32 s13, s20;
	s15 =	sadd.s32 s20, s15  }
0xe: {  	s16 =	sadd.s32 s20, s16;
	s19 =	sadd.s32 s20, s19;
	s11 =	sadd.s32 s6, s5  }
0xf: {  	s5 =	sadd.s32 s31, s3;
	s6 =	sadd.s32 s14, s3;
	s13 =	sshrl.u32 s13, $0x3  }
0x10: {  	s14 =	sadd.s32 s20, s14;
	s15 =	sshrl.u32 s15, $0x3;
	s16 =	sshrl.u32 s16, $0x3  }
0x11: {  	s19 =	sshrl.u32 s19, $0x3;
	s18 =	smax.u32 s18, $0x1;
	s20 =	simm.s32 $0x2  }
0x12: {  	s10 =	sadd.s32 $0x52E00, s11;
	s11 =	sadd.s32 $0x5FE00, s11;
	s13 =	sadd.s32 s17, s13  }
0x13: {  	s14 =	sshrl.u32 s14, $0x3;
	s15 =	sadd.s32 s17, s15;
	s16 =	sadd.s32 s17, s16  }
0x14: {  	v0 =	vimm.f32 $0.0e+00;
	s14 =	sadd.s32 s17, s14;
	s17 =	sadd.s32 s17, s19;
	s19 =	simm.s32 $0x6800  }
.LBB2_1:
0x15: {  	s23 =	simm.s32 $0x0;
	s24 =	simm.s32 $0x200  }
.LBB2_2:
0x16: {  	p0 =	sne.s32 s24, $0xFE00;
	[tilespmem:s23+$0x6870] =	vst v0  }
0x17: {  	[tilespmem:s23+$0x6800] =	vst v0  }
0x18: {  	[tilespmem:s23+$0x6810] =	vst v0  }
.Ltmp0:
0x19: {  	[tilespmem:s23+$0x6820] =	vst v0;
	(pc) =	sbr.rel @p0 .LBB2_2-.Ltmp0, $4  }
0x1a: {  	[tilespmem:s23+$0x6830] =	vst v0  }
0x1b: {  	[tilespmem:s23+$0x6840] =	vst v0  }
0x1c: {  	[tilespmem:s23+$0x6850] =	vst v0  }
0x1d: {  	[tilespmem:s23+$0x6860] =	vst v0;
	s23 =	sshra.s32 s24, $0x2;
	s24 =	sadd.s32 $0x200, s24  }
0x1e: {  	[tilespmem:s23+$0x6870] =	vst v0  }
0x1f: {  	[tilespmem:s23+$0x6800] =	vst v0  }
0x20: {  	[tilespmem:s23+$0x6810] =	vst v0  }
0x21: {  	[tilespmem:s23+$0x6820] =	vst v0  }
0x22: {  	[tilespmem:s23+$0x6830] =	vst v0  }
0x23: {  	[tilespmem:s23+$0x6840] =	vst v0  }
0x24: {  	[tilespmem:s23+$0x6850] =	vst v0  }
0x25: {  	[tilespmem:s23+$0x6860] =	vst v0  }
0x26: {  	[spmem:s5] =	stream.linear.scatter [tilespmem:s19], [sflag:$0x2], $0x4000, $0x38;
	[tilespmem:$0x1E800] =	vst v63  }
0x27: {  	_ =	swait.ge [sflag:s20], $0x4000  }
0x28: {  	[sflag:s20] =	ssyncset.done $0x0  }
0x29: {  	[sflag:s20] =	ssyncadd.s32 $0xFFFFC000  }
0x2a: {  	[spmem:s6] =	stream.linear.scatter [tilespmem:s19], [sflag:$0x2], $0x4000, $0x38;
	[tilespmem:$0x1E800] =	vst v63  }
0x2b: {  	_ =	swait.ge [sflag:s20], $0x4000  }
0x2c: {  	[sflag:s20] =	ssyncset.done $0x0  }
0x2d: {  	[sflag:s20] =	ssyncadd.s32 $0xFFFFC000  }
0x2e: {  	[spmem:s7] =	stream.linear.scatter [tilespmem:s19], [sflag:$0x2], $0x4000, $0x38;
	[tilespmem:$0x1E800] =	vst v63  }
0x2f: {  	_ =	swait.ge [sflag:s20], $0x4000  }
0x30: {  	[sflag:s20] =	ssyncset.done $0x0  }
0x31: {  	[sflag:s20] =	ssyncadd.s32 $0xFFFFC000  }
0x32: {  	[spmem:s8] =	stream.linear.scatter [tilespmem:s19], [sflag:$0x2], $0x4000, $0x38;
	[tilespmem:$0x1E800] =	vst v63  }
0x33: {  	_ =	swait.ge [sflag:s20], $0x4000  }
0x34: {  	[sflag:s20] =	ssyncset.done $0x0  }
0x35: {  	[sflag:s20] =	ssyncadd.s32 $0xFFFFC000  }
0x36: {  	[spmem:s9] =	stream.linear.scatter [tilespmem:s19], [sflag:$0x2], $0x4000, $0x38;
	[tilespmem:$0x1E800] =	vst v63  }
0x37: {  	_ =	swait.ge [sflag:s20], $0x4000  }
0x38: {  	[sflag:s20] =	ssyncset.done $0x0  }
0x39: {  	s23 =	simm.s32 $0x0;
	[sflag:s20] =	ssyncadd.s32 $0xFFFFC000  }
0x3a: {  	[tilespmem:s23], [sflag:$0x2] =	stream.linear.gather [hbm4b:s10+s23], $0x3180, $0x38;
	[tilespmem:$0x1E800] =	vst v63  }
0x3b: {  	_ =	swait.ge [sflag:s20], $0x3180  }
0x3c: {  	[sflag:s20] =	ssyncset.done $0x0  }
0x3d: {  	s24 =	simm.s32 $0x3400;
	[sflag:s20] =	ssyncadd.s32 $0xFFFFCE80  }
0x3e: {  	[tilespmem:s24], [sflag:$0x2] =	stream.linear.gather [hbm4b:s11+s23], $0x3180, $0x38;
	[tilespmem:$0x1E800] =	vst v63  }
0x3f: {  	_ =	swait.ge [sflag:s20], $0x3180  }
0x40: {  	[sflag:s20] =	ssyncset.done $0x0  }
0x41: {  	[sflag:s20] =	ssyncadd.s32 $0xFFFFCE80  }
0x42: {  	[bflag:$0x0] =	sbarrier.arrive $0xFFFF  }
0x43: {  	[tilespmem:s19], [sflag:$0x1] =	stream.indirect.gather [hbm4b:s1+s21], $0x80, s23, s21, $0xb8;
	[tilespmem:$0x1E800] =	vst v63  }
0x44: {  	p0 =	sne.s32 s12, $0x1;
	_ =	swait.ge [sflag:s22], $0x4000  }
.Ltmp1:
0x45: {  	[sflag:s22] =	ssyncset.done $0x0;
	(pc) =	sbr.rel @!p0 .LBB2_5-.Ltmp1, $4  }
0x46: {  	[sflag:s22] =	ssyncadd.s32 $0xFFFFC000  }
0x47: {  	[spmem:s3] =	stream.indirect.scatter.add.f32 [tilespmem:s19], [sflag:$0x2], $0x80, s24, s21, $0xb8;
	[tilespmem:$0x1E800] =	vst v63  }
0x48: {  	_ =	swait.ge [sflag:s20], $0x4000  }
0x49: {  	s25 =	sadd.s32 $0xFFFFFFFF, s12;
	[sflag:s20] =	ssyncset.done $0x0  }
.LBB2_4:
0x4a: {  	[sflag:s20] =	ssyncadd.s32 $0xFFFFC000;
	s23 =	sadd.s32 $0x80, s23;
	s24 =	sadd.s32 $0x80, s24  }
0x4b: {  	[tilespmem:s19], [sflag:$0x1] =	stream.indirect.gather [hbm4b:s1+s21], $0x80, s23, s21, $0xb8;
	[tilespmem:$0x1E800] =	vst v63  }
0x4c: {  	p0 =	sne.s32 s25, $0x1;
	s25 =	sadd.s32 $0xFFFFFFFF, s25;
	_ =	swait.ge [sflag:s22], $0x4000  }
.Ltmp2:
0x4d: {  	[sflag:s22] =	ssyncset.done $0x0;
	(pc) =	sbr.rel @p0 .LBB2_4-.Ltmp2, $4  }
0x4e: {  	[sflag:s22] =	ssyncadd.s32 $0xFFFFC000  }
0x4f: {  	[spmem:s3] =	stream.indirect.scatter.add.f32 [tilespmem:s19], [sflag:$0x2], $0x80, s24, s21, $0xb8;
	[tilespmem:$0x1E800] =	vst v63  }
0x50: {  	_ =	swait.ge [sflag:s20], $0x4000  }
0x51: {  	[sflag:s20] =	ssyncset.done $0x0  }
.LBB2_5:
0x52: {  	[sflag:s20] =	ssyncadd.s32 $0xFFFFC000;
	s23 =	sshll.u32 s0, $0x6  }
0x53: {  	s24 =	sshrl.u32 s5, $0x3;
	[bflag:$0x0] =	sbarrier.arrive $0xFFFF;
	s23 =	sor.u32 $0x1C02, s23  }
0x54: {  	[hbm:s13], [sflag:s23] =	dma.local [spmem:s24], $0x800  }
0x55: {  	_ =	swait.ge [sflag:s20], $0x800  }
0x56: {  	[sflag:s20] =	ssyncset.done $0x0  }
0x57: {  	s28 =	sshrl.u32 s6, $0x3;
	[sflag:s20] =	ssyncadd.s32 $0xFFFFF800  }
0x58: {  	[hbm:s14], [sflag:s23] =	dma.local [spmem:s28], $0x800  }
0x59: {  	_ =	swait.ge [sflag:s20], $0x800  }
0x5a: {  	[sflag:s20] =	ssyncset.done $0x0  }
0x5b: {  	s29 =	sshrl.u32 s7, $0x3;
	[sflag:s20] =	ssyncadd.s32 $0xFFFFF800  }
0x5c: {  	[hbm:s15], [sflag:s23] =	dma.local [spmem:s29], $0x800  }
0x5d: {  	_ =	swait.ge [sflag:s20], $0x800  }
0x5e: {  	[sflag:s20] =	ssyncset.done $0x0  }
0x5f: {  	s30 =	sshrl.u32 s8, $0x3;
	[sflag:s20] =	ssyncadd.s32 $0xFFFFF800  }
0x60: {  	[hbm:s16], [sflag:s23] =	dma.local [spmem:s30], $0x800  }
0x61: {  	s4 =	sadd.s32 $0x1, s4;
	_ =	swait.ge [sflag:s20], $0x800  }
0x62: {  	p0 =	sne.s32 s4, s18;
	[sflag:s20] =	ssyncset.done $0x0  }
.Ltmp3:
0x63: {  	s31 =	sshrl.u32 s9, $0x3;
	[sflag:s20] =	ssyncadd.s32 $0xFFFFF800;
	(pc) =	sbr.rel @p0 .LBB2_1-.Ltmp3, $4  }
0x64: {  	[hbm:s17], [sflag:s23] =	dma.local [spmem:s31], $0x800  }
0x65: {  	_ =	swait.ge [sflag:s20], $0x800  }
0x66: {  	[sflag:s20] =	ssyncset.done $0x0  }
0x67: {  	[sflag:s20] =	ssyncadd.s32 $0xFFFFF800  }
0x68: {  	_ =	sfence.sel $0x180000  }
0x69: {  	[bflag:$0x0] =	sbarrier.arrive $0xFFFF  }
0x6a: {  	p0 =	sne.s32 s0, $0x0;
	_ =	strace $0x9000004D  }
0x6b: {  	s0 =	sadd.s32 @!p0 $0x100000, s2;
	[bflag:$0x2] =	sbarrier.arrive $0xFFFF  }
0x6c: {  	[sflag:s0] =	ssyncadd.tile.s32 @!p0 $0x1;
	_ =	shalt  }
.Lfunc_end2:
_tile_overlayer_lowered:
.L_overlay_start_2:
0x6d: {  	(tag) =	ssettag $0x2  }
0x6e: {  	s0 =	rddreg [dreg:$0x0];
	s2 =	stileid.u32  }
0x6f: {  	s1 =	rddreg [dreg:$0x1];
	p0 =	sne.s32 s2, $0x0  }
0x70: {  	s3 =	rddreg [dreg:$0x2];
	[bflag:$0x3] =	sbarrier.arrive $0xFFFF;
	s2 =	simm.s32 @!p0 $0x1C02  }
0x71: {  	[timem:s3], [sflag:s2] =	dma.local @!p0 [hbm:s0], s1  }
0x72: {  	s0 =	simm.s32 @!p0 $0x2  }
0x73: {  	_ =	swait.ge @!p0 [sflag:s0], s1  }
0x74: {  	s1 =	ssub.s32 @!p0 $0x0, s1;
	[sflag:s0] =	ssyncset.done @!p0 $0x0  }
0x75: {  	[sflag:s0] =	ssyncadd.s32 @!p0 s1  }
0x76: {  	[bflag:$0x3] =	sbarrier.arrive $0xFFFF  }
0x77: {  	_ =	shalt  }

// kernel: kernel.9.cloned.1.call-start
scs
__scs_entry_jumppad:
0x0: {  	(pc) =	sbr.rel $0x88, $3  }
0x1: {  	(tag) =	ssettag $0x0;
	lr =	simm.s32 $0x1  }
0x2: {  	[smem:$0x3F9B] =	sst lr;
	_ =	strace $0xD0000000  }
0x3: {  	_ = 	snop  }
0x4: {  	_ = 	snop  }
0x5: {  	_ = 	snop  }
0x6: {  	_ = 	snop  }
0x7: {  	_ = 	snop  }
__scs_overlays_trampoline_lowered:
0x8: {  	[smem:$0x3FAA] =	sst s0  }
0x9: {  	[smem:$0x3FAB] =	sst s1  }
0xa: {  	[smem:$0x3FAC] =	sst s2  }
0xb: {  	[smem:$0x3FAD] =	sst s3  }
0xc: {  	[smem:$0x3FAE] =	sst s4  }
0xd: {  	[smem:$0x3FAF] =	sst s5  }
0xe: {  	[smem:$0x3FB0] =	sst s6  }
0xf: {  	[smem:$0x3FB1] =	sst s7  }
0x10: {  	[smem:$0x3FB2] =	sst s8  }
0x11: {  	[smem:$0x3FB3] =	sst s9;
	s0 =	simm.s32 @!p0 $0x0  }
0x12: {  	s1 =	sld [smem:$0x3F99];
	s0 =	simm.s32 @p0 $0x1  }
0x13: {  	[smem:$0x3FB4] =	sst s0;
	s0 =	simm.s32 @!p1 $0x0  }
0x14: {  	s2 =	sld [smem:$0x3F98];
	s0 =	simm.s32 @p1 $0x1  }
0x15: {  	[smem:$0x3FB5] =	sst s0;
	s0 =	simm.s32 @!p2 $0x0  }
0x16: {  	s3 =	sld [smem:$0x3FDB];
	s0 =	simm.s32 @p2 $0x1  }
0x17: {  	s4 =	simm.s32 $0x1BF5;
	[smem:$0x3FB7] =	sst s0  }
0x18: {  	s0 =	sld [smem:$0x3F9A];
	_ =	swait.ge [sflag:s4], $0x0  }
0x19: {  	s7 =	sld [smem:$0x3F9B]  }
0x1a: {  	s8 =	sadd.s32 $0xFFFFE003, lr  }
0x1b: {  	s9 =	sadd.s32 $0xFFFFFEF7, lr;
	s5 =	simm.s32 $0xFFFFFFFF;
	p2 =	slt.u32 s8, $0xFFFFF086  }
0x1c: {  	p1 =	slt.u32 s9, $0xF7A;
	s5 =	simm.s32 @!p2 $0x0  }
0x1d: {  	s5 =	simm.s32 @p1 $0x1;
	p0 =	seq.s32 s7, s2  }
0x1e: {  	s7 =	smul.u32 @!p0 $0xF7A, s2;
	p2 =	seq.s32 @!p0 s5, $0x0  }
0x1f: {  	s9 =	smul.u32 $0xF7A, s1;
	s8 =	simm.s32 @!p0 $0x1BF5;
	p2 =	por !p2, p0  }
0x20: {  	[sflag:s8] =	ssyncset.s32 @!p0 $0xFFFFF086;
	s6 =	sadd.s32 @!p0 s3, s7;
	s7 =	simm.s32 @!p0 $0x108  }
0x21: {  	s3 =	sadd.s32 s3, s9;
	s6 =	sadd.s32 @!p0 $0x88, s6;
	s7 =	simm.s32 @p2 $0x1082  }
0x22: {  	[simem:s7], [sflag:s8] =	dma.local @!p0 [hbm:s6], $0xF7A  }
0x23: {  	s9 =	sor.u32 $0xD0000000, s2;
	s6 =	simm.s32 $0x108;
	_ =	swait.ge @!p0 [sflag:s8], $0x0  }
0x24: {  	s3 =	sadd.s32 $0x88, s3;
	s6 =	simm.s32 @!p1 $0x1082;
	[sflag:s4] =	ssyncset.s32 $0xFFFFF086  }
0x25: {  	[simem:s6], [sflag:s4] =	dma.local [hbm:s3], $0xF7A  }
0x26: {  	[smem:$0x3F9B] =	sst s1;
	(tag) =	ssettag s2;
	_ =	strace s9  }
0x27: {  	s1 =	sld [smem:$0x3FAB]  }
0x28: {  	s2 =	sld [smem:$0x3FAC]  }
0x29: {  	s4 =	sld [smem:$0x3FAE]  }
0x2a: {  	p0 =	seq.s32 s5, $0x0;
	s5 =	sld [smem:$0x3FAF]  }
0x2b: {  	s6 =	sld [smem:$0x3FB0]  }
0x2c: {  	s7 =	sld [smem:$0x3FB1]  }
0x2d: {  	s3 =	simm.s32 $0x108;
	s8 =	sld [smem:$0x3FB2]  }
0x2e: {  	s3 =	simm.s32 @!p0 $0x1082;
	s9 =	sld [smem:$0x3FB3]  }
0x2f: {  	lr =	sadd.s32 s0, s3;
	s0 =	sld [smem:$0x3FAA]  }
0x30: {  	s3 =	sld [smem:$0x3FAD]  }
0x31: {  	[smem:$0x3FB6] =	sst s10  }
0x32: {  	s10 =	sld [smem:$0x3FB4];
	_ =	sdelay $0x3  }
0x33: {  	p0 =	seq.s32 s10, $0x1;
	s10 =	sld [smem:$0x3FB6];
	_ =	sdelay $0x3  }
0x34: {  	[smem:$0x3FB6] =	sst s10  }
0x35: {  	s10 =	sld [smem:$0x3FB5];
	_ =	sdelay $0x3  }
0x36: {  	p1 =	seq.s32 s10, $0x1;
	s10 =	sld [smem:$0x3FB6];
	_ =	sdelay $0x3  }
0x37: {  	[smem:$0x3FB6] =	sst s10  }
0x38: {  	s10 =	sld [smem:$0x3FB7]  }
0x39: {  	_ = 	snop;
	(pc) =	sbr.ind lr, $3  }
0x3a: {  	_ = 	snop  }
0x3b: {  	_ = 	snop  }
0x3c: {  	p2 =	seq.s32 s10, $0x1;
	s10 =	sld [smem:$0x3FB6]  }
0x3d: {  	_ =	shalt  }
0x3e: {  	_ =	shalt  }
0x3f: {  	_ =	shalt  }
0x40: {  	_ =	shalt  }
0x41: {  	_ =	shalt  }
0x42: {  	_ =	shalt  }
0x43: {  	_ =	shalt  }
0x44: {  	_ =	shalt  }
0x45: {  	_ =	shalt  }
0x46: {  	_ =	shalt  }
0x47: {  	_ =	shalt  }
0x48: {  	_ =	shalt  }
0x49: {  	_ =	shalt  }
0x4a: {  	_ =	shalt  }
0x4b: {  	_ =	shalt  }
0x4c: {  	_ =	shalt  }
0x4d: {  	_ =	shalt  }
0x4e: {  	_ =	shalt  }
0x4f: {  	_ =	shalt  }
0x50: {  	_ =	shalt  }
0x51: {  	_ =	shalt  }
0x52: {  	_ =	shalt  }
0x53: {  	_ =	shalt  }
0x54: {  	_ =	shalt  }
0x55: {  	_ =	shalt  }
0x56: {  	_ =	shalt  }
0x57: {  	_ =	shalt  }
0x58: {  	_ =	shalt  }
0x59: {  	_ =	shalt  }
0x5a: {  	_ =	shalt  }
0x5b: {  	_ =	shalt  }
0x5c: {  	_ =	shalt  }
0x5d: {  	_ =	shalt  }
0x5e: {  	_ =	shalt  }
0x5f: {  	_ =	shalt  }
0x60: {  	_ =	shalt  }
0x61: {  	_ =	shalt  }
0x62: {  	_ =	shalt  }
0x63: {  	_ =	shalt  }
0x64: {  	_ =	shalt  }
0x65: {  	_ =	shalt  }
0x66: {  	_ =	shalt  }
0x67: {  	_ =	shalt  }
0x68: {  	_ =	shalt  }
0x69: {  	_ =	shalt  }
0x6a: {  	_ =	shalt  }
0x6b: {  	_ =	shalt  }
0x6c: {  	_ =	shalt  }
0x6d: {  	_ =	shalt  }
0x6e: {  	_ =	shalt  }
0x6f: {  	_ =	shalt  }
0x70: {  	_ =	shalt  }
0x71: {  	_ =	shalt  }
0x72: {  	_ =	shalt  }
0x73: {  	_ =	shalt  }
0x74: {  	_ =	shalt  }
0x75: {  	_ =	shalt  }
0x76: {  	_ =	shalt  }
0x77: {  	_ =	shalt  }
0x78: {  	_ =	shalt  }
0x79: {  	_ =	shalt  }
0x7a: {  	_ =	shalt  }
0x7b: {  	_ =	shalt  }
0x7c: {  	_ =	shalt  }
0x7d: {  	_ =	shalt  }
0x7e: {  	_ =	shalt  }
0x7f: {  	_ =	shalt  }
0x80: {  	_ =	shalt  }
0x81: {  	_ =	shalt  }
0x82: {  	_ =	shalt  }
0x83: {  	_ =	shalt  }
0x84: {  	_ =	shalt  }
0x85: {  	_ =	shalt  }
0x86: {  	_ =	shalt  }
0x87: {  	_ =	shalt  }
.Lfunc_end0:
.L_simem_size_0:
called_computation_lowered:
.L_overlay_start_0:
0x88: {  	s2 =	sld [smem:$0x3FD9]  }
0x89: {  	s3 =	sld [smem:$0x3FFE];
	_ =	sdelay $0x1  }
0x8a: {  	s1 =	srdreg.scid  }
0x8b: {  	s0 =	sand.u32 $0x1, s1  }
0x8c: {  	s17 =	sshll.u32 s0, $0xA;
	s2 =	sadd.s32 s3, s2  }
0x8d: {  	s2 =	sadd.s32 s2, s17  }
0x8e: {  	[smem:$0x3FC2] =	sst s2  }
0x8f: {  	_ = 	snop  }
0x90: {  	s2 =	sld [smem:$0x3FD0];
	(tm) =	ssettm $0x1  }
0x91: {  	s18 =	sld [smem:$0x3FFB];
	_ =	sdelay $0x3  }
0x92: {  	_ =	strace s18  }
0x93: {  	s3 =	sld [smem:$0x3FFC];
	_ =	sdelay $0x3  }
0x94: {  	_ =	strace s3  }
0x95: {  	s3 =	sld [smem:$0x3FFD];
	_ =	sdelay $0x3  }
0x96: {  	_ =	strace s3  }
0x97: {  	_ =	strace $0x8FFFFFFF  }
0x98: {  	s19 =	sld [smem:$0x3FDB];
	_ =	sdelay $0x1  }
0x99: {  	s4 =	simm.s32 $_scs_section_size  }
0x9a: {  	s5 =	simm.s32 $_size__tile_overlayer_lowered;
	s6 =	simm.s32 $_tile_overlayer_lowered  }
0x9b: {  	s22 =	simm.s32 $0x1BFF;
	s21 =	sshll.u32 s6, $0x1;
	s3 =	sadd.s32 s4, s19  }
0x9c: {  	s7 =	simm.s32 $0x0;
	s20 =	sshll.u32 s5, $0x1;
	s5 =	sadd.s32 s21, s3  }
0x9d: {  	[timem:s7], [sflag:s22] =	dma.local [hbm:s5], s20  }
0x9e: {  	_ =	swait.ge [sflag:s22], s20  }
0x9f: {  	s4 =	ssub.s32 $0x0, s20;
	[sflag:s22] =	ssyncset.done $0x0  }
0xa0: {  	[sflag:s22] =	ssyncadd.s32 s4;
	_ =	sdelay $0x1  }
0xa1: {  	s23 =	simm.s32 $0x1B8B  }
0xa2: {  	_ =	swait.ge [sflag:s23], $0x1  }
0xa3: {  	[sflag:s23] =	ssyncset.done $0x0  }
0xa4: {  	s25 =	simm.s32 $0x1B8E;
	s24 =	sld [smem:$0x3FFE];
	[sflag:s23] =	ssyncadd.s32 $0xFFFFFFFF  }
0xa5: {  	s26 =	simm.s32 $execute0_lowered;
	[smem:$0x3FD2] =	sst s25  }
0xa6: {  	s5 =	sshll.u32 s26, $0x1;
	_ =	strace $0x80000046;
	[dreg:$0x1] =	wrdreg $0xFFFFFFFF  }
0xa7: {  	s28 =	simm.s32 $_size_execute0_lowered;
	s3 =	sadd.s32 s3, s5;
	[dreg:$0x0] =	wrdreg $0x0  }
0xa8: {  	s5 =	sshll.u32 s28, $0x1;
	[dreg:$0x2] =	wrdreg s3  }
0xa9: {  	[dreg:$0x3] =	wrdreg s5  }
0xaa: {  	[dreg:$0x4] =	wrdreg $0xC0  }
0xab: {  	_ =	task [dreg:s7], $0x5FFFF  }
0xac: {  	[dreg:$0x1] =	wrdreg $0xFFFFFFFF  }
0xad: {  	[dreg:$0x0] =	wrdreg $0x60  }
0xae: {  	[dreg:$0x2] =	wrdreg s2  }
0xaf: {  	[dreg:$0x3] =	wrdreg s24  }
0xb0: {  	[dreg:$0x4] =	wrdreg $0x68000  }
0xb1: {  	[dreg:$0x5] =	wrdreg $0x9  }
0xb2: {  	_ =	task.clear_ibuf [dreg:s7], $0x6FFFF;
	_ =	strace $0x90000046  }
0xb3: {  	s29 =	simm.s32 $0x9;
	_ =	strace $0x80000048  }
0xb4: {  	_ =	swait.ge [sflag:s29], $0x1  }
0xb5: {  	[sflag:s29] =	ssyncadd.s32 $0xFFFFFFFF  }
0xb6: {  	_ =	strace $0x90000048  }
0xb7: {  	_ =	sfence  }
0xb8: {  	s30 =	sld [smem:$0x0];
	_ =	sdelay $0x2  }
0xb9: {  	s31 =	sshll.u32 s1, $0xD;
	s1 =	sshrl.u32 s1, $0x2  }
0xba: {  	s3 =	sand.u32 $0x4000, s31;
	s1 =	sadd.s32 s1, s30  }
0xbb: {  	s0 =	sor.u32 s3, s0;
	s1 =	sshll.u32 s1, $0x11  }
0xbc: {  	s0 =	sor.u32 s1, s0  }
0xbd: {  	s0 =	sadd.s32 $0x8F2B, s0  }
0xbe: {  	[sflag:s0] =	ssyncadd.remote.s32 $0x1  }
0xbf: {  	_ =	sfence.sel $0xFFFF  }
0xc0: {  	[dreg:$0x0] =	wrdreg $0xFFFFFFFF;
	(pc) =	sbr.abs _section_cstart, $3  }
0xc1: {  	[dreg:$0x1] =	wrdreg $0xFFFFFFFF  }
0xc2: {  	_ =	task.clear_ibuf [dreg:s7], $0x2FFFF;
	_ =	strace $0x9FFFFFFF  }
0xc3: {  	(tm) =	ssettm $0x7FFFFFFF  }
tec
execute0_lowered:
.L_overlay_start_1:
0x0: {  	(tag) =	ssettag $0x1  }
0x1: {  	s9 =	rddreg [dreg:$0x0]  }
0x2: {  	s4 =	rddreg [dreg:$0x1]  }
0x3: {  	s2 =	rddreg [dreg:$0x2]  }
0x4: {  	s0 =	rddreg [dreg:$0x3];
	s1 =	stileid.u32  }
0x5: {  	s5 =	srdreg.scid;
	s3 =	simm.s32 $0x0;
	s6 =	smul.u32 $0x50000, s1  }
0x6: {  	s7 =	sand.u32 $0x1, s5;
	[smem:$0x7FF] =	sst s3;
	s10 =	smul.u32 $0x14000, s1  }
0x7: {  	s14 =	sadd.s32 $0x2E00, s4;
	s29 =	sshll.u32 s1, $0x1;
	s5 =	ssub.s32 $0x2, s7  }
0x8: {  	_ =	strace $0x80000047;
	s30 =	sor.u32 s7, s29;
	s16 =	smul.u32 $0x140000, s7  }
0x9: {  	s8 =	sshrl.u32 s5, $0x1;
	s31 =	sshrl.u32 s6, $0x2;
	s11 =	sadd.s32 $0x4000, s10  }
0xa: {  	s12 =	sadd.s32 $0x8000, s10;
	s13 =	sadd.s32 $0xC000, s10;
	s17 =	sadd.s32 $0x10000, s10  }
0xb: {  	s18 =	smul.u32 $0x500, s30;
	s15 =	ssub.s32 s5, s8;
	s4 =	sadd.s32 s31, s2  }
0xc: {  	s5 =	sadd.s32 s11, s2;
	s6 =	sadd.s32 s12, s2;
	s7 =	sadd.s32 s13, s2  }
0xd: {  	s8 =	sadd.s32 s17, s2;
	s10 =	sadd.s32 s10, s16;
	s11 =	sadd.s32 s16, s11  }
0xe: {  	s12 =	sadd.s32 s16, s12;
	s13 =	sadd.s32 s16, s13;
	s16 =	sadd.s32 s16, s17  }
0xf: {  	s17 =	simm.s32 $0x1;
	s9 =	sadd.s32 s9, s18;
	s10 =	sshrl.u32 s10, $0x3  }
0x10: {  	s11 =	sshrl.u32 s11, $0x3;
	s12 =	sshrl.u32 s12, $0x3;
	s13 =	sshrl.u32 s13, $0x3  }
0x11: {  	s16 =	sshrl.u32 s16, $0x3;
	s15 =	smax.u32 s15, $0x1;
	s18 =	simm.s32 $0x80  }
0x12: {  	s10 =	sadd.s32 s14, s10;
	s11 =	sadd.s32 s14, s11;
	s12 =	sadd.s32 s14, s12  }
0x13: {  	v0 =	vimm.f32 $0.0e+00;
	v1 =	vimm.f32 $1.000000000e+00;
	s13 =	sadd.s32 s14, s13;
	s14 =	sadd.s32 s14, s16;
	s16 =	simm.s32 $0x2800  }
.LBB2_1:
0x14: {  	s19 =	simm.s32 $0x0;
	s20 =	simm.s32 $0x200  }
.LBB2_2:
0x15: {  	p0 =	sne.s32 s20, $0xFE00;
	[tilespmem:s19+$0x2870] =	vst v0  }
0x16: {  	[tilespmem:s19+$0x2800] =	vst v0  }
0x17: {  	[tilespmem:s19+$0x2810] =	vst v0  }
.Ltmp0:
0x18: {  	[tilespmem:s19+$0x2820] =	vst v0;
	(pc) =	sbr.rel @p0 .LBB2_2-.Ltmp0, $4  }
0x19: {  	[tilespmem:s19+$0x2830] =	vst v0  }
0x1a: {  	[tilespmem:s19+$0x2840] =	vst v0  }
0x1b: {  	[tilespmem:s19+$0x2850] =	vst v0  }
0x1c: {  	[tilespmem:s19+$0x2860] =	vst v0;
	s19 =	sshra.s32 s20, $0x2;
	s20 =	sadd.s32 $0x200, s20  }
0x1d: {  	[tilespmem:s19+$0x2870] =	vst v0  }
0x1e: {  	[tilespmem:s19+$0x2800] =	vst v0  }
0x1f: {  	[tilespmem:s19+$0x2810] =	vst v0  }
0x20: {  	[tilespmem:s19+$0x2820] =	vst v0  }
0x21: {  	[tilespmem:s19+$0x2830] =	vst v0  }
0x22: {  	[tilespmem:s19+$0x2840] =	vst v0  }
0x23: {  	[tilespmem:s19+$0x2850] =	vst v0  }
0x24: {  	[tilespmem:s19+$0x2860] =	vst v0  }
0x25: {  	[spmem:s4] =	stream.linear.scatter [tilespmem:s16], [sflag:$0x1], $0x4000, $0x38;
	[tilespmem:$0x1A800] =	vst v63  }
0x26: {  	_ =	swait.ge [sflag:s17], $0x4000  }
0x27: {  	[sflag:s17] =	ssyncset.done $0x0  }
0x28: {  	[sflag:s17] =	ssyncadd.s32 $0xFFFFC000  }
0x29: {  	[spmem:s5] =	stream.linear.scatter [tilespmem:s16], [sflag:$0x1], $0x4000, $0x38;
	[tilespmem:$0x1A800] =	vst v63  }
0x2a: {  	_ =	swait.ge [sflag:s17], $0x4000  }
0x2b: {  	[sflag:s17] =	ssyncset.done $0x0  }
0x2c: {  	[sflag:s17] =	ssyncadd.s32 $0xFFFFC000  }
0x2d: {  	[spmem:s6] =	stream.linear.scatter [tilespmem:s16], [sflag:$0x1], $0x4000, $0x38;
	[tilespmem:$0x1A800] =	vst v63  }
0x2e: {  	_ =	swait.ge [sflag:s17], $0x4000  }
0x2f: {  	[sflag:s17] =	ssyncset.done $0x0  }
0x30: {  	[sflag:s17] =	ssyncadd.s32 $0xFFFFC000  }
0x31: {  	[spmem:s7] =	stream.linear.scatter [tilespmem:s16], [sflag:$0x1], $0x4000, $0x38;
	[tilespmem:$0x1A800] =	vst v63  }
0x32: {  	_ =	swait.ge [sflag:s17], $0x4000  }
0x33: {  	[sflag:s17] =	ssyncset.done $0x0  }
0x34: {  	[sflag:s17] =	ssyncadd.s32 $0xFFFFC000  }
0x35: {  	[spmem:s8] =	stream.linear.scatter [tilespmem:s16], [sflag:$0x1], $0x4000, $0x38;
	[tilespmem:$0x1A800] =	vst v63  }
0x36: {  	_ =	swait.ge [sflag:s17], $0x4000  }
0x37: {  	[sflag:s17] =	ssyncset.done $0x0  }
0x38: {  	s19 =	simm.s32 $0x0;
	s20 =	simm.s32 $0x200;
	[sflag:s17] =	ssyncadd.s32 $0xFFFFC000  }
.LBB2_4:
0x39: {  	p0 =	sne.s32 s20, $0xFE00;
	[tilespmem:s19+$0x2870] =	vst v1  }
0x3a: {  	[tilespmem:s19+$0x2800] =	vst v1  }
0x3b: {  	[tilespmem:s19+$0x2810] =	vst v1  }
.Ltmp1:
0x3c: {  	[tilespmem:s19+$0x2820] =	vst v1;
	(pc) =	sbr.rel @p0 .LBB2_4-.Ltmp1, $4  }
0x3d: {  	[tilespmem:s19+$0x2830] =	vst v1  }
0x3e: {  	[tilespmem:s19+$0x2840] =	vst v1  }
0x3f: {  	[tilespmem:s19+$0x2850] =	vst v1  }
0x40: {  	[tilespmem:s19+$0x2860] =	vst v1;
	s19 =	sshra.s32 s20, $0x2;
	s20 =	sadd.s32 $0x200, s20  }
0x41: {  	[tilespmem:s19+$0x2870] =	vst v1  }
0x42: {  	[tilespmem:s19+$0x2800] =	vst v1  }
0x43: {  	[tilespmem:s19+$0x2810] =	vst v1  }
0x44: {  	[tilespmem:s19+$0x2820] =	vst v1  }
0x45: {  	[tilespmem:s19+$0x2830] =	vst v1  }
0x46: {  	[tilespmem:s19+$0x2840] =	vst v1  }
0x47: {  	[tilespmem:s19+$0x2850] =	vst v1  }
0x48: {  	[tilespmem:s19+$0x2860] =	vst v1;
	s30 =	simm.s32 $0x0  }
0x49: {  	[tilespmem:s30], [sflag:$0x1] =	stream.linear.gather [hbm4b:s9+s30], $0x2780, $0x38;
	[tilespmem:$0x1A800] =	vst v63  }
0x4a: {  	_ =	swait.ge [sflag:s17], $0x2780  }
0x4b: {  	[sflag:s17] =	ssyncset.done $0x0  }
0x4c: {  	[sflag:s17] =	ssyncadd.s32 $0xFFFFD880  }
0x4d: {  	s31 =	simm.s32 $0x0;
	[bflag:$0x0] =	sbarrier.arrive $0xFFFF  }
0x4e: {  	[spmem:s2] =	stream.indirect.scatter.add.f32 [tilespmem:s16], [sflag:$0x1], $0x80, s31, s18, $0xb8;
	[tilespmem:$0x1A800] =	vst v63  }
0x4f: {  	_ =	swait.ge [sflag:s17], $0x4000  }
0x50: {  	s19 =	simm.s32 $0x200;
	[sflag:s17] =	ssyncset.done $0x0  }
.LBB2_6:
0x51: {  	s20 =	sshra.s32 s19, $0x2;
	[sflag:s17] =	ssyncadd.s32 $0xFFFFC000;
	p0 =	sne.s32 s19, $0x9C00  }
0x52: {  	[spmem:s2] =	stream.indirect.scatter.add.f32 [tilespmem:s16], [sflag:$0x1], $0x80, s20, s18, $0xb8;
	[tilespmem:$0x1A800] =	vst v63  }
.Ltmp2:
0x53: {  	_ = 	snop;
	(pc) =	sbr.rel @p0 .LBB2_6-.Ltmp2, $4  }
0x54: {  	_ = 	snop  }
0x55: {  	s19 =	sadd.s32 $0x200, s19  }
0x56: {  	_ =	swait.ge [sflag:s17], $0x4000  }
0x57: {  	[sflag:s17] =	ssyncset.done $0x0  }
0x58: {  	[sflag:s17] =	ssyncadd.s32 $0xFFFFC000;
	s19 =	sshll.u32 s1, $0x6  }
0x59: {  	s20 =	sshrl.u32 s4, $0x3;
	[bflag:$0x0] =	sbarrier.arrive $0xFFFF;
	s19 =	sor.u32 $0x1C01, s19  }
0x5a: {  	[hbm:s10], [sflag:s19] =	dma.local [spmem:s20], $0x800  }
0x5b: {  	_ =	swait.ge [sflag:s17], $0x800  }
0x5c: {  	[sflag:s17] =	ssyncset.done $0x0  }
0x5d: {  	s28 =	sshrl.u32 s5, $0x3;
	[sflag:s17] =	ssyncadd.s32 $0xFFFFF800  }
0x5e: {  	[hbm:s11], [sflag:s19] =	dma.local [spmem:s28], $0x800  }
0x5f: {  	_ =	swait.ge [sflag:s17], $0x800  }
0x60: {  	[sflag:s17] =	ssyncset.done $0x0  }
0x61: {  	s29 =	sshrl.u32 s6, $0x3;
	[sflag:s17] =	ssyncadd.s32 $0xFFFFF800  }
0x62: {  	[hbm:s12], [sflag:s19] =	dma.local [spmem:s29], $0x800  }
0x63: {  	_ =	swait.ge [sflag:s17], $0x800  }
0x64: {  	[sflag:s17] =	ssyncset.done $0x0  }
0x65: {  	s30 =	sshrl.u32 s7, $0x3;
	[sflag:s17] =	ssyncadd.s32 $0xFFFFF800  }
0x66: {  	[hbm:s13], [sflag:s19] =	dma.local [spmem:s30], $0x800  }
0x67: {  	s3 =	sadd.s32 $0x1, s3;
	_ =	swait.ge [sflag:s17], $0x800  }
0x68: {  	p0 =	sne.s32 s3, s15;
	[sflag:s17] =	ssyncset.done $0x0  }
.Ltmp3:
0x69: {  	s31 =	sshrl.u32 s8, $0x3;
	[sflag:s17] =	ssyncadd.s32 $0xFFFFF800;
	(pc) =	sbr.rel @p0 .LBB2_1-.Ltmp3, $4  }
0x6a: {  	[hbm:s14], [sflag:s19] =	dma.local [spmem:s31], $0x800  }
0x6b: {  	_ =	swait.ge [sflag:s17], $0x800  }
0x6c: {  	[sflag:s17] =	ssyncset.done $0x0  }
0x6d: {  	[sflag:s17] =	ssyncadd.s32 $0xFFFFF800  }
0x6e: {  	_ =	sfence.sel $0x180000  }
0x6f: {  	[bflag:$0x0] =	sbarrier.arrive $0xFFFF  }
0x70: {  	p0 =	sne.s32 s1, $0x0;
	_ =	strace $0x90000047  }
0x71: {  	s0 =	sadd.s32 @!p0 $0x100000, s0;
	[bflag:$0x2] =	sbarrier.arrive $0xFFFF  }
0x72: {  	[sflag:s0] =	ssyncadd.tile.s32 @!p0 $0x1;
	_ =	shalt  }
.Lfunc_end2:
_tile_overlayer_lowered:
.L_overlay_start_2:
0x73: {  	(tag) =	ssettag $0x2  }
0x74: {  	s0 =	rddreg [dreg:$0x0];
	s2 =	stileid.u32  }
0x75: {  	s1 =	rddreg [dreg:$0x1];
	p0 =	sne.s32 s2, $0x0  }
0x76: {  	s3 =	rddreg [dreg:$0x2];
	[bflag:$0x3] =	sbarrier.arrive $0xFFFF;
	s2 =	simm.s32 @!p0 $0x1C01  }
0x77: {  	[timem:s3], [sflag:s2] =	dma.local @!p0 [hbm:s0], s1  }
0x78: {  	s0 =	simm.s32 @!p0 $0x1  }
0x79: {  	_ =	swait.ge @!p0 [sflag:s0], s1  }
0x7a: {  	s1 =	ssub.s32 @!p0 $0x0, s1;
	[sflag:s0] =	ssyncset.done @!p0 $0x0  }
0x7b: {  	[sflag:s0] =	ssyncadd.s32 @!p0 s1  }
0x7c: {  	[bflag:$0x3] =	sbarrier.arrive $0xFFFF  }
0x7d: {  	_ =	shalt  }

</sc_bundles>
